<compile_context>
chip_gen: v7x
topology: tpu7x:2x2x1
jax: 0.10.2.dev20260603
libtpu: 0.0.44.dev20260713+nightly
codegen_flags: <defaults>
</compile_context>

<pallas_src>
import jax
import jax.numpy as jnp
from jax import lax
from jax.experimental import pallas as pl
from jax.experimental.pallas import tpu as pltpu
from jax.experimental.pallas import tpu_sc as plsc

_N = 10000
_NG = 64
_NC = 10
_NW = 32
_CH = 128
_NACC = 10240
_RPS = _NACC // 16


def _leaky(z):
  return jnp.maximum(z, 0.0) + 0.2 * jnp.minimum(z, 0.0)


def _splat8(vec, eq8):
  return jnp.full((16,), jnp.sum(jnp.where(eq8, vec, 0.0), axis=0))


def _k1_body(x_ref, w_ref, as_ref, ad_ref, t1_ref, d1_ref):
  h = jnp.dot(x_ref[...], w_ref[...], preferred_element_type=jnp.float32)
  asrc = jnp.dot(h, as_ref[...], preferred_element_type=jnp.float32)
  adst = jnp.dot(h, ad_ref[...], preferred_element_type=jnp.float32)
  t1_ref[...] = jnp.concatenate([h, asrc, asrc], axis=1)
  d1_ref[...] = jnp.concatenate([adst, adst], axis=1)


def _k1(x, W1, A1s, A1d):
  br = 1000
  grid = _N // br
  return pl.pallas_call(
      _k1_body,
      grid=(grid,),
      in_specs=[
          pl.BlockSpec((br, 128), lambda i: (i, 0)),
          pl.BlockSpec((128, 64), lambda i: (0, 0)),
          pl.BlockSpec((64, 8), lambda i: (0, 0)),
          pl.BlockSpec((64, 8), lambda i: (0, 0)),
      ],
      out_specs=[
          pl.BlockSpec((br, 80), lambda i: (i, 0)),
          pl.BlockSpec((br, 16), lambda i: (i, 0)),
      ],
      out_shape=[
          jax.ShapeDtypeStruct((_N, 80), jnp.float32),
          jax.ShapeDtypeStruct((_N, 16), jnp.float32),
      ],
  )(x, W1, A1s, A1d)


def _edge_pass(width, nchunks):
  mesh = plsc.VectorSubcoreMesh(core_axis_name="c", subcore_axis_name="s")
  assert nchunks % 2 == 0
  k2 = nchunks // 2

  def body(t_hbm, d_hbm, idx_hbm, acc_hbm,
           idxall, sbufA, sbufB, dbufA, dbufB, mbufA, mbufB, accs,
           gsemA, gsemB, ssemA, ssemB):
    c = lax.axis_index("c")
    s = lax.axis_index("s")
    wid = c * 16 + s
    lane = lax.iota(jnp.int32, 16)
    lt8 = lane < 8
    eq8 = lane == 8
    zero16 = (lane * 0).astype(jnp.float32)

    pltpu.sync_copy(idx_hbm.at[wid], idxall)

    def zrow(r, _):
      for j in range(width // 16):
        mbufA[r, j * 16:(j + 1) * 16] = zero16
      return 0
    lax.fori_loop(0, _CH, zrow, 0)
    for t in range(_RPS // _CH):
      pltpu.sync_copy(mbufA, accs.at[pl.ds(s * _RPS + t * _CH, _CH)])
    plsc.subcore_barrier()

    def gathers(k, sbuf, dbuf, gsem):
      pltpu.async_copy(t_hbm.at[idxall.at[k, 0]], sbuf, gsem)
      pltpu.async_copy(d_hbm.at[idxall.at[k, 1]], dbuf, gsem)

    def wait_gathers(k, sbuf, dbuf, gsem):
      pltpu.make_async_copy(t_hbm.at[idxall.at[k, 0]], sbuf, gsem).wait()
      pltpu.make_async_copy(d_hbm.at[idxall.at[k, 1]], dbuf, gsem).wait()

    def wait_scatter(k, mbuf, ssem):
      pltpu.make_async_copy(mbuf, accs.at[idxall.at[k, 1]], ssem).wait()

    if width == 80:
      def one_row(r, sbuf, dbuf, mbuf):
        asr = sbuf[r, 64:80]
        ads = dbuf[r, 0:16]
        e16 = jnp.exp(_leaky(asr + ads))
        for j in range(4):
          mbuf[r, j * 16:(j + 1) * 16] = e16 * sbuf[r, j * 16:(j + 1) * 16]
        mbuf[r, 64:80] = jnp.where(lt8, e16, 0.0)
    else:
      def one_row(r, sbuf, dbuf, mbuf):
        v = sbuf[r, 0:16]
        w = dbuf[r, 0:16]
        e16 = jnp.exp(_leaky(_splat8(v + w, eq8)))
        mbuf[r, 0:16] = jnp.where(lt8, e16 * v, jnp.where(eq8, e16, 0.0))

    def compute(sbuf, dbuf, mbuf):
      @plsc.parallel_loop(0, _CH, 1, unroll=8)
      def _rows(r):
        one_row(r, sbuf, dbuf, mbuf)

    gathers(0, sbufA, dbufA, gsemA)

    def pair(i, _):
      ka = 2 * i
      kb = 2 * i + 1
      gathers(kb, sbufB, dbufB, gsemB)
      wait_gathers(ka, sbufA, dbufA, gsemA)
      pl.when(i > 0)(lambda: wait_scatter(ka, mbufA, ssemA))
      compute(sbufA, dbufA, mbufA)
      pltpu.async_copy(mbufA, accs.at[idxall.at[ka, 1]], ssemA, add=True)
      pl.when(i < k2 - 1)(lambda: gathers(ka + 2, sbufA, dbufA, gsemA))
      wait_gathers(kb, sbufB, dbufB, gsemB)
      pl.when(i > 0)(lambda: wait_scatter(kb, mbufB, ssemB))
      compute(sbufB, dbufB, mbufB)
      pltpu.async_copy(mbufB, accs.at[idxall.at[kb, 1]], ssemB, add=True)
      return 0

    lax.fori_loop(0, k2, pair, 0)
    wait_scatter(nchunks - 2, mbufA, ssemA)
    wait_scatter(nchunks - 1, mbufB, ssemB)
    plsc.subcore_barrier()
    for t in range(_RPS // _CH):
      r0 = s * _RPS + t * _CH
      pltpu.sync_copy(accs.at[pl.ds(r0, _CH)], acc_hbm.at[c, pl.ds(r0, _CH)])

  return pl.kernel(
      body,
      out_type=jax.ShapeDtypeStruct((2, _NACC, width), jnp.float32),
      mesh=mesh,
      scratch_types=[
          pltpu.VMEM((nchunks, 2, _CH), jnp.int32),
          pltpu.VMEM((_CH, width), jnp.float32),
          pltpu.VMEM((_CH, width), jnp.float32),
          pltpu.VMEM((_CH, 16), jnp.float32),
          pltpu.VMEM((_CH, 16), jnp.float32),
          pltpu.VMEM((_CH, width), jnp.float32),
          pltpu.VMEM((_CH, width), jnp.float32),
          pltpu.VMEM_SHARED((_NACC, width), jnp.float32),
          pltpu.SemaphoreType.DMA,
          pltpu.SemaphoreType.DMA,
          pltpu.SemaphoreType.DMA,
          pltpu.SemaphoreType.DMA,
      ],
      compiler_params=pltpu.CompilerParams(use_tc_tiling_on_sc=False,
                                           needs_layout_passes=False),
  )


def _k3_body(acc_ref, r_ref, b1_ref, w2_ref, as2_ref, ad2_ref,
             t2s_ref, t2d_ref):
  a = acc_ref[0] + acc_ref[1]
  msg = a[:, 0:64]
  den = jnp.dot(a[:, 64:72], r_ref[...], preferred_element_type=jnp.float32)
  z = msg / (den + 1e-16) + b1_ref[0, :]
  z = jnp.where(z > 0, z, jnp.exp(jnp.minimum(z, 0.0)) - 1.0)
  h2 = jnp.dot(z, w2_ref[...], preferred_element_type=jnp.float32)
  asrc = jnp.dot(h2, as2_ref[...], preferred_element_type=jnp.float32)
  adst = jnp.dot(h2, ad2_ref[...], preferred_element_type=jnp.float32)
  z7 = jnp.zeros((h2.shape[0], 7), jnp.float32)
  z8 = jnp.zeros((h2.shape[0], 8), jnp.float32)
  t2s_ref[...] = jnp.concatenate([h2, asrc, z7], axis=1)
  t2d_ref[...] = jnp.concatenate([z8, adst, z7], axis=1)


def _k3(acc1, R, b1, W2, as2, ad2):
  br = 1000
  grid = _N // br
  return pl.pallas_call(
      _k3_body,
      grid=(grid,),
      in_specs=[
          pl.BlockSpec((2, br, 80), lambda i: (0, i, 0)),
          pl.BlockSpec((8, 64), lambda i: (0, 0)),
          pl.BlockSpec((1, 64), lambda i: (0, 0)),
          pl.BlockSpec((64, 8), lambda i: (0, 0)),
          pl.BlockSpec((8, 1), lambda i: (0, 0)),
          pl.BlockSpec((8, 1), lambda i: (0, 0)),
      ],
      out_specs=[
          pl.BlockSpec((br, 16), lambda i: (i, 0)),
          pl.BlockSpec((br, 16), lambda i: (i, 0)),
      ],
      out_shape=[
          jax.ShapeDtypeStruct((_N, 16), jnp.float32),
          jax.ShapeDtypeStruct((_N, 16), jnp.float32),
      ],
  )(acc1, R, b1, W2, as2, ad2)


def _k5_body(acc_ref, batch_ref, p8_ref, b2_ref, f1w_ref, f1b_ref,
             f2w_ref, f2b_ref, o_ref):
  a = acc_ref[0] + acc_ref[1]
  msg = a[0:_N, 0:8]
  den = jnp.dot(a[0:_N, 8:16], p8_ref[...], preferred_element_type=jnp.float32)
  h = msg / (den + 1e-16) + b2_ref[0, :]
  gid = lax.broadcasted_iota(jnp.int32, (_N, _NG), 1)
  bm = (batch_ref[...] == gid).astype(jnp.float32)
  dn = (((0,), (0,)), ((), ()))
  ssum = lax.dot_general(bm, h, dn, preferred_element_type=jnp.float32)
  cnt = lax.dot_general(bm, jnp.ones((_N, 1), jnp.float32), dn,
                        preferred_element_type=jnp.float32)
  g = ssum / jnp.maximum(cnt, 1.0)
  g = jnp.maximum(
      jnp.dot(g, f1w_ref[...], preferred_element_type=jnp.float32)
      + f1b_ref[0, :], 0.0)
  g = jnp.dot(g, f2w_ref[...], preferred_element_type=jnp.float32) \
      + f2b_ref[0, :]
  m = jnp.max(g, axis=1, keepdims=True)
  o_ref[...] = g - (jnp.log(jnp.sum(jnp.exp(g - m), axis=1, keepdims=True))
                    + m)


def _k5(acc2, batch2, P8, b2, fc1_w, fc1_b, fc2_w, fc2_b):
  return pl.pallas_call(
      _k5_body,
      in_specs=[
          pl.BlockSpec((2, _NACC, 16), lambda: (0, 0, 0)),
          pl.BlockSpec((_N, 1), lambda: (0, 0)),
          pl.BlockSpec((8, 8), lambda: (0, 0)),
          pl.BlockSpec((1, 8), lambda: (0, 0)),
          pl.BlockSpec((8, 20), lambda: (0, 0)),
          pl.BlockSpec((1, 20), lambda: (0, 0)),
          pl.BlockSpec((20, 10), lambda: (0, 0)),
          pl.BlockSpec((1, 10), lambda: (0, 0)),
      ],
      out_specs=pl.BlockSpec((_NG, _NC), lambda: (0, 0)),
      out_shape=jax.ShapeDtypeStruct((_NG, _NC), jnp.float32),
  )(acc2, batch2, P8, b2, fc1_w, fc1_b, fc2_w, fc2_b)


def kernel(x, edge_index, batch, W1, a_src1, a_dst1, b1, W2, a_src2, a_dst2,
           b2, fc1_w, fc1_b, fc2_w, fc2_b):
  e = edge_index.shape[1]
  ea = e + _N
  nchunks = -(-ea // (_NW * _CH))
  nchunks += nchunks % 2
  epad = _NW * nchunks * _CH

  sl = jnp.arange(_N, dtype=jnp.int32)
  padi = _N + (jnp.arange(epad - ea, dtype=jnp.int32) % (_NACC - _N))
  srcp = jnp.concatenate([edge_index[0], sl, padi])
  dstp = jnp.concatenate([edge_index[1], sl, padi])
  idxp = jnp.stack([srcp.reshape(_NW, nchunks, _CH),
                    dstp.reshape(_NW, nchunks, _CH)], axis=2)

  eye8 = jnp.eye(8, dtype=jnp.float32)
  W1dm = W1.reshape(128, 8, 8).transpose(0, 2, 1).reshape(128, 64)
  b1dm = b1.reshape(8, 8).transpose(1, 0).reshape(1, 64)
  W2dm = W2.reshape(8, 8, 8).transpose(1, 0, 2).reshape(64, 8)
  A1s = (a_src1.T[:, :, None] * eye8[None, :, :]).reshape(64, 8)
  A1d = (a_dst1.T[:, :, None] * eye8[None, :, :]).reshape(64, 8)
  R = jnp.tile(eye8, (1, 8))
  P8 = jnp.zeros((8, 8), jnp.float32).at[0, :].set(1.0)
  as2 = a_src2.reshape(8, 1)
  ad2 = a_dst2.reshape(8, 1)

  t1, d1 = _k1(x, W1dm, A1s, A1d)
  t1p = jnp.zeros((_NACC, 80), jnp.float32).at[:_N].set(t1)
  d1p = jnp.zeros((_NACC, 16), jnp.float32).at[:_N].set(d1)

  acc1 = _edge_pass(80, nchunks)(t1p, d1p, idxp)

  t2s, t2d = _k3(acc1, R, b1dm, W2dm, as2, ad2)
  t2sp = jnp.zeros((_NACC, 16), jnp.float32).at[:_N].set(t2s)
  t2dp = jnp.zeros((_NACC, 16), jnp.float32).at[:_N].set(t2d)

  acc2 = _edge_pass(16, nchunks)(t2sp, t2dp, idxp)

  return _k5(acc2, batch.reshape(_N, 1), P8, b2.reshape(1, 8),
             fc1_w, fc1_b.reshape(1, 20), fc2_w, fc2_b.reshape(1, 10))

# --- scband reference (transcript-rebuilt; emitter-appended) ---
"""Pipeline reference for scband-gat-11647951307428 (READ-ONLY COPY).

The authoritative reference and input builder live on the scoring server;
editing this copy changes nothing except your own understanding.
"""

import jax, jax.numpy as jnp
import numpy as np

N = 10000
E = 320000
DIN = 128
HID = 8
H1 = 8
H2 = 1
NG = 64
NC = 10


def setup_inputs(seed: int = 0) -> dict:
    key = jax.random.key(seed)
    ks = jax.random.split(key, 16)
    x = jax.random.normal(ks[0], (N, DIN), dtype=jnp.float32)
    edge_index = jax.random.randint(ks[1], (2, E), 0, N, dtype=jnp.int32)
    batch = jnp.sort(jax.random.randint(ks[2], (N,), 0, NG, dtype=jnp.int32))
    s = 0.1
    W1 = jax.random.normal(ks[3], (DIN, H1 * HID), dtype=jnp.float32) * s
    a_src1 = jax.random.normal(ks[4], (H1, HID), dtype=jnp.float32) * s
    a_dst1 = jax.random.normal(ks[5], (H1, HID), dtype=jnp.float32) * s
    b1 = jnp.zeros((H1 * HID,), dtype=jnp.float32)
    W2 = jax.random.normal(ks[6], (H1 * HID, H2 * HID), dtype=jnp.float32) * s
    a_src2 = jax.random.normal(ks[7], (H2, HID), dtype=jnp.float32) * s
    a_dst2 = jax.random.normal(ks[8], (H2, HID), dtype=jnp.float32) * s
    b2 = jnp.zeros((HID,), dtype=jnp.float32)
    fc1_w = jax.random.normal(ks[9], (HID, 20), dtype=jnp.float32) * s
    fc1_b = jnp.zeros((20,), dtype=jnp.float32)
    fc2_w = jax.random.normal(ks[10], (20, NC), dtype=jnp.float32) * s
    fc2_b = jnp.zeros((NC,), dtype=jnp.float32)
    return {"x": x, "edge_index": edge_index, "batch": batch,
            "W1": W1, "a_src1": a_src1, "a_dst1": a_dst1, "b1": b1,
            "W2": W2, "a_src2": a_src2, "a_dst2": a_dst2, "b2": b2,
            "fc1_w": fc1_w, "fc1_b": fc1_b, "fc2_w": fc2_w, "fc2_b": fc2_b}


def gat_conv(x, ei, W, a_src, a_dst, b, heads, oc, concat):
    n = x.shape[0]
    sl = jnp.arange(n, dtype=ei.dtype)
    src = jnp.concatenate([ei[0], sl])
    dst = jnp.concatenate([ei[1], sl])
    h = (x @ W).reshape(n, heads, oc)
    asrc = (h * a_src[None]).sum(-1)
    adst = (h * a_dst[None]).sum(-1)
    alpha = jax.nn.leaky_relu(asrc[src] + adst[dst], 0.2)
    m = jax.lax.stop_gradient(jax.ops.segment_max(alpha, dst, num_segments=n))
    e = jnp.exp(alpha - m[dst])
    ssum = jax.ops.segment_sum(e, dst, num_segments=n)
    a = e / (ssum[dst] + 1e-16)
    out = jax.ops.segment_sum(h[src] * a[..., None], dst, num_segments=n)
    out = out.reshape(n, heads * oc) if concat else out.mean(axis=1)
    return out + b


def reference(x, edge_index, batch, W1, a_src1, a_dst1, b1, W2, a_src2, a_dst2, b2, fc1_w, fc1_b, fc2_w, fc2_b):
    # dropout layers are identity in eval mode
    h = gat_conv(x, edge_index, W1, a_src1, a_dst1, b1, H1, HID, True)
    h = jax.nn.elu(h)
    h = gat_conv(h, edge_index, W2, a_src2, a_dst2, b2, H2, HID, False)
    ssum = jax.ops.segment_sum(h, batch, num_segments=NG)
    cnt = jax.ops.segment_sum(jnp.ones((h.shape[0], 1), h.dtype), batch, num_segments=NG)
    g = ssum / jnp.maximum(cnt, 1.0)
    g = jax.nn.relu(g @ fc1_w + fc1_b)
    g = g @ fc2_w + fc2_b
    return jax.nn.log_softmax(g, axis=1)

if __name__ == "__main__":
    import jax
    _d = setup_inputs()
    print(jax.jit(kernel)(*tuple(_d.values())))

</pallas_src>

<mosaic_0001>
#map = affine_map<(d0, d1) -> (0, 0)>
#map1 = affine_map<(d0, d1) -> (0, 0, 0, 0)>
#map2 = affine_map<(d0, d1) -> (0, 0, 0)>
module attributes {stable_mosaic.version = 14 : i64} {
  func.func @body(%arg0: i32, %arg1: i32, %arg2: memref<10240x80xf32, #tpu.memory_space<hbm>>, %arg3: memref<10240x16xf32, #tpu.memory_space<hbm>>, %arg4: memref<32x82x2x128xi32, #tpu.memory_space<hbm>>, %arg5: memref<2x10240x80xf32, #tpu.memory_space<hbm>>, %arg6: memref<82x2x128xi32, #tpu.memory_space<vmem>>, %arg7: memref<128x80xf32, #tpu.memory_space<vmem>>, %arg8: memref<128x80xf32, #tpu.memory_space<vmem>>, %arg9: memref<128x16xf32, #tpu.memory_space<vmem>>, %arg10: memref<128x16xf32, #tpu.memory_space<vmem>>, %arg11: memref<128x80xf32, #tpu.memory_space<vmem>>, %arg12: memref<128x80xf32, #tpu.memory_space<vmem>>, %arg13: memref<10240x80xf32, #tpu.memory_space<vmem_shared>>, %arg14: memref<!tpu.dma_semaphore, #tpu.memory_space<semaphore_mem>>, %arg15: memref<!tpu.dma_semaphore, #tpu.memory_space<semaphore_mem>>, %arg16: memref<!tpu.dma_semaphore, #tpu.memory_space<semaphore_mem>>, %arg17: memref<!tpu.dma_semaphore, #tpu.memory_space<semaphore_mem>>) attributes {dimension_semantics = [#tpu.dimension_semantics<core_parallel>, #tpu.dimension_semantics<subcore_parallel>], iteration_bounds = array<i64: 2, 16>, scalar_prefetch = 0 : i64, scratch_operands = 12 : i64, tpu.core_type = #tpu.core_type<sc_vector_subcore>, window_params = [{transform_indices = #map}, {transform_indices = #map}, {transform_indices = #map1}, {transform_indices = #map2}]} {
    %mul3A = arith.constant 16 : i32
    %mul3A_0 = arith.muli %arg0, %mul3A : i32
    %add3A = arith.addi %mul3A_0, %arg1 : i32
    %iota3A = tpu.iota {dimensions = array<i32: 0>} : vector<16xi32>
    %lt3A = arith.constant 8 : i32
    %lt3A_1 = vector.broadcast %lt3A : i32 to vector<16xi32>
    %lt3A_2 = arith.cmpi slt, %iota3A, %lt3A_1 : vector<16xi32>
    %eq3A = arith.constant 8 : i32
    %eq3A_3 = vector.broadcast %eq3A : i32 to vector<16xi32>
    %eq3A_4 = arith.cmpi eq, %iota3A, %eq3A_3 : vector<16xi32>
    %mul3A_5 = arith.constant 0 : i32
    %mul3A_6 = vector.broadcast %mul3A_5 : i32 to vector<16xi32>
    %mul3A_7 = arith.muli %iota3A, %mul3A_6 : vector<16xi32>
    %convert_element_type3A = arith.sitofp %mul3A_7 : vector<16xi32> to vector<16xf32>
    "tpu.region"() ({
      %run_scoped3A = tpu.sem_alloc : memref<!tpu.dma_semaphore, #tpu.memory_space<semaphore_mem>>
      %dma_start3A_92 = arith.constant 0 : i32
      %dma_start3A_93 = arith.constant 0 : i32
      %dma_start3A_94 = arith.constant 0 : i32
      %dma_start3A_95 = tpu.memref_slice %arg4[%add3A, %dma_start3A_92, %dma_start3A_93, %dma_start3A_94] : memref<32x82x2x128xi32, #tpu.memory_space<hbm>> -> memref<1x82x2x128xi32, #tpu.memory_space<hbm>>
      %dma_start3A_96 = tpu.memref_squeeze %dma_start3A_95 : memref<1x82x2x128xi32, #tpu.memory_space<hbm>> -> memref<82x2x128xi32, #tpu.memory_space<hbm>>
      %dma_start3A_97 = arith.constant 0 : i32
      %dma_start3A_98 = arith.constant 0 : i32
      %dma_start3A_99 = arith.constant 0 : i32
      %dma_start3A_100 = tpu.memref_slice %arg4[%add3A, %dma_start3A_97, %dma_start3A_98, %dma_start3A_99] : memref<32x82x2x128xi32, #tpu.memory_space<hbm>> -> memref<1x82x2x128xi32, #tpu.memory_space<hbm>>
      %dma_start3A_101 = tpu.memref_squeeze %dma_start3A_100 : memref<1x82x2x128xi32, #tpu.memory_space<hbm>> -> memref<82x2x128xi32, #tpu.memory_space<hbm>>
      tpu.enqueue_dma source(%dma_start3A_101 : memref<82x2x128xi32, #tpu.memory_space<hbm>>) target(%arg6 : memref<82x2x128xi32, #tpu.memory_space<vmem>>) target_semaphore(%run_scoped3A : memref<!tpu.dma_semaphore, #tpu.memory_space<semaphore_mem>>)
      %dma_wait3A_102 = arith.constant 0 : i32
      %dma_wait3A_103 = arith.constant 0 : i32
      %dma_wait3A_104 = arith.constant 0 : i32
      %dma_wait3A_105 = tpu.memref_slice %arg4[%add3A, %dma_wait3A_102, %dma_wait3A_103, %dma_wait3A_104] : memref<32x82x2x128xi32, #tpu.memory_space<hbm>> -> memref<1x82x2x128xi32, #tpu.memory_space<hbm>>
      %dma_wait3A_106 = tpu.memref_squeeze %dma_wait3A_105 : memref<1x82x2x128xi32, #tpu.memory_space<hbm>> -> memref<82x2x128xi32, #tpu.memory_space<hbm>>
      %dma_wait3A_107 = arith.constant 0 : i32
      %dma_wait3A_108 = arith.constant 0 : i32
      %dma_wait3A_109 = arith.constant 0 : i32
      %dma_wait3A_110 = tpu.memref_slice %arg4[%add3A, %dma_wait3A_107, %dma_wait3A_108, %dma_wait3A_109] : memref<32x82x2x128xi32, #tpu.memory_space<hbm>> -> memref<1x82x2x128xi32, #tpu.memory_space<hbm>>
      %dma_wait3A_111 = tpu.memref_squeeze %dma_wait3A_110 : memref<1x82x2x128xi32, #tpu.memory_space<hbm>> -> memref<82x2x128xi32, #tpu.memory_space<hbm>>
      tpu.wait_dma2 semaphore(%run_scoped3A : memref<!tpu.dma_semaphore, #tpu.memory_space<semaphore_mem>>) src(%dma_wait3A_111 : memref<82x2x128xi32, #tpu.memory_space<hbm>>) dst(%arg6 : memref<82x2x128xi32, #tpu.memory_space<vmem>>)
      tpu.yield
    }) : () -> ()
    %scan3A = arith.constant 0 : i32
    %scan3A_8 = arith.constant 0 : i32
    %scan3A_9 = arith.constant 128 : i32
    %scan3A_10 = arith.addi %scan3A_8, %scan3A_9 : i32
    %scan3A_11 = arith.constant 1 : i32
    %scan3A_12 = scf.for %scan3A_92 = %scan3A_8 to %scan3A_10 step %scan3A_11 iter_args(%scan3A_93 = %scan3A) -> (i32)  : i32 {
      %swap3A = arith.index_cast %scan3A_92 : i32 to index
      %swap3A_94 = arith.constant 0 : index
      %swap3A_95 = tpu.vector_load %arg11[%swap3A, %swap3A_94] {strides = array<i32>} : memref<128x80xf32, #tpu.memory_space<vmem>>, vector<16xf32>,
      tpu.vector_store %arg11[%swap3A, %swap3A_94], %convert_element_type3A {strides = array<i32>} : memref<128x80xf32, #tpu.memory_space<vmem>>, vector<16xf32>,
      %swap3A_96 = arith.index_cast %scan3A_92 : i32 to index
      %swap3A_97 = arith.constant 16 : index
      %swap3A_98 = tpu.vector_load %arg11[%swap3A_96, %swap3A_97] {strides = array<i32>} : memref<128x80xf32, #tpu.memory_space<vmem>>, vector<16xf32>,
      tpu.vector_store %arg11[%swap3A_96, %swap3A_97], %convert_element_type3A {strides = array<i32>} : memref<128x80xf32, #tpu.memory_space<vmem>>, vector<16xf32>,
      %swap3A_99 = arith.index_cast %scan3A_92 : i32 to index
      %swap3A_100 = arith.constant 32 : index
      %swap3A_101 = tpu.vector_load %arg11[%swap3A_99, %swap3A_100] {strides = array<i32>} : memref<128x80xf32, #tpu.memory_space<vmem>>, vector<16xf32>,
      tpu.vector_store %arg11[%swap3A_99, %swap3A_100], %convert_element_type3A {strides = array<i32>} : memref<128x80xf32, #tpu.memory_space<vmem>>, vector<16xf32>,
      %swap3A_102 = arith.index_cast %scan3A_92 : i32 to index
      %swap3A_103 = arith.constant 48 : index
      %swap3A_104 = tpu.vector_load %arg11[%swap3A_102, %swap3A_103] {strides = array<i32>} : memref<128x80xf32, #tpu.memory_space<vmem>>, vector<16xf32>,
      tpu.vector_store %arg11[%swap3A_102, %swap3A_103], %convert_element_type3A {strides = array<i32>} : memref<128x80xf32, #tpu.memory_space<vmem>>, vector<16xf32>,
      %swap3A_105 = arith.index_cast %scan3A_92 : i32 to index
      %swap3A_106 = arith.constant 64 : index
      %swap3A_107 = tpu.vector_load %arg11[%swap3A_105, %swap3A_106] {strides = array<i32>} : memref<128x80xf32, #tpu.memory_space<vmem>>, vector<16xf32>,
      tpu.vector_store %arg11[%swap3A_105, %swap3A_106], %convert_element_type3A {strides = array<i32>} : memref<128x80xf32, #tpu.memory_space<vmem>>, vector<16xf32>,
      %scan3A_108 = arith.constant 0 : i32
      scf.yield %scan3A_108 : i32
    }
    %scan3A_13 = arith.constant 128 : i32
    %mul3A_14 = arith.constant 640 : i32
    %mul3A_15 = arith.muli %arg1, %mul3A_14 : i32
    %add3A_16 = arith.constant 0 : i32
    %add3A_17 = arith.addi %mul3A_15, %add3A_16 : i32
    "tpu.region"() ({
      %run_scoped3A = tpu.sem_alloc : memref<!tpu.dma_semaphore, #tpu.memory_space<semaphore_mem>>
      %dma_start3A_92 = arith.constant 0 : i32
      %dma_start3A_93 = tpu.memref_slice %arg13[%add3A_17, %dma_start3A_92] : memref<10240x80xf32, #tpu.memory_space<vmem_shared>> -> memref<128x80xf32, #tpu.memory_space<vmem_shared>>
      %dma_start3A_94 = arith.constant 0 : i32
      %dma_start3A_95 = tpu.memref_slice %arg13[%add3A_17, %dma_start3A_94] : memref<10240x80xf32, #tpu.memory_space<vmem_shared>> -> memref<128x80xf32, #tpu.memory_space<vmem_shared>>
      tpu.enqueue_dma source(%arg11 : memref<128x80xf32, #tpu.memory_space<vmem>>) target(%dma_start3A_95 : memref<128x80xf32, #tpu.memory_space<vmem_shared>>) target_semaphore(%run_scoped3A : memref<!tpu.dma_semaphore, #tpu.memory_space<semaphore_mem>>)
      %dma_wait3A_96 = arith.constant 0 : i32
      %dma_wait3A_97 = tpu.memref_slice %arg13[%add3A_17, %dma_wait3A_96] : memref<10240x80xf32, #tpu.memory_space<vmem_shared>> -> memref<128x80xf32, #tpu.memory_space<vmem_shared>>
      %dma_wait3A_98 = arith.constant 0 : i32
      %dma_wait3A_99 = tpu.memref_slice %arg13[%add3A_17, %dma_wait3A_98] : memref<10240x80xf32, #tpu.memory_space<vmem_shared>> -> memref<128x80xf32, #tpu.memory_space<vmem_shared>>
      tpu.wait_dma2 semaphore(%run_scoped3A : memref<!tpu.dma_semaphore, #tpu.memory_space<semaphore_mem>>) src(%arg11 : memref<128x80xf32, #tpu.memory_space<vmem>>) dst(%dma_wait3A_99 : memref<128x80xf32, #tpu.memory_space<vmem_shared>>)
      tpu.yield
    }) : () -> ()
    %mul3A_18 = arith.constant 640 : i32
    %mul3A_19 = arith.muli %arg1, %mul3A_18 : i32
    %add3A_20 = arith.constant 128 : i32
    %add3A_21 = arith.addi %mul3A_19, %add3A_20 : i32
    "tpu.region"() ({
      %run_scoped3A = tpu.sem_alloc : memref<!tpu.dma_semaphore, #tpu.memory_space<semaphore_mem>>
      %dma_start3A_92 = arith.constant 0 : i32
      %dma_start3A_93 = tpu.memref_slice %arg13[%add3A_21, %dma_start3A_92] : memref<10240x80xf32, #tpu.memory_space<vmem_shared>> -> memref<128x80xf32, #tpu.memory_space<vmem_shared>>
      %dma_start3A_94 = arith.constant 0 : i32
      %dma_start3A_95 = tpu.memref_slice %arg13[%add3A_21, %dma_start3A_94] : memref<10240x80xf32, #tpu.memory_space<vmem_shared>> -> memref<128x80xf32, #tpu.memory_space<vmem_shared>>
      tpu.enqueue_dma source(%arg11 : memref<128x80xf32, #tpu.memory_space<vmem>>) target(%dma_start3A_95 : memref<128x80xf32, #tpu.memory_space<vmem_shared>>) target_semaphore(%run_scoped3A : memref<!tpu.dma_semaphore, #tpu.memory_space<semaphore_mem>>)
      %dma_wait3A_96 = arith.constant 0 : i32
      %dma_wait3A_97 = tpu.memref_slice %arg13[%add3A_21, %dma_wait3A_96] : memref<10240x80xf32, #tpu.memory_space<vmem_shared>> -> memref<128x80xf32, #tpu.memory_space<vmem_shared>>
      %dma_wait3A_98 = arith.constant 0 : i32
      %dma_wait3A_99 = tpu.memref_slice %arg13[%add3A_21, %dma_wait3A_98] : memref<10240x80xf32, #tpu.memory_space<vmem_shared>> -> memref<128x80xf32, #tpu.memory_space<vmem_shared>>
      tpu.wait_dma2 semaphore(%run_scoped3A : memref<!tpu.dma_semaphore, #tpu.memory_space<semaphore_mem>>) src(%arg11 : memref<128x80xf32, #tpu.memory_space<vmem>>) dst(%dma_wait3A_99 : memref<128x80xf32, #tpu.memory_space<vmem_shared>>)
      tpu.yield
    }) : () -> ()
    %mul3A_22 = arith.constant 640 : i32
    %mul3A_23 = arith.muli %arg1, %mul3A_22 : i32
    %add3A_24 = arith.constant 256 : i32
    %add3A_25 = arith.addi %mul3A_23, %add3A_24 : i32
    "tpu.region"() ({
      %run_scoped3A = tpu.sem_alloc : memref<!tpu.dma_semaphore, #tpu.memory_space<semaphore_mem>>
      %dma_start3A_92 = arith.constant 0 : i32
      %dma_start3A_93 = tpu.memref_slice %arg13[%add3A_25, %dma_start3A_92] : memref<10240x80xf32, #tpu.memory_space<vmem_shared>> -> memref<128x80xf32, #tpu.memory_space<vmem_shared>>
      %dma_start3A_94 = arith.constant 0 : i32
      %dma_start3A_95 = tpu.memref_slice %arg13[%add3A_25, %dma_start3A_94] : memref<10240x80xf32, #tpu.memory_space<vmem_shared>> -> memref<128x80xf32, #tpu.memory_space<vmem_shared>>
      tpu.enqueue_dma source(%arg11 : memref<128x80xf32, #tpu.memory_space<vmem>>) target(%dma_start3A_95 : memref<128x80xf32, #tpu.memory_space<vmem_shared>>) target_semaphore(%run_scoped3A : memref<!tpu.dma_semaphore, #tpu.memory_space<semaphore_mem>>)
      %dma_wait3A_96 = arith.constant 0 : i32
      %dma_wait3A_97 = tpu.memref_slice %arg13[%add3A_25, %dma_wait3A_96] : memref<10240x80xf32, #tpu.memory_space<vmem_shared>> -> memref<128x80xf32, #tpu.memory_space<vmem_shared>>
      %dma_wait3A_98 = arith.constant 0 : i32
      %dma_wait3A_99 = tpu.memref_slice %arg13[%add3A_25, %dma_wait3A_98] : memref<10240x80xf32, #tpu.memory_space<vmem_shared>> -> memref<128x80xf32, #tpu.memory_space<vmem_shared>>
      tpu.wait_dma2 semaphore(%run_scoped3A : memref<!tpu.dma_semaphore, #tpu.memory_space<semaphore_mem>>) src(%arg11 : memref<128x80xf32, #tpu.memory_space<vmem>>) dst(%dma_wait3A_99 : memref<128x80xf32, #tpu.memory_space<vmem_shared>>)
      tpu.yield
    }) : () -> ()
    %mul3A_26 = arith.constant 640 : i32
    %mul3A_27 = arith.muli %arg1, %mul3A_26 : i32
    %add3A_28 = arith.constant 384 : i32
    %add3A_29 = arith.addi %mul3A_27, %add3A_28 : i32
    "tpu.region"() ({
      %run_scoped3A = tpu.sem_alloc : memref<!tpu.dma_semaphore, #tpu.memory_space<semaphore_mem>>
      %dma_start3A_92 = arith.constant 0 : i32
      %dma_start3A_93 = tpu.memref_slice %arg13[%add3A_29, %dma_start3A_92] : memref<10240x80xf32, #tpu.memory_space<vmem_shared>> -> memref<128x80xf32, #tpu.memory_space<vmem_shared>>
      %dma_start3A_94 = arith.constant 0 : i32
      %dma_start3A_95 = tpu.memref_slice %arg13[%add3A_29, %dma_start3A_94] : memref<10240x80xf32, #tpu.memory_space<vmem_shared>> -> memref<128x80xf32, #tpu.memory_space<vmem_shared>>
      tpu.enqueue_dma source(%arg11 : memref<128x80xf32, #tpu.memory_space<vmem>>) target(%dma_start3A_95 : memref<128x80xf32, #tpu.memory_space<vmem_shared>>) target_semaphore(%run_scoped3A : memref<!tpu.dma_semaphore, #tpu.memory_space<semaphore_mem>>)
      %dma_wait3A_96 = arith.constant 0 : i32
      %dma_wait3A_97 = tpu.memref_slice %arg13[%add3A_29, %dma_wait3A_96] : memref<10240x80xf32, #tpu.memory_space<vmem_shared>> -> memref<128x80xf32, #tpu.memory_space<vmem_shared>>
      %dma_wait3A_98 = arith.constant 0 : i32
      %dma_wait3A_99 = tpu.memref_slice %arg13[%add3A_29, %dma_wait3A_98] : memref<10240x80xf32, #tpu.memory_space<vmem_shared>> -> memref<128x80xf32, #tpu.memory_space<vmem_shared>>
      tpu.wait_dma2 semaphore(%run_scoped3A : memref<!tpu.dma_semaphore, #tpu.memory_space<semaphore_mem>>) src(%arg11 : memref<128x80xf32, #tpu.memory_space<vmem>>) dst(%dma_wait3A_99 : memref<128x80xf32, #tpu.memory_space<vmem_shared>>)
      tpu.yield
    }) : () -> ()
    %mul3A_30 = arith.constant 640 : i32
    %mul3A_31 = arith.muli %arg1, %mul3A_30 : i32
    %add3A_32 = arith.constant 512 : i32
    %add3A_33 = arith.addi %mul3A_31, %add3A_32 : i32
    "tpu.region"() ({
      %run_scoped3A = tpu.sem_alloc : memref<!tpu.dma_semaphore, #tpu.memory_space<semaphore_mem>>
      %dma_start3A_92 = arith.constant 0 : i32
      %dma_start3A_93 = tpu.memref_slice %arg13[%add3A_33, %dma_start3A_92] : memref<10240x80xf32, #tpu.memory_space<vmem_shared>> -> memref<128x80xf32, #tpu.memory_space<vmem_shared>>
      %dma_start3A_94 = arith.constant 0 : i32
      %dma_start3A_95 = tpu.memref_slice %arg13[%add3A_33, %dma_start3A_94] : memref<10240x80xf32, #tpu.memory_space<vmem_shared>> -> memref<128x80xf32, #tpu.memory_space<vmem_shared>>
      tpu.enqueue_dma source(%arg11 : memref<128x80xf32, #tpu.memory_space<vmem>>) target(%dma_start3A_95 : memref<128x80xf32, #tpu.memory_space<vmem_shared>>) target_semaphore(%run_scoped3A : memref<!tpu.dma_semaphore, #tpu.memory_space<semaphore_mem>>)
      %dma_wait3A_96 = arith.constant 0 : i32
      %dma_wait3A_97 = tpu.memref_slice %arg13[%add3A_33, %dma_wait3A_96] : memref<10240x80xf32, #tpu.memory_space<vmem_shared>> -> memref<128x80xf32, #tpu.memory_space<vmem_shared>>
      %dma_wait3A_98 = arith.constant 0 : i32
      %dma_wait3A_99 = tpu.memref_slice %arg13[%add3A_33, %dma_wait3A_98] : memref<10240x80xf32, #tpu.memory_space<vmem_shared>> -> memref<128x80xf32, #tpu.memory_space<vmem_shared>>
      tpu.wait_dma2 semaphore(%run_scoped3A : memref<!tpu.dma_semaphore, #tpu.memory_space<semaphore_mem>>) src(%arg11 : memref<128x80xf32, #tpu.memory_space<vmem>>) dst(%dma_wait3A_99 : memref<128x80xf32, #tpu.memory_space<vmem_shared>>)
      tpu.yield
    }) : () -> ()
    %barrier3A = arith.constant 0 : index
    tpu.barrier barrier_id(%barrier3A)
    %dma_start3A = arith.constant 0 : i32
    %dma_start3A_34 = arith.constant 0 : i32
    %dma_start3A_35 = arith.constant 0 : i32
    %dma_start3A_36 = tpu.memref_slice %arg6[%dma_start3A, %dma_start3A_34, %dma_start3A_35] : memref<82x2x128xi32, #tpu.memory_space<vmem>> -> memref<1x1x128xi32, #tpu.memory_space<vmem>>
    %dma_start3A_37 = tpu.memref_squeeze %dma_start3A_36 : memref<1x1x128xi32, #tpu.memory_space<vmem>> -> memref<128xi32, #tpu.memory_space<vmem>>
    %dma_start3A_38 = arith.constant 0 : i32
    %dma_start3A_39 = arith.constant 0 : i32
    %dma_start3A_40 = tpu.memref_slice %arg2[%dma_start3A_38, %dma_start3A_39] : memref<10240x80xf32, #tpu.memory_space<hbm>> -> memref<10240x80xf32, #tpu.memory_space<hbm>>
    tpu.enqueue_indirect_dma source(%dma_start3A_40 : memref<10240x80xf32, #tpu.memory_space<hbm>>) target(%arg7 : memref<128x80xf32, #tpu.memory_space<vmem>>) offsets(%dma_start3A_37 : memref<128xi32, #tpu.memory_space<vmem>>) semaphore(%arg14 : memref<!tpu.dma_semaphore, #tpu.memory_space<semaphore_mem>>)
    %dma_start3A_41 = arith.constant 0 : i32
    %dma_start3A_42 = arith.constant 1 : i32
    %dma_start3A_43 = arith.constant 0 : i32
    %dma_start3A_44 = tpu.memref_slice %arg6[%dma_start3A_41, %dma_start3A_42, %dma_start3A_43] : memref<82x2x128xi32, #tpu.memory_space<vmem>> -> memref<1x1x128xi32, #tpu.memory_space<vmem>>
    %dma_start3A_45 = tpu.memref_squeeze %dma_start3A_44 : memref<1x1x128xi32, #tpu.memory_space<vmem>> -> memref<128xi32, #tpu.memory_space<vmem>>
    %dma_start3A_46 = arith.constant 0 : i32
    %dma_start3A_47 = arith.constant 0 : i32
    %dma_start3A_48 = tpu.memref_slice %arg3[%dma_start3A_46, %dma_start3A_47] : memref<10240x16xf32, #tpu.memory_space<hbm>> -> memref<10240x16xf32, #tpu.memory_space<hbm>>
    tpu.enqueue_indirect_dma source(%dma_start3A_48 : memref<10240x16xf32, #tpu.memory_space<hbm>>) target(%arg9 : memref<128x16xf32, #tpu.memory_space<vmem>>) offsets(%dma_start3A_45 : memref<128xi32, #tpu.memory_space<vmem>>) semaphore(%arg14 : memref<!tpu.dma_semaphore, #tpu.memory_space<semaphore_mem>>)
    %scan3A_49 = arith.constant 0 : i32
    %scan3A_50 = arith.constant 0 : i32
    %scan3A_51 = arith.constant 41 : i32
    %scan3A_52 = arith.addi %scan3A_50, %scan3A_51 : i32
    %scan3A_53 = arith.constant 1 : i32
    %scan3A_54 = scf.for %scan3A_92 = %scan3A_50 to %scan3A_52 step %scan3A_53 iter_args(%scan3A_93 = %scan3A_49) -> (i32)  : i32 {
      %mul3A_94 = arith.constant 2 : i32
      %mul3A_95 = arith.muli %mul3A_94, %scan3A_92 : i32
      %mul3A_96 = arith.constant 2 : i32
      %mul3A_97 = arith.muli %mul3A_96, %scan3A_92 : i32
      %add3A_98 = arith.constant 1 : i32
      %add3A_99 = arith.addi %mul3A_97, %add3A_98 : i32
      %dma_start3A_100 = arith.constant 0 : i32
      %dma_start3A_101 = arith.constant 0 : i32
      %dma_start3A_102 = tpu.memref_slice %arg6[%add3A_99, %dma_start3A_100, %dma_start3A_101] : memref<82x2x128xi32, #tpu.memory_space<vmem>> -> memref<1x1x128xi32, #tpu.memory_space<vmem>>
      %dma_start3A_103 = tpu.memref_squeeze %dma_start3A_102 : memref<1x1x128xi32, #tpu.memory_space<vmem>> -> memref<128xi32, #tpu.memory_space<vmem>>
      %dma_start3A_104 = arith.constant 0 : i32
      %dma_start3A_105 = arith.constant 0 : i32
      %dma_start3A_106 = tpu.memref_slice %arg2[%dma_start3A_104, %dma_start3A_105] : memref<10240x80xf32, #tpu.memory_space<hbm>> -> memref<10240x80xf32, #tpu.memory_space<hbm>>
      tpu.enqueue_indirect_dma source(%dma_start3A_106 : memref<10240x80xf32, #tpu.memory_space<hbm>>) target(%arg8 : memref<128x80xf32, #tpu.memory_space<vmem>>) offsets(%dma_start3A_103 : memref<128xi32, #tpu.memory_space<vmem>>) semaphore(%arg15 : memref<!tpu.dma_semaphore, #tpu.memory_space<semaphore_mem>>)
      %dma_start3A_107 = arith.constant 1 : i32
      %dma_start3A_108 = arith.constant 0 : i32
      %dma_start3A_109 = tpu.memref_slice %arg6[%add3A_99, %dma_start3A_107, %dma_start3A_108] : memref<82x2x128xi32, #tpu.memory_space<vmem>> -> memref<1x1x128xi32, #tpu.memory_space<vmem>>
      %dma_start3A_110 = tpu.memref_squeeze %dma_start3A_109 : memref<1x1x128xi32, #tpu.memory_space<vmem>> -> memref<128xi32, #tpu.memory_space<vmem>>
      %dma_start3A_111 = arith.constant 0 : i32
      %dma_start3A_112 = arith.constant 0 : i32
      %dma_start3A_113 = tpu.memref_slice %arg3[%dma_start3A_111, %dma_start3A_112] : memref<10240x16xf32, #tpu.memory_space<hbm>> -> memref<10240x16xf32, #tpu.memory_space<hbm>>
      tpu.enqueue_indirect_dma source(%dma_start3A_113 : memref<10240x16xf32, #tpu.memory_space<hbm>>) target(%arg10 : memref<128x16xf32, #tpu.memory_space<vmem>>) offsets(%dma_start3A_110 : memref<128xi32, #tpu.memory_space<vmem>>) semaphore(%arg15 : memref<!tpu.dma_semaphore, #tpu.memory_space<semaphore_mem>>)
      %dma_wait3A_114 = arith.constant 0 : i32
      %dma_wait3A_115 = arith.constant 0 : i32
      %dma_wait3A_116 = tpu.memref_slice %arg6[%mul3A_95, %dma_wait3A_114, %dma_wait3A_115] : memref<82x2x128xi32, #tpu.memory_space<vmem>> -> memref<1x1x128xi32, #tpu.memory_space<vmem>>
      %dma_wait3A_117 = tpu.memref_squeeze %dma_wait3A_116 : memref<1x1x128xi32, #tpu.memory_space<vmem>> -> memref<128xi32, #tpu.memory_space<vmem>>
      %dma_wait3A_118 = arith.constant 0 : i32
      %dma_wait3A_119 = arith.constant 0 : i32
      %dma_wait3A_120 = tpu.memref_slice %arg2[%dma_wait3A_118, %dma_wait3A_119] : memref<10240x80xf32, #tpu.memory_space<hbm>> -> memref<10240x80xf32, #tpu.memory_space<hbm>>
      tpu.wait_indirect_dma semaphore(%arg14 : memref<!tpu.dma_semaphore, #tpu.memory_space<semaphore_mem>>) src(%dma_wait3A_120 : memref<10240x80xf32, #tpu.memory_space<hbm>>) dst(%arg7 : memref<128x80xf32, #tpu.memory_space<vmem>>)
      %dma_wait3A_121 = arith.constant 1 : i32
      %dma_wait3A_122 = arith.constant 0 : i32
      %dma_wait3A_123 = tpu.memref_slice %arg6[%mul3A_95, %dma_wait3A_121, %dma_wait3A_122] : memref<82x2x128xi32, #tpu.memory_space<vmem>> -> memref<1x1x128xi32, #tpu.memory_space<vmem>>
      %dma_wait3A_124 = tpu.memref_squeeze %dma_wait3A_123 : memref<1x1x128xi32, #tpu.memory_space<vmem>> -> memref<128xi32, #tpu.memory_space<vmem>>
      %dma_wait3A_125 = arith.constant 0 : i32
      %dma_wait3A_126 = arith.constant 0 : i32
      %dma_wait3A_127 = tpu.memref_slice %arg3[%dma_wait3A_125, %dma_wait3A_126] : memref<10240x16xf32, #tpu.memory_space<hbm>> -> memref<10240x16xf32, #tpu.memory_space<hbm>>
      tpu.wait_indirect_dma semaphore(%arg14 : memref<!tpu.dma_semaphore, #tpu.memory_space<semaphore_mem>>) src(%dma_wait3A_127 : memref<10240x16xf32, #tpu.memory_space<hbm>>) dst(%arg9 : memref<128x16xf32, #tpu.memory_space<vmem>>)
      %gt3A = arith.constant 0 : i32
      %gt3A_128 = arith.cmpi sgt, %scan3A_92, %gt3A : i32
      %convert_element_type3A_129 = arith.extui %gt3A_128 : i1 to i32
      %cond3A = arith.constant 0 : i32
      %cond3A_130 = arith.cmpi ne, %convert_element_type3A_129, %cond3A : i32
      scf.if %cond3A_130 {
        %dma_wait3A_175 = arith.constant 1 : i32
        %dma_wait3A_176 = arith.constant 0 : i32
        %dma_wait3A_177 = tpu.memref_slice %arg6[%mul3A_95, %dma_wait3A_175, %dma_wait3A_176] : memref<82x2x128xi32, #tpu.memory_space<vmem>> -> memref<1x1x128xi32, #tpu.memory_space<vmem>>
        %dma_wait3A_178 = tpu.memref_squeeze %dma_wait3A_177 : memref<1x1x128xi32, #tpu.memory_space<vmem>> -> memref<128xi32, #tpu.memory_space<vmem>>
        %dma_wait3A_179 = arith.constant 0 : i32
        %dma_wait3A_180 = arith.constant 0 : i32
        %dma_wait3A_181 = tpu.memref_slice %arg13[%dma_wait3A_179, %dma_wait3A_180] : memref<10240x80xf32, #tpu.memory_space<vmem_shared>> -> memref<10240x80xf32, #tpu.memory_space<vmem_shared>>
        tpu.wait_indirect_dma semaphore(%arg16 : memref<!tpu.dma_semaphore, #tpu.memory_space<semaphore_mem>>) src(%arg11 : memref<128x80xf32, #tpu.memory_space<vmem>>) dst(%dma_wait3A_181 : memref<10240x80xf32, #tpu.memory_space<vmem_shared>>)
      } else {
      }
      %parallel_loop3A = arith.constant 0 : i32
      %parallel_loop3A_131 = arith.constant 128 : i32
      %parallel_loop3A_132 = arith.constant 1 : i32
      scf.for %parallel_loop3A_175 = %parallel_loop3A to %parallel_loop3A_131 step %parallel_loop3A_132  : i32 {
        %parallel_loop3A_176 = arith.index_cast %parallel_loop3A_175 : i32 to index
        %parallel_loop3A_177 = arith.constant 64 : index
        %parallel_loop3A_178 = tpu.vector_load %arg7[%parallel_loop3A_176, %parallel_loop3A_177] {strides = array<i32>} : memref<128x80xf32, #tpu.memory_space<vmem>>, vector<16xf32>,
        %parallel_loop3A_179 = arith.index_cast %parallel_loop3A_175 : i32 to index
        %parallel_loop3A_180 = arith.constant 0 : index
        %parallel_loop3A_181 = tpu.vector_load %arg9[%parallel_loop3A_179, %parallel_loop3A_180] {strides = array<i32>} : memref<128x16xf32, #tpu.memory_space<vmem>>, vector<16xf32>,
        %parallel_loop3A_182 = arith.addf %parallel_loop3A_178, %parallel_loop3A_181 : vector<16xf32>
        %parallel_loop3A_183 = arith.constant 0.000000e+00 : f32
        %parallel_loop3A_184 = vector.broadcast %parallel_loop3A_183 : f32 to vector<16xf32>
        %parallel_loop3A_185 = arith.maximumf %parallel_loop3A_182, %parallel_loop3A_184 : vector<16xf32>
        %parallel_loop3A_186 = arith.constant 0.000000e+00 : f32
        %parallel_loop3A_187 = vector.broadcast %parallel_loop3A_186 : f32 to vector<16xf32>
        %parallel_loop3A_188 = arith.minimumf %parallel_loop3A_182, %parallel_loop3A_187 : vector<16xf32>
        %parallel_loop3A_189 = arith.constant 2.000000e-01 : f32
        %parallel_loop3A_190 = vector.broadcast %parallel_loop3A_189 : f32 to vector<16xf32>
        %parallel_loop3A_191 = arith.mulf %parallel_loop3A_190, %parallel_loop3A_188 : vector<16xf32>
        %parallel_loop3A_192 = arith.addf %parallel_loop3A_185, %parallel_loop3A_191 : vector<16xf32>
        %parallel_loop3A_193 = math.exp %parallel_loop3A_192 : vector<16xf32>
        %parallel_loop3A_194 = arith.index_cast %parallel_loop3A_175 : i32 to index
        %parallel_loop3A_195 = arith.constant 0 : index
        %parallel_loop3A_196 = tpu.vector_load %arg7[%parallel_loop3A_194, %parallel_loop3A_195] {strides = array<i32>} : memref<128x80xf32, #tpu.memory_space<vmem>>, vector<16xf32>,
        %parallel_loop3A_197 = arith.mulf %parallel_loop3A_193, %parallel_loop3A_196 : vector<16xf32>
        %parallel_loop3A_198 = arith.index_cast %parallel_loop3A_175 : i32 to index
        %parallel_loop3A_199 = arith.constant 0 : index
        %parallel_loop3A_200 = tpu.vector_load %arg11[%parallel_loop3A_198, %parallel_loop3A_199] {strides = array<i32>} : memref<128x80xf32, #tpu.memory_space<vmem>>, vector<16xf32>,
        tpu.vector_store %arg11[%parallel_loop3A_198, %parallel_loop3A_199], %parallel_loop3A_197 {strides = array<i32>} : memref<128x80xf32, #tpu.memory_space<vmem>>, vector<16xf32>,
        %parallel_loop3A_201 = arith.index_cast %parallel_loop3A_175 : i32 to index
        %parallel_loop3A_202 = arith.constant 16 : index
        %parallel_loop3A_203 = tpu.vector_load %arg7[%parallel_loop3A_201, %parallel_loop3A_202] {strides = array<i32>} : memref<128x80xf32, #tpu.memory_space<vmem>>, vector<16xf32>,
        %parallel_loop3A_204 = arith.mulf %parallel_loop3A_193, %parallel_loop3A_203 : vector<16xf32>
        %parallel_loop3A_205 = arith.index_cast %parallel_loop3A_175 : i32 to index
        %parallel_loop3A_206 = arith.constant 16 : index
        %parallel_loop3A_207 = tpu.vector_load %arg11[%parallel_loop3A_205, %parallel_loop3A_206] {strides = array<i32>} : memref<128x80xf32, #tpu.memory_space<vmem>>, vector<16xf32>,
        tpu.vector_store %arg11[%parallel_loop3A_205, %parallel_loop3A_206], %parallel_loop3A_204 {strides = array<i32>} : memref<128x80xf32, #tpu.memory_space<vmem>>, vector<16xf32>,
        %parallel_loop3A_208 = arith.index_cast %parallel_loop3A_175 : i32 to index
        %parallel_loop3A_209 = arith.constant 32 : index
        %parallel_loop3A_210 = tpu.vector_load %arg7[%parallel_loop3A_208, %parallel_loop3A_209] {strides = array<i32>} : memref<128x80xf32, #tpu.memory_space<vmem>>, vector<16xf32>,
        %parallel_loop3A_211 = arith.mulf %parallel_loop3A_193, %parallel_loop3A_210 : vector<16xf32>
        %parallel_loop3A_212 = arith.index_cast %parallel_loop3A_175 : i32 to index
        %parallel_loop3A_213 = arith.constant 32 : index
        %parallel_loop3A_214 = tpu.vector_load %arg11[%parallel_loop3A_212, %parallel_loop3A_213] {strides = array<i32>} : memref<128x80xf32, #tpu.memory_space<vmem>>, vector<16xf32>,
        tpu.vector_store %arg11[%parallel_loop3A_212, %parallel_loop3A_213], %parallel_loop3A_211 {strides = array<i32>} : memref<128x80xf32, #tpu.memory_space<vmem>>, vector<16xf32>,
        %parallel_loop3A_215 = arith.index_cast %parallel_loop3A_175 : i32 to index
        %parallel_loop3A_216 = arith.constant 48 : index
        %parallel_loop3A_217 = tpu.vector_load %arg7[%parallel_loop3A_215, %parallel_loop3A_216] {strides = array<i32>} : memref<128x80xf32, #tpu.memory_space<vmem>>, vector<16xf32>,
        %parallel_loop3A_218 = arith.mulf %parallel_loop3A_193, %parallel_loop3A_217 : vector<16xf32>
        %parallel_loop3A_219 = arith.index_cast %parallel_loop3A_175 : i32 to index
        %parallel_loop3A_220 = arith.constant 48 : index
        %parallel_loop3A_221 = tpu.vector_load %arg11[%parallel_loop3A_219, %parallel_loop3A_220] {strides = array<i32>} : memref<128x80xf32, #tpu.memory_space<vmem>>, vector<16xf32>,
        tpu.vector_store %arg11[%parallel_loop3A_219, %parallel_loop3A_220], %parallel_loop3A_218 {strides = array<i32>} : memref<128x80xf32, #tpu.memory_space<vmem>>, vector<16xf32>,
        %parallel_loop3A_222 = arith.constant 0.000000e+00 : f32
        %parallel_loop3A_223 = vector.broadcast %parallel_loop3A_222 : f32 to vector<16xf32>
        %parallel_loop3A_224 = arith.select %lt3A_2, %parallel_loop3A_193, %parallel_loop3A_223 : vector<16xi1>, vector<16xf32>
        %parallel_loop3A_225 = arith.index_cast %parallel_loop3A_175 : i32 to index
        %parallel_loop3A_226 = arith.constant 64 : index
        %parallel_loop3A_227 = tpu.vector_load %arg11[%parallel_loop3A_225, %parallel_loop3A_226] {strides = array<i32>} : memref<128x80xf32, #tpu.memory_space<vmem>>, vector<16xf32>,
        tpu.vector_store %arg11[%parallel_loop3A_225, %parallel_loop3A_226], %parallel_loop3A_224 {strides = array<i32>} : memref<128x80xf32, #tpu.memory_space<vmem>>, vector<16xf32>,
      } {sc.loop_unroll_factor = 8 : i64, sc.parallel_access}
      %dma_start3A_133 = arith.constant 1 : i32
      %dma_start3A_134 = arith.constant 0 : i32
      %dma_start3A_135 = tpu.memref_slice %arg6[%mul3A_95, %dma_start3A_133, %dma_start3A_134] : memref<82x2x128xi32, #tpu.memory_space<vmem>> -> memref<1x1x128xi32, #tpu.memory_space<vmem>>
      %dma_start3A_136 = tpu.memref_squeeze %dma_start3A_135 : memref<1x1x128xi32, #tpu.memory_space<vmem>> -> memref<128xi32, #tpu.memory_space<vmem>>
      %dma_start3A_137 = arith.constant 0 : i32
      %dma_start3A_138 = arith.constant 0 : i32
      %dma_start3A_139 = tpu.memref_slice %arg13[%dma_start3A_137, %dma_start3A_138] : memref<10240x80xf32, #tpu.memory_space<vmem_shared>> -> memref<10240x80xf32, #tpu.memory_space<vmem_shared>>
      tpu.enqueue_indirect_dma source(%arg11 : memref<128x80xf32, #tpu.memory_space<vmem>>) target(%dma_start3A_139 : memref<10240x80xf32, #tpu.memory_space<vmem_shared>>) offsets(%dma_start3A_136 : memref<128xi32, #tpu.memory_space<vmem>>) semaphore(%arg16 : memref<!tpu.dma_semaphore, #tpu.memory_space<semaphore_mem>>) {add = true}
      %lt3A_140 = arith.constant 40 : i32
      %lt3A_141 = arith.cmpi slt, %scan3A_92, %lt3A_140 : i32
      %convert_element_type3A_142 = arith.extui %lt3A_141 : i1 to i32
      %cond3A_143 = arith.constant 0 : i32
      %cond3A_144 = arith.cmpi ne, %convert_element_type3A_142, %cond3A_143 : i32
      scf.if %cond3A_144 {
        %add3A_175 = arith.constant 2 : i32
        %add3A_176 = arith.addi %mul3A_95, %add3A_175 : i32
        %dma_start3A_177 = arith.constant 0 : i32
        %dma_start3A_178 = arith.constant 0 : i32
        %dma_start3A_179 = tpu.memref_slice %arg6[%add3A_176, %dma_start3A_177, %dma_start3A_178] : memref<82x2x128xi32, #tpu.memory_space<vmem>> -> memref<1x1x128xi32, #tpu.memory_space<vmem>>
        %dma_start3A_180 = tpu.memref_squeeze %dma_start3A_179 : memref<1x1x128xi32, #tpu.memory_space<vmem>> -> memref<128xi32, #tpu.memory_space<vmem>>
        %dma_start3A_181 = arith.constant 0 : i32
        %dma_start3A_182 = arith.constant 0 : i32
        %dma_start3A_183 = tpu.memref_slice %arg2[%dma_start3A_181, %dma_start3A_182] : memref<10240x80xf32, #tpu.memory_space<hbm>> -> memref<10240x80xf32, #tpu.memory_space<hbm>>
        tpu.enqueue_indirect_dma source(%dma_start3A_183 : memref<10240x80xf32, #tpu.memory_space<hbm>>) target(%arg7 : memref<128x80xf32, #tpu.memory_space<vmem>>) offsets(%dma_start3A_180 : memref<128xi32, #tpu.memory_space<vmem>>) semaphore(%arg14 : memref<!tpu.dma_semaphore, #tpu.memory_space<semaphore_mem>>)
        %dma_start3A_184 = arith.constant 1 : i32
        %dma_start3A_185 = arith.constant 0 : i32
        %dma_start3A_186 = tpu.memref_slice %arg6[%add3A_176, %dma_start3A_184, %dma_start3A_185] : memref<82x2x128xi32, #tpu.memory_space<vmem>> -> memref<1x1x128xi32, #tpu.memory_space<vmem>>
        %dma_start3A_187 = tpu.memref_squeeze %dma_start3A_186 : memref<1x1x128xi32, #tpu.memory_space<vmem>> -> memref<128xi32, #tpu.memory_space<vmem>>
        %dma_start3A_188 = arith.constant 0 : i32
        %dma_start3A_189 = arith.constant 0 : i32
        %dma_start3A_190 = tpu.memref_slice %arg3[%dma_start3A_188, %dma_start3A_189] : memref<10240x16xf32, #tpu.memory_space<hbm>> -> memref<10240x16xf32, #tpu.memory_space<hbm>>
        tpu.enqueue_indirect_dma source(%dma_start3A_190 : memref<10240x16xf32, #tpu.memory_space<hbm>>) target(%arg9 : memref<128x16xf32, #tpu.memory_space<vmem>>) offsets(%dma_start3A_187 : memref<128xi32, #tpu.memory_space<vmem>>) semaphore(%arg14 : memref<!tpu.dma_semaphore, #tpu.memory_space<semaphore_mem>>)
      } else {
      }
      %dma_wait3A_145 = arith.constant 0 : i32
      %dma_wait3A_146 = arith.constant 0 : i32
      %dma_wait3A_147 = tpu.memref_slice %arg6[%add3A_99, %dma_wait3A_145, %dma_wait3A_146] : memref<82x2x128xi32, #tpu.memory_space<vmem>> -> memref<1x1x128xi32, #tpu.memory_space<vmem>>
      %dma_wait3A_148 = tpu.memref_squeeze %dma_wait3A_147 : memref<1x1x128xi32, #tpu.memory_space<vmem>> -> memref<128xi32, #tpu.memory_space<vmem>>
      %dma_wait3A_149 = arith.constant 0 : i32
      %dma_wait3A_150 = arith.constant 0 : i32
      %dma_wait3A_151 = tpu.memref_slice %arg2[%dma_wait3A_149, %dma_wait3A_150] : memref<10240x80xf32, #tpu.memory_space<hbm>> -> memref<10240x80xf32, #tpu.memory_space<hbm>>
      tpu.wait_indirect_dma semaphore(%arg15 : memref<!tpu.dma_semaphore, #tpu.memory_space<semaphore_mem>>) src(%dma_wait3A_151 : memref<10240x80xf32, #tpu.memory_space<hbm>>) dst(%arg8 : memref<128x80xf32, #tpu.memory_space<vmem>>)
      %dma_wait3A_152 = arith.constant 1 : i32
      %dma_wait3A_153 = arith.constant 0 : i32
      %dma_wait3A_154 = tpu.memref_slice %arg6[%add3A_99, %dma_wait3A_152, %dma_wait3A_153] : memref<82x2x128xi32, #tpu.memory_space<vmem>> -> memref<1x1x128xi32, #tpu.memory_space<vmem>>
      %dma_wait3A_155 = tpu.memref_squeeze %dma_wait3A_154 : memref<1x1x128xi32, #tpu.memory_space<vmem>> -> memref<128xi32, #tpu.memory_space<vmem>>
      %dma_wait3A_156 = arith.constant 0 : i32
      %dma_wait3A_157 = arith.constant 0 : i32
      %dma_wait3A_158 = tpu.memref_slice %arg3[%dma_wait3A_156, %dma_wait3A_157] : memref<10240x16xf32, #tpu.memory_space<hbm>> -> memref<10240x16xf32, #tpu.memory_space<hbm>>
      tpu.wait_indirect_dma semaphore(%arg15 : memref<!tpu.dma_semaphore, #tpu.memory_space<semaphore_mem>>) src(%dma_wait3A_158 : memref<10240x16xf32, #tpu.memory_space<hbm>>) dst(%arg10 : memref<128x16xf32, #tpu.memory_space<vmem>>)
      %gt3A_159 = arith.constant 0 : i32
      %gt3A_160 = arith.cmpi sgt, %scan3A_92, %gt3A_159 : i32
      %convert_element_type3A_161 = arith.extui %gt3A_160 : i1 to i32
      %cond3A_162 = arith.constant 0 : i32
      %cond3A_163 = arith.cmpi ne, %convert_element_type3A_161, %cond3A_162 : i32
      scf.if %cond3A_163 {
        %dma_wait3A_175 = arith.constant 1 : i32
        %dma_wait3A_176 = arith.constant 0 : i32
        %dma_wait3A_177 = tpu.memref_slice %arg6[%add3A_99, %dma_wait3A_175, %dma_wait3A_176] : memref<82x2x128xi32, #tpu.memory_space<vmem>> -> memref<1x1x128xi32, #tpu.memory_space<vmem>>
        %dma_wait3A_178 = tpu.memref_squeeze %dma_wait3A_177 : memref<1x1x128xi32, #tpu.memory_space<vmem>> -> memref<128xi32, #tpu.memory_space<vmem>>
        %dma_wait3A_179 = arith.constant 0 : i32
        %dma_wait3A_180 = arith.constant 0 : i32
        %dma_wait3A_181 = tpu.memref_slice %arg13[%dma_wait3A_179, %dma_wait3A_180] : memref<10240x80xf32, #tpu.memory_space<vmem_shared>> -> memref<10240x80xf32, #tpu.memory_space<vmem_shared>>
        tpu.wait_indirect_dma semaphore(%arg17 : memref<!tpu.dma_semaphore, #tpu.memory_space<semaphore_mem>>) src(%arg12 : memref<128x80xf32, #tpu.memory_space<vmem>>) dst(%dma_wait3A_181 : memref<10240x80xf32, #tpu.memory_space<vmem_shared>>)
      } else {
      }
      %parallel_loop3A_164 = arith.constant 0 : i32
      %parallel_loop3A_165 = arith.constant 128 : i32
      %parallel_loop3A_166 = arith.constant 1 : i32
      scf.for %parallel_loop3A_175 = %parallel_loop3A_164 to %parallel_loop3A_165 step %parallel_loop3A_166  : i32 {
        %parallel_loop3A_176 = arith.index_cast %parallel_loop3A_175 : i32 to index
        %parallel_loop3A_177 = arith.constant 64 : index
        %parallel_loop3A_178 = tpu.vector_load %arg8[%parallel_loop3A_176, %parallel_loop3A_177] {strides = array<i32>} : memref<128x80xf32, #tpu.memory_space<vmem>>, vector<16xf32>,
        %parallel_loop3A_179 = arith.index_cast %parallel_loop3A_175 : i32 to index
        %parallel_loop3A_180 = arith.constant 0 : index
        %parallel_loop3A_181 = tpu.vector_load %arg10[%parallel_loop3A_179, %parallel_loop3A_180] {strides = array<i32>} : memref<128x16xf32, #tpu.memory_space<vmem>>, vector<16xf32>,
        %parallel_loop3A_182 = arith.addf %parallel_loop3A_178, %parallel_loop3A_181 : vector<16xf32>
        %parallel_loop3A_183 = arith.constant 0.000000e+00 : f32
        %parallel_loop3A_184 = vector.broadcast %parallel_loop3A_183 : f32 to vector<16xf32>
        %parallel_loop3A_185 = arith.maximumf %parallel_loop3A_182, %parallel_loop3A_184 : vector<16xf32>
        %parallel_loop3A_186 = arith.constant 0.000000e+00 : f32
        %parallel_loop3A_187 = vector.broadcast %parallel_loop3A_186 : f32 to vector<16xf32>
        %parallel_loop3A_188 = arith.minimumf %parallel_loop3A_182, %parallel_loop3A_187 : vector<16xf32>
        %parallel_loop3A_189 = arith.constant 2.000000e-01 : f32
        %parallel_loop3A_190 = vector.broadcast %parallel_loop3A_189 : f32 to vector<16xf32>
        %parallel_loop3A_191 = arith.mulf %parallel_loop3A_190, %parallel_loop3A_188 : vector<16xf32>
        %parallel_loop3A_192 = arith.addf %parallel_loop3A_185, %parallel_loop3A_191 : vector<16xf32>
        %parallel_loop3A_193 = math.exp %parallel_loop3A_192 : vector<16xf32>
        %parallel_loop3A_194 = arith.index_cast %parallel_loop3A_175 : i32 to index
        %parallel_loop3A_195 = arith.constant 0 : index
        %parallel_loop3A_196 = tpu.vector_load %arg8[%parallel_loop3A_194, %parallel_loop3A_195] {strides = array<i32>} : memref<128x80xf32, #tpu.memory_space<vmem>>, vector<16xf32>,
        %parallel_loop3A_197 = arith.mulf %parallel_loop3A_193, %parallel_loop3A_196 : vector<16xf32>
        %parallel_loop3A_198 = arith.index_cast %parallel_loop3A_175 : i32 to index
        %parallel_loop3A_199 = arith.constant 0 : index
        %parallel_loop3A_200 = tpu.vector_load %arg12[%parallel_loop3A_198, %parallel_loop3A_199] {strides = array<i32>} : memref<128x80xf32, #tpu.memory_space<vmem>>, vector<16xf32>,
        tpu.vector_store %arg12[%parallel_loop3A_198, %parallel_loop3A_199], %parallel_loop3A_197 {strides = array<i32>} : memref<128x80xf32, #tpu.memory_space<vmem>>, vector<16xf32>,
        %parallel_loop3A_201 = arith.index_cast %parallel_loop3A_175 : i32 to index
        %parallel_loop3A_202 = arith.constant 16 : index
        %parallel_loop3A_203 = tpu.vector_load %arg8[%parallel_loop3A_201, %parallel_loop3A_202] {strides = array<i32>} : memref<128x80xf32, #tpu.memory_space<vmem>>, vector<16xf32>,
        %parallel_loop3A_204 = arith.mulf %parallel_loop3A_193, %parallel_loop3A_203 : vector<16xf32>
        %parallel_loop3A_205 = arith.index_cast %parallel_loop3A_175 : i32 to index
        %parallel_loop3A_206 = arith.constant 16 : index
        %parallel_loop3A_207 = tpu.vector_load %arg12[%parallel_loop3A_205, %parallel_loop3A_206] {strides = array<i32>} : memref<128x80xf32, #tpu.memory_space<vmem>>, vector<16xf32>,
        tpu.vector_store %arg12[%parallel_loop3A_205, %parallel_loop3A_206], %parallel_loop3A_204 {strides = array<i32>} : memref<128x80xf32, #tpu.memory_space<vmem>>, vector<16xf32>,
        %parallel_loop3A_208 = arith.index_cast %parallel_loop3A_175 : i32 to index
        %parallel_loop3A_209 = arith.constant 32 : index
        %parallel_loop3A_210 = tpu.vector_load %arg8[%parallel_loop3A_208, %parallel_loop3A_209] {strides = array<i32>} : memref<128x80xf32, #tpu.memory_space<vmem>>, vector<16xf32>,
        %parallel_loop3A_211 = arith.mulf %parallel_loop3A_193, %parallel_loop3A_210 : vector<16xf32>
        %parallel_loop3A_212 = arith.index_cast %parallel_loop3A_175 : i32 to index
        %parallel_loop3A_213 = arith.constant 32 : index
        %parallel_loop3A_214 = tpu.vector_load %arg12[%parallel_loop3A_212, %parallel_loop3A_213] {strides = array<i32>} : memref<128x80xf32, #tpu.memory_space<vmem>>, vector<16xf32>,
        tpu.vector_store %arg12[%parallel_loop3A_212, %parallel_loop3A_213], %parallel_loop3A_211 {strides = array<i32>} : memref<128x80xf32, #tpu.memory_space<vmem>>, vector<16xf32>,
        %parallel_loop3A_215 = arith.index_cast %parallel_loop3A_175 : i32 to index
        %parallel_loop3A_216 = arith.constant 48 : index
        %parallel_loop3A_217 = tpu.vector_load %arg8[%parallel_loop3A_215, %parallel_loop3A_216] {strides = array<i32>} : memref<128x80xf32, #tpu.memory_space<vmem>>, vector<16xf32>,
        %parallel_loop3A_218 = arith.mulf %parallel_loop3A_193, %parallel_loop3A_217 : vector<16xf32>
        %parallel_loop3A_219 = arith.index_cast %parallel_loop3A_175 : i32 to index
        %parallel_loop3A_220 = arith.constant 48 : index
        %parallel_loop3A_221 = tpu.vector_load %arg12[%parallel_loop3A_219, %parallel_loop3A_220] {strides = array<i32>} : memref<128x80xf32, #tpu.memory_space<vmem>>, vector<16xf32>,
        tpu.vector_store %arg12[%parallel_loop3A_219, %parallel_loop3A_220], %parallel_loop3A_218 {strides = array<i32>} : memref<128x80xf32, #tpu.memory_space<vmem>>, vector<16xf32>,
        %parallel_loop3A_222 = arith.constant 0.000000e+00 : f32
        %parallel_loop3A_223 = vector.broadcast %parallel_loop3A_222 : f32 to vector<16xf32>
        %parallel_loop3A_224 = arith.select %lt3A_2, %parallel_loop3A_193, %parallel_loop3A_223 : vector<16xi1>, vector<16xf32>
        %parallel_loop3A_225 = arith.index_cast %parallel_loop3A_175 : i32 to index
        %parallel_loop3A_226 = arith.constant 64 : index
        %parallel_loop3A_227 = tpu.vector_load %arg12[%parallel_loop3A_225, %parallel_loop3A_226] {strides = array<i32>} : memref<128x80xf32, #tpu.memory_space<vmem>>, vector<16xf32>,
        tpu.vector_store %arg12[%parallel_loop3A_225, %parallel_loop3A_226], %parallel_loop3A_224 {strides = array<i32>} : memref<128x80xf32, #tpu.memory_space<vmem>>, vector<16xf32>,
      } {sc.loop_unroll_factor = 8 : i64, sc.parallel_access}
      %dma_start3A_167 = arith.constant 1 : i32
      %dma_start3A_168 = arith.constant 0 : i32
      %dma_start3A_169 = tpu.memref_slice %arg6[%add3A_99, %dma_start3A_167, %dma_start3A_168] : memref<82x2x128xi32, #tpu.memory_space<vmem>> -> memref<1x1x128xi32, #tpu.memory_space<vmem>>
      %dma_start3A_170 = tpu.memref_squeeze %dma_start3A_169 : memref<1x1x128xi32, #tpu.memory_space<vmem>> -> memref<128xi32, #tpu.memory_space<vmem>>
      %dma_start3A_171 = arith.constant 0 : i32
      %dma_start3A_172 = arith.constant 0 : i32
      %dma_start3A_173 = tpu.memref_slice %arg13[%dma_start3A_171, %dma_start3A_172] : memref<10240x80xf32, #tpu.memory_space<vmem_shared>> -> memref<10240x80xf32, #tpu.memory_space<vmem_shared>>
      tpu.enqueue_indirect_dma source(%arg12 : memref<128x80xf32, #tpu.memory_space<vmem>>) target(%dma_start3A_173 : memref<10240x80xf32, #tpu.memory_space<vmem_shared>>) offsets(%dma_start3A_170 : memref<128xi32, #tpu.memory_space<vmem>>) semaphore(%arg17 : memref<!tpu.dma_semaphore, #tpu.memory_space<semaphore_mem>>) {add = true}
      %scan3A_174 = arith.constant 0 : i32
      scf.yield %scan3A_174 : i32
    }
    %scan3A_55 = arith.constant 41 : i32
    %dma_wait3A = arith.constant 80 : i32
    %dma_wait3A_56 = arith.constant 1 : i32
    %dma_wait3A_57 = arith.constant 0 : i32
    %dma_wait3A_58 = tpu.memref_slice %arg6[%dma_wait3A, %dma_wait3A_56, %dma_wait3A_57] : memref<82x2x128xi32, #tpu.memory_space<vmem>> -> memref<1x1x128xi32, #tpu.memory_space<vmem>>
    %dma_wait3A_59 = tpu.memref_squeeze %dma_wait3A_58 : memref<1x1x128xi32, #tpu.memory_space<vmem>> -> memref<128xi32, #tpu.memory_space<vmem>>
    %dma_wait3A_60 = arith.constant 0 : i32
    %dma_wait3A_61 = arith.constant 0 : i32
    %dma_wait3A_62 = tpu.memref_slice %arg13[%dma_wait3A_60, %dma_wait3A_61] : memref<10240x80xf32, #tpu.memory_space<vmem_shared>> -> memref<10240x80xf32, #tpu.memory_space<vmem_shared>>
    tpu.wait_indirect_dma semaphore(%arg16 : memref<!tpu.dma_semaphore, #tpu.memory_space<semaphore_mem>>) src(%arg11 : memref<128x80xf32, #tpu.memory_space<vmem>>) dst(%dma_wait3A_62 : memref<10240x80xf32, #tpu.memory_space<vmem_shared>>)
    %dma_wait3A_63 = arith.constant 81 : i32
    %dma_wait3A_64 = arith.constant 1 : i32
    %dma_wait3A_65 = arith.constant 0 : i32
    %dma_wait3A_66 = tpu.memref_slice %arg6[%dma_wait3A_63, %dma_wait3A_64, %dma_wait3A_65] : memref<82x2x128xi32, #tpu.memory_space<vmem>> -> memref<1x1x128xi32, #tpu.memory_space<vmem>>
    %dma_wait3A_67 = tpu.memref_squeeze %dma_wait3A_66 : memref<1x1x128xi32, #tpu.memory_space<vmem>> -> memref<128xi32, #tpu.memory_space<vmem>>
    %dma_wait3A_68 = arith.constant 0 : i32
    %dma_wait3A_69 = arith.constant 0 : i32
    %dma_wait3A_70 = tpu.memref_slice %arg13[%dma_wait3A_68, %dma_wait3A_69] : memref<10240x80xf32, #tpu.memory_space<vmem_shared>> -> memref<10240x80xf32, #tpu.memory_space<vmem_shared>>
    tpu.wait_indirect_dma semaphore(%arg17 : memref<!tpu.dma_semaphore, #tpu.memory_space<semaphore_mem>>) src(%arg12 : memref<128x80xf32, #tpu.memory_space<vmem>>) dst(%dma_wait3A_70 : memref<10240x80xf32, #tpu.memory_space<vmem_shared>>)
    %barrier3A_71 = arith.constant 0 : index
    tpu.barrier barrier_id(%barrier3A_71)
    %mul3A_72 = arith.constant 640 : i32
    %mul3A_73 = arith.muli %arg1, %mul3A_72 : i32
    %add3A_74 = arith.constant 0 : i32
    %add3A_75 = arith.addi %mul3A_73, %add3A_74 : i32
    "tpu.region"() ({
      %run_scoped3A = tpu.sem_alloc : memref<!tpu.dma_semaphore, #tpu.memory_space<semaphore_mem>>
      %dma_start3A_92 = arith.constant 0 : i32
      %dma_start3A_93 = tpu.memref_slice %arg5[%arg0, %add3A_75, %dma_start3A_92] : memref<2x10240x80xf32, #tpu.memory_space<hbm>> -> memref<1x128x80xf32, #tpu.memory_space<hbm>>
      %dma_start3A_94 = tpu.memref_squeeze %dma_start3A_93 : memref<1x128x80xf32, #tpu.memory_space<hbm>> -> memref<128x80xf32, #tpu.memory_space<hbm>>
      %dma_start3A_95 = arith.constant 0 : i32
      %dma_start3A_96 = tpu.memref_slice %arg13[%add3A_75, %dma_start3A_95] : memref<10240x80xf32, #tpu.memory_space<vmem_shared>> -> memref<128x80xf32, #tpu.memory_space<vmem_shared>>
      tpu.enqueue_dma source(%dma_start3A_96 : memref<128x80xf32, #tpu.memory_space<vmem_shared>>) target(%dma_start3A_94 : memref<128x80xf32, #tpu.memory_space<hbm>>) target_semaphore(%run_scoped3A : memref<!tpu.dma_semaphore, #tpu.memory_space<semaphore_mem>>)
      %dma_wait3A_97 = arith.constant 0 : i32
      %dma_wait3A_98 = tpu.memref_slice %arg5[%arg0, %add3A_75, %dma_wait3A_97] : memref<2x10240x80xf32, #tpu.memory_space<hbm>> -> memref<1x128x80xf32, #tpu.memory_space<hbm>>
      %dma_wait3A_99 = tpu.memref_squeeze %dma_wait3A_98 : memref<1x128x80xf32, #tpu.memory_space<hbm>> -> memref<128x80xf32, #tpu.memory_space<hbm>>
      %dma_wait3A_100 = arith.constant 0 : i32
      %dma_wait3A_101 = tpu.memref_slice %arg13[%add3A_75, %dma_wait3A_100] : memref<10240x80xf32, #tpu.memory_space<vmem_shared>> -> memref<128x80xf32, #tpu.memory_space<vmem_shared>>
      tpu.wait_dma2 semaphore(%run_scoped3A : memref<!tpu.dma_semaphore, #tpu.memory_space<semaphore_mem>>) src(%dma_wait3A_101 : memref<128x80xf32, #tpu.memory_space<vmem_shared>>) dst(%dma_wait3A_99 : memref<128x80xf32, #tpu.memory_space<hbm>>)
      tpu.yield
    }) : () -> ()
    %mul3A_76 = arith.constant 640 : i32
    %mul3A_77 = arith.muli %arg1, %mul3A_76 : i32
    %add3A_78 = arith.constant 128 : i32
    %add3A_79 = arith.addi %mul3A_77, %add3A_78 : i32
    "tpu.region"() ({
      %run_scoped3A = tpu.sem_alloc : memref<!tpu.dma_semaphore, #tpu.memory_space<semaphore_mem>>
      %dma_start3A_92 = arith.constant 0 : i32
      %dma_start3A_93 = tpu.memref_slice %arg5[%arg0, %add3A_79, %dma_start3A_92] : memref<2x10240x80xf32, #tpu.memory_space<hbm>> -> memref<1x128x80xf32, #tpu.memory_space<hbm>>
      %dma_start3A_94 = tpu.memref_squeeze %dma_start3A_93 : memref<1x128x80xf32, #tpu.memory_space<hbm>> -> memref<128x80xf32, #tpu.memory_space<hbm>>
      %dma_start3A_95 = arith.constant 0 : i32
      %dma_start3A_96 = tpu.memref_slice %arg13[%add3A_79, %dma_start3A_95] : memref<10240x80xf32, #tpu.memory_space<vmem_shared>> -> memref<128x80xf32, #tpu.memory_space<vmem_shared>>
      tpu.enqueue_dma source(%dma_start3A_96 : memref<128x80xf32, #tpu.memory_space<vmem_shared>>) target(%dma_start3A_94 : memref<128x80xf32, #tpu.memory_space<hbm>>) target_semaphore(%run_scoped3A : memref<!tpu.dma_semaphore, #tpu.memory_space<semaphore_mem>>)
      %dma_wait3A_97 = arith.constant 0 : i32
      %dma_wait3A_98 = tpu.memref_slice %arg5[%arg0, %add3A_79, %dma_wait3A_97] : memref<2x10240x80xf32, #tpu.memory_space<hbm>> -> memref<1x128x80xf32, #tpu.memory_space<hbm>>
      %dma_wait3A_99 = tpu.memref_squeeze %dma_wait3A_98 : memref<1x128x80xf32, #tpu.memory_space<hbm>> -> memref<128x80xf32, #tpu.memory_space<hbm>>
      %dma_wait3A_100 = arith.constant 0 : i32
      %dma_wait3A_101 = tpu.memref_slice %arg13[%add3A_79, %dma_wait3A_100] : memref<10240x80xf32, #tpu.memory_space<vmem_shared>> -> memref<128x80xf32, #tpu.memory_space<vmem_shared>>
      tpu.wait_dma2 semaphore(%run_scoped3A : memref<!tpu.dma_semaphore, #tpu.memory_space<semaphore_mem>>) src(%dma_wait3A_101 : memref<128x80xf32, #tpu.memory_space<vmem_shared>>) dst(%dma_wait3A_99 : memref<128x80xf32, #tpu.memory_space<hbm>>)
      tpu.yield
    }) : () -> ()
    %mul3A_80 = arith.constant 640 : i32
    %mul3A_81 = arith.muli %arg1, %mul3A_80 : i32
    %add3A_82 = arith.constant 256 : i32
    %add3A_83 = arith.addi %mul3A_81, %add3A_82 : i32
    "tpu.region"() ({
      %run_scoped3A = tpu.sem_alloc : memref<!tpu.dma_semaphore, #tpu.memory_space<semaphore_mem>>
      %dma_start3A_92 = arith.constant 0 : i32
      %dma_start3A_93 = tpu.memref_slice %arg5[%arg0, %add3A_83, %dma_start3A_92] : memref<2x10240x80xf32, #tpu.memory_space<hbm>> -> memref<1x128x80xf32, #tpu.memory_space<hbm>>
      %dma_start3A_94 = tpu.memref_squeeze %dma_start3A_93 : memref<1x128x80xf32, #tpu.memory_space<hbm>> -> memref<128x80xf32, #tpu.memory_space<hbm>>
      %dma_start3A_95 = arith.constant 0 : i32
      %dma_start3A_96 = tpu.memref_slice %arg13[%add3A_83, %dma_start3A_95] : memref<10240x80xf32, #tpu.memory_space<vmem_shared>> -> memref<128x80xf32, #tpu.memory_space<vmem_shared>>
      tpu.enqueue_dma source(%dma_start3A_96 : memref<128x80xf32, #tpu.memory_space<vmem_shared>>) target(%dma_start3A_94 : memref<128x80xf32, #tpu.memory_space<hbm>>) target_semaphore(%run_scoped3A : memref<!tpu.dma_semaphore, #tpu.memory_space<semaphore_mem>>)
      %dma_wait3A_97 = arith.constant 0 : i32
      %dma_wait3A_98 = tpu.memref_slice %arg5[%arg0, %add3A_83, %dma_wait3A_97] : memref<2x10240x80xf32, #tpu.memory_space<hbm>> -> memref<1x128x80xf32, #tpu.memory_space<hbm>>
      %dma_wait3A_99 = tpu.memref_squeeze %dma_wait3A_98 : memref<1x128x80xf32, #tpu.memory_space<hbm>> -> memref<128x80xf32, #tpu.memory_space<hbm>>
      %dma_wait3A_100 = arith.constant 0 : i32
      %dma_wait3A_101 = tpu.memref_slice %arg13[%add3A_83, %dma_wait3A_100] : memref<10240x80xf32, #tpu.memory_space<vmem_shared>> -> memref<128x80xf32, #tpu.memory_space<vmem_shared>>
      tpu.wait_dma2 semaphore(%run_scoped3A : memref<!tpu.dma_semaphore, #tpu.memory_space<semaphore_mem>>) src(%dma_wait3A_101 : memref<128x80xf32, #tpu.memory_space<vmem_shared>>) dst(%dma_wait3A_99 : memref<128x80xf32, #tpu.memory_space<hbm>>)
      tpu.yield
    }) : () -> ()
    %mul3A_84 = arith.constant 640 : i32
    %mul3A_85 = arith.muli %arg1, %mul3A_84 : i32
    %add3A_86 = arith.constant 384 : i32
    %add3A_87 = arith.addi %mul3A_85, %add3A_86 : i32
    "tpu.region"() ({
      %run_scoped3A = tpu.sem_alloc : memref<!tpu.dma_semaphore, #tpu.memory_space<semaphore_mem>>
      %dma_start3A_92 = arith.constant 0 : i32
      %dma_start3A_93 = tpu.memref_slice %arg5[%arg0, %add3A_87, %dma_start3A_92] : memref<2x10240x80xf32, #tpu.memory_space<hbm>> -> memref<1x128x80xf32, #tpu.memory_space<hbm>>
      %dma_start3A_94 = tpu.memref_squeeze %dma_start3A_93 : memref<1x128x80xf32, #tpu.memory_space<hbm>> -> memref<128x80xf32, #tpu.memory_space<hbm>>
      %dma_start3A_95 = arith.constant 0 : i32
      %dma_start3A_96 = tpu.memref_slice %arg13[%add3A_87, %dma_start3A_95] : memref<10240x80xf32, #tpu.memory_space<vmem_shared>> -> memref<128x80xf32, #tpu.memory_space<vmem_shared>>
      tpu.enqueue_dma source(%dma_start3A_96 : memref<128x80xf32, #tpu.memory_space<vmem_shared>>) target(%dma_start3A_94 : memref<128x80xf32, #tpu.memory_space<hbm>>) target_semaphore(%run_scoped3A : memref<!tpu.dma_semaphore, #tpu.memory_space<semaphore_mem>>)
      %dma_wait3A_97 = arith.constant 0 : i32
      %dma_wait3A_98 = tpu.memref_slice %arg5[%arg0, %add3A_87, %dma_wait3A_97] : memref<2x10240x80xf32, #tpu.memory_space<hbm>> -> memref<1x128x80xf32, #tpu.memory_space<hbm>>
      %dma_wait3A_99 = tpu.memref_squeeze %dma_wait3A_98 : memref<1x128x80xf32, #tpu.memory_space<hbm>> -> memref<128x80xf32, #tpu.memory_space<hbm>>
      %dma_wait3A_100 = arith.constant 0 : i32
      %dma_wait3A_101 = tpu.memref_slice %arg13[%add3A_87, %dma_wait3A_100] : memref<10240x80xf32, #tpu.memory_space<vmem_shared>> -> memref<128x80xf32, #tpu.memory_space<vmem_shared>>
      tpu.wait_dma2 semaphore(%run_scoped3A : memref<!tpu.dma_semaphore, #tpu.memory_space<semaphore_mem>>) src(%dma_wait3A_101 : memref<128x80xf32, #tpu.memory_space<vmem_shared>>) dst(%dma_wait3A_99 : memref<128x80xf32, #tpu.memory_space<hbm>>)
      tpu.yield
    }) : () -> ()
    %mul3A_88 = arith.constant 640 : i32
    %mul3A_89 = arith.muli %arg1, %mul3A_88 : i32
    %add3A_90 = arith.constant 512 : i32
    %add3A_91 = arith.addi %mul3A_89, %add3A_90 : i32
    "tpu.region"() ({
      %run_scoped3A = tpu.sem_alloc : memref<!tpu.dma_semaphore, #tpu.memory_space<semaphore_mem>>
      %dma_start3A_92 = arith.constant 0 : i32
      %dma_start3A_93 = tpu.memref_slice %arg5[%arg0, %add3A_91, %dma_start3A_92] : memref<2x10240x80xf32, #tpu.memory_space<hbm>> -> memref<1x128x80xf32, #tpu.memory_space<hbm>>
      %dma_start3A_94 = tpu.memref_squeeze %dma_start3A_93 : memref<1x128x80xf32, #tpu.memory_space<hbm>> -> memref<128x80xf32, #tpu.memory_space<hbm>>
      %dma_start3A_95 = arith.constant 0 : i32
      %dma_start3A_96 = tpu.memref_slice %arg13[%add3A_91, %dma_start3A_95] : memref<10240x80xf32, #tpu.memory_space<vmem_shared>> -> memref<128x80xf32, #tpu.memory_space<vmem_shared>>
      tpu.enqueue_dma source(%dma_start3A_96 : memref<128x80xf32, #tpu.memory_space<vmem_shared>>) target(%dma_start3A_94 : memref<128x80xf32, #tpu.memory_space<hbm>>) target_semaphore(%run_scoped3A : memref<!tpu.dma_semaphore, #tpu.memory_space<semaphore_mem>>)
      %dma_wait3A_97 = arith.constant 0 : i32
      %dma_wait3A_98 = tpu.memref_slice %arg5[%arg0, %add3A_91, %dma_wait3A_97] : memref<2x10240x80xf32, #tpu.memory_space<hbm>> -> memref<1x128x80xf32, #tpu.memory_space<hbm>>
      %dma_wait3A_99 = tpu.memref_squeeze %dma_wait3A_98 : memref<1x128x80xf32, #tpu.memory_space<hbm>> -> memref<128x80xf32, #tpu.memory_space<hbm>>
      %dma_wait3A_100 = arith.constant 0 : i32
      %dma_wait3A_101 = tpu.memref_slice %arg13[%add3A_91, %dma_wait3A_100] : memref<10240x80xf32, #tpu.memory_space<vmem_shared>> -> memref<128x80xf32, #tpu.memory_space<vmem_shared>>
      tpu.wait_dma2 semaphore(%run_scoped3A : memref<!tpu.dma_semaphore, #tpu.memory_space<semaphore_mem>>) src(%dma_wait3A_101 : memref<128x80xf32, #tpu.memory_space<vmem_shared>>) dst(%dma_wait3A_99 : memref<128x80xf32, #tpu.memory_space<hbm>>)
      tpu.yield
    }) : () -> ()
    return
  }
}

#map = affine_map<(d0, d1) -> (0, 0)>
#map1 = affine_map<(d0, d1) -> (0, 0, 0, 0)>
#map2 = affine_map<(d0, d1) -> (0, 0, 0)>
module attributes {stable_mosaic.version = 14 : i64} {
  func.func @body(%arg0: i32, %arg1: i32, %arg2: memref<10240x16xf32, #tpu.memory_space<hbm>>, %arg3: memref<10240x16xf32, #tpu.memory_space<hbm>>, %arg4: memref<32x82x2x128xi32, #tpu.memory_space<hbm>>, %arg5: memref<2x10240x16xf32, #tpu.memory_space<hbm>>, %arg6: memref<82x2x128xi32, #tpu.memory_space<vmem>>, %arg7: memref<128x16xf32, #tpu.memory_space<vmem>>, %arg8: memref<128x16xf32, #tpu.memory_space<vmem>>, %arg9: memref<128x16xf32, #tpu.memory_space<vmem>>, %arg10: memref<128x16xf32, #tpu.memory_space<vmem>>, %arg11: memref<128x16xf32, #tpu.memory_space<vmem>>, %arg12: memref<128x16xf32, #tpu.memory_space<vmem>>, %arg13: memref<10240x16xf32, #tpu.memory_space<vmem_shared>>, %arg14: memref<!tpu.dma_semaphore, #tpu.memory_space<semaphore_mem>>, %arg15: memref<!tpu.dma_semaphore, #tpu.memory_space<semaphore_mem>>, %arg16: memref<!tpu.dma_semaphore, #tpu.memory_space<semaphore_mem>>, %arg17: memref<!tpu.dma_semaphore, #tpu.memory_space<semaphore_mem>>) attributes {dimension_semantics = [#tpu.dimension_semantics<core_parallel>, #tpu.dimension_semantics<subcore_parallel>], iteration_bounds = array<i64: 2, 16>, scalar_prefetch = 0 : i64, scratch_operands = 12 : i64, tpu.core_type = #tpu.core_type<sc_vector_subcore>, window_params = [{transform_indices = #map}, {transform_indices = #map}, {transform_indices = #map1}, {transform_indices = #map2}]} {
    %mul3A = arith.constant 16 : i32
    %mul3A_0 = arith.muli %arg0, %mul3A : i32
    %add3A = arith.addi %mul3A_0, %arg1 : i32
    %iota3A = tpu.iota {dimensions = array<i32: 0>} : vector<16xi32>
    %lt3A = arith.constant 8 : i32
    %lt3A_1 = vector.broadcast %lt3A : i32 to vector<16xi32>
    %lt3A_2 = arith.cmpi slt, %iota3A, %lt3A_1 : vector<16xi32>
    %eq3A = arith.constant 8 : i32
    %eq3A_3 = vector.broadcast %eq3A : i32 to vector<16xi32>
    %eq3A_4 = arith.cmpi eq, %iota3A, %eq3A_3 : vector<16xi32>
    %mul3A_5 = arith.constant 0 : i32
    %mul3A_6 = vector.broadcast %mul3A_5 : i32 to vector<16xi32>
    %mul3A_7 = arith.muli %iota3A, %mul3A_6 : vector<16xi32>
    %convert_element_type3A = arith.sitofp %mul3A_7 : vector<16xi32> to vector<16xf32>
    "tpu.region"() ({
      %run_scoped3A = tpu.sem_alloc : memref<!tpu.dma_semaphore, #tpu.memory_space<semaphore_mem>>
      %dma_start3A_92 = arith.constant 0 : i32
      %dma_start3A_93 = arith.constant 0 : i32
      %dma_start3A_94 = arith.constant 0 : i32
      %dma_start3A_95 = tpu.memref_slice %arg4[%add3A, %dma_start3A_92, %dma_start3A_93, %dma_start3A_94] : memref<32x82x2x128xi32, #tpu.memory_space<hbm>> -> memref<1x82x2x128xi32, #tpu.memory_space<hbm>>
      %dma_start3A_96 = tpu.memref_squeeze %dma_start3A_95 : memref<1x82x2x128xi32, #tpu.memory_space<hbm>> -> memref<82x2x128xi32, #tpu.memory_space<hbm>>
      %dma_start3A_97 = arith.constant 0 : i32
      %dma_start3A_98 = arith.constant 0 : i32
      %dma_start3A_99 = arith.constant 0 : i32
      %dma_start3A_100 = tpu.memref_slice %arg4[%add3A, %dma_start3A_97, %dma_start3A_98, %dma_start3A_99] : memref<32x82x2x128xi32, #tpu.memory_space<hbm>> -> memref<1x82x2x128xi32, #tpu.memory_space<hbm>>
      %dma_start3A_101 = tpu.memref_squeeze %dma_start3A_100 : memref<1x82x2x128xi32, #tpu.memory_space<hbm>> -> memref<82x2x128xi32, #tpu.memory_space<hbm>>
      tpu.enqueue_dma source(%dma_start3A_101 : memref<82x2x128xi32, #tpu.memory_space<hbm>>) target(%arg6 : memref<82x2x128xi32, #tpu.memory_space<vmem>>) target_semaphore(%run_scoped3A : memref<!tpu.dma_semaphore, #tpu.memory_space<semaphore_mem>>)
      %dma_wait3A_102 = arith.constant 0 : i32
      %dma_wait3A_103 = arith.constant 0 : i32
      %dma_wait3A_104 = arith.constant 0 : i32
      %dma_wait3A_105 = tpu.memref_slice %arg4[%add3A, %dma_wait3A_102, %dma_wait3A_103, %dma_wait3A_104] : memref<32x82x2x128xi32, #tpu.memory_space<hbm>> -> memref<1x82x2x128xi32, #tpu.memory_space<hbm>>
      %dma_wait3A_106 = tpu.memref_squeeze %dma_wait3A_105 : memref<1x82x2x128xi32, #tpu.memory_space<hbm>> -> memref<82x2x128xi32, #tpu.memory_space<hbm>>
      %dma_wait3A_107 = arith.constant 0 : i32
      %dma_wait3A_108 = arith.constant 0 : i32
      %dma_wait3A_109 = arith.constant 0 : i32
      %dma_wait3A_110 = tpu.memref_slice %arg4[%add3A, %dma_wait3A_107, %dma_wait3A_108, %dma_wait3A_109] : memref<32x82x2x128xi32, #tpu.memory_space<hbm>> -> memref<1x82x2x128xi32, #tpu.memory_space<hbm>>
      %dma_wait3A_111 = tpu.memref_squeeze %dma_wait3A_110 : memref<1x82x2x128xi32, #tpu.memory_space<hbm>> -> memref<82x2x128xi32, #tpu.memory_space<hbm>>
      tpu.wait_dma2 semaphore(%run_scoped3A : memref<!tpu.dma_semaphore, #tpu.memory_space<semaphore_mem>>) src(%dma_wait3A_111 : memref<82x2x128xi32, #tpu.memory_space<hbm>>) dst(%arg6 : memref<82x2x128xi32, #tpu.memory_space<vmem>>)
      tpu.yield
    }) : () -> ()
    %scan3A = arith.constant 0 : i32
    %scan3A_8 = arith.constant 0 : i32
    %scan3A_9 = arith.constant 128 : i32
    %scan3A_10 = arith.addi %scan3A_8, %scan3A_9 : i32
    %scan3A_11 = arith.constant 1 : i32
    %scan3A_12 = scf.for %scan3A_92 = %scan3A_8 to %scan3A_10 step %scan3A_11 iter_args(%scan3A_93 = %scan3A) -> (i32)  : i32 {
      %swap3A = arith.index_cast %scan3A_92 : i32 to index
      %swap3A_94 = arith.constant 0 : index
      %swap3A_95 = tpu.vector_load %arg11[%swap3A, %swap3A_94] {strides = array<i32>} : memref<128x16xf32, #tpu.memory_space<vmem>>, vector<16xf32>,
      tpu.vector_store %arg11[%swap3A, %swap3A_94], %convert_element_type3A {strides = array<i32>} : memref<128x16xf32, #tpu.memory_space<vmem>>, vector<16xf32>,
      %scan3A_96 = arith.constant 0 : i32
      scf.yield %scan3A_96 : i32
    }
    %scan3A_13 = arith.constant 128 : i32
    %mul3A_14 = arith.constant 640 : i32
    %mul3A_15 = arith.muli %arg1, %mul3A_14 : i32
    %add3A_16 = arith.constant 0 : i32
    %add3A_17 = arith.addi %mul3A_15, %add3A_16 : i32
    "tpu.region"() ({
      %run_scoped3A = tpu.sem_alloc : memref<!tpu.dma_semaphore, #tpu.memory_space<semaphore_mem>>
      %dma_start3A_92 = arith.constant 0 : i32
      %dma_start3A_93 = tpu.memref_slice %arg13[%add3A_17, %dma_start3A_92] : memref<10240x16xf32, #tpu.memory_space<vmem_shared>> -> memref<128x16xf32, #tpu.memory_space<vmem_shared>>
      %dma_start3A_94 = arith.constant 0 : i32
      %dma_start3A_95 = tpu.memref_slice %arg13[%add3A_17, %dma_start3A_94] : memref<10240x16xf32, #tpu.memory_space<vmem_shared>> -> memref<128x16xf32, #tpu.memory_space<vmem_shared>>
      tpu.enqueue_dma source(%arg11 : memref<128x16xf32, #tpu.memory_space<vmem>>) target(%dma_start3A_95 : memref<128x16xf32, #tpu.memory_space<vmem_shared>>) target_semaphore(%run_scoped3A : memref<!tpu.dma_semaphore, #tpu.memory_space<semaphore_mem>>)
      %dma_wait3A_96 = arith.constant 0 : i32
      %dma_wait3A_97 = tpu.memref_slice %arg13[%add3A_17, %dma_wait3A_96] : memref<10240x16xf32, #tpu.memory_space<vmem_shared>> -> memref<128x16xf32, #tpu.memory_space<vmem_shared>>
      %dma_wait3A_98 = arith.constant 0 : i32
      %dma_wait3A_99 = tpu.memref_slice %arg13[%add3A_17, %dma_wait3A_98] : memref<10240x16xf32, #tpu.memory_space<vmem_shared>> -> memref<128x16xf32, #tpu.memory_space<vmem_shared>>
      tpu.wait_dma2 semaphore(%run_scoped3A : memref<!tpu.dma_semaphore, #tpu.memory_space<semaphore_mem>>) src(%arg11 : memref<128x16xf32, #tpu.memory_space<vmem>>) dst(%dma_wait3A_99 : memref<128x16xf32, #tpu.memory_space<vmem_shared>>)
      tpu.yield
    }) : () -> ()
    %mul3A_18 = arith.constant 640 : i32
    %mul3A_19 = arith.muli %arg1, %mul3A_18 : i32
    %add3A_20 = arith.constant 128 : i32
    %add3A_21 = arith.addi %mul3A_19, %add3A_20 : i32
    "tpu.region"() ({
      %run_scoped3A = tpu.sem_alloc : memref<!tpu.dma_semaphore, #tpu.memory_space<semaphore_mem>>
      %dma_start3A_92 = arith.constant 0 : i32
      %dma_start3A_93 = tpu.memref_slice %arg13[%add3A_21, %dma_start3A_92] : memref<10240x16xf32, #tpu.memory_space<vmem_shared>> -> memref<128x16xf32, #tpu.memory_space<vmem_shared>>
      %dma_start3A_94 = arith.constant 0 : i32
      %dma_start3A_95 = tpu.memref_slice %arg13[%add3A_21, %dma_start3A_94] : memref<10240x16xf32, #tpu.memory_space<vmem_shared>> -> memref<128x16xf32, #tpu.memory_space<vmem_shared>>
      tpu.enqueue_dma source(%arg11 : memref<128x16xf32, #tpu.memory_space<vmem>>) target(%dma_start3A_95 : memref<128x16xf32, #tpu.memory_space<vmem_shared>>) target_semaphore(%run_scoped3A : memref<!tpu.dma_semaphore, #tpu.memory_space<semaphore_mem>>)
      %dma_wait3A_96 = arith.constant 0 : i32
      %dma_wait3A_97 = tpu.memref_slice %arg13[%add3A_21, %dma_wait3A_96] : memref<10240x16xf32, #tpu.memory_space<vmem_shared>> -> memref<128x16xf32, #tpu.memory_space<vmem_shared>>
      %dma_wait3A_98 = arith.constant 0 : i32
      %dma_wait3A_99 = tpu.memref_slice %arg13[%add3A_21, %dma_wait3A_98] : memref<10240x16xf32, #tpu.memory_space<vmem_shared>> -> memref<128x16xf32, #tpu.memory_space<vmem_shared>>
      tpu.wait_dma2 semaphore(%run_scoped3A : memref<!tpu.dma_semaphore, #tpu.memory_space<semaphore_mem>>) src(%arg11 : memref<128x16xf32, #tpu.memory_space<vmem>>) dst(%dma_wait3A_99 : memref<128x16xf32, #tpu.memory_space<vmem_shared>>)
      tpu.yield
    }) : () -> ()
    %mul3A_22 = arith.constant 640 : i32
    %mul3A_23 = arith.muli %arg1, %mul3A_22 : i32
    %add3A_24 = arith.constant 256 : i32
    %add3A_25 = arith.addi %mul3A_23, %add3A_24 : i32
    "tpu.region"() ({
      %run_scoped3A = tpu.sem_alloc : memref<!tpu.dma_semaphore, #tpu.memory_space<semaphore_mem>>
      %dma_start3A_92 = arith.constant 0 : i32
      %dma_start3A_93 = tpu.memref_slice %arg13[%add3A_25, %dma_start3A_92] : memref<10240x16xf32, #tpu.memory_space<vmem_shared>> -> memref<128x16xf32, #tpu.memory_space<vmem_shared>>
      %dma_start3A_94 = arith.constant 0 : i32
      %dma_start3A_95 = tpu.memref_slice %arg13[%add3A_25, %dma_start3A_94] : memref<10240x16xf32, #tpu.memory_space<vmem_shared>> -> memref<128x16xf32, #tpu.memory_space<vmem_shared>>
      tpu.enqueue_dma source(%arg11 : memref<128x16xf32, #tpu.memory_space<vmem>>) target(%dma_start3A_95 : memref<128x16xf32, #tpu.memory_space<vmem_shared>>) target_semaphore(%run_scoped3A : memref<!tpu.dma_semaphore, #tpu.memory_space<semaphore_mem>>)
      %dma_wait3A_96 = arith.constant 0 : i32
      %dma_wait3A_97 = tpu.memref_slice %arg13[%add3A_25, %dma_wait3A_96] : memref<10240x16xf32, #tpu.memory_space<vmem_shared>> -> memref<128x16xf32, #tpu.memory_space<vmem_shared>>
      %dma_wait3A_98 = arith.constant 0 : i32
      %dma_wait3A_99 = tpu.memref_slice %arg13[%add3A_25, %dma_wait3A_98] : memref<10240x16xf32, #tpu.memory_space<vmem_shared>> -> memref<128x16xf32, #tpu.memory_space<vmem_shared>>
      tpu.wait_dma2 semaphore(%run_scoped3A : memref<!tpu.dma_semaphore, #tpu.memory_space<semaphore_mem>>) src(%arg11 : memref<128x16xf32, #tpu.memory_space<vmem>>) dst(%dma_wait3A_99 : memref<128x16xf32, #tpu.memory_space<vmem_shared>>)
      tpu.yield
    }) : () -> ()
    %mul3A_26 = arith.constant 640 : i32
    %mul3A_27 = arith.muli %arg1, %mul3A_26 : i32
    %add3A_28 = arith.constant 384 : i32
    %add3A_29 = arith.addi %mul3A_27, %add3A_28 : i32
    "tpu.region"() ({
      %run_scoped3A = tpu.sem_alloc : memref<!tpu.dma_semaphore, #tpu.memory_space<semaphore_mem>>
      %dma_start3A_92 = arith.constant 0 : i32
      %dma_start3A_93 = tpu.memref_slice %arg13[%add3A_29, %dma_start3A_92] : memref<10240x16xf32, #tpu.memory_space<vmem_shared>> -> memref<128x16xf32, #tpu.memory_space<vmem_shared>>
      %dma_start3A_94 = arith.constant 0 : i32
      %dma_start3A_95 = tpu.memref_slice %arg13[%add3A_29, %dma_start3A_94] : memref<10240x16xf32, #tpu.memory_space<vmem_shared>> -> memref<128x16xf32, #tpu.memory_space<vmem_shared>>
      tpu.enqueue_dma source(%arg11 : memref<128x16xf32, #tpu.memory_space<vmem>>) target(%dma_start3A_95 : memref<128x16xf32, #tpu.memory_space<vmem_shared>>) target_semaphore(%run_scoped3A : memref<!tpu.dma_semaphore, #tpu.memory_space<semaphore_mem>>)
      %dma_wait3A_96 = arith.constant 0 : i32
      %dma_wait3A_97 = tpu.memref_slice %arg13[%add3A_29, %dma_wait3A_96] : memref<10240x16xf32, #tpu.memory_space<vmem_shared>> -> memref<128x16xf32, #tpu.memory_space<vmem_shared>>
      %dma_wait3A_98 = arith.constant 0 : i32
      %dma_wait3A_99 = tpu.memref_slice %arg13[%add3A_29, %dma_wait3A_98] : memref<10240x16xf32, #tpu.memory_space<vmem_shared>> -> memref<128x16xf32, #tpu.memory_space<vmem_shared>>
      tpu.wait_dma2 semaphore(%run_scoped3A : memref<!tpu.dma_semaphore, #tpu.memory_space<semaphore_mem>>) src(%arg11 : memref<128x16xf32, #tpu.memory_space<vmem>>) dst(%dma_wait3A_99 : memref<128x16xf32, #tpu.memory_space<vmem_shared>>)
      tpu.yield
    }) : () -> ()
    %mul3A_30 = arith.constant 640 : i32
    %mul3A_31 = arith.muli %arg1, %mul3A_30 : i32
    %add3A_32 = arith.constant 512 : i32
    %add3A_33 = arith.addi %mul3A_31, %add3A_32 : i32
    "tpu.region"() ({
      %run_scoped3A = tpu.sem_alloc : memref<!tpu.dma_semaphore, #tpu.memory_space<semaphore_mem>>
      %dma_start3A_92 = arith.constant 0 : i32
      %dma_start3A_93 = tpu.memref_slice %arg13[%add3A_33, %dma_start3A_92] : memref<10240x16xf32, #tpu.memory_space<vmem_shared>> -> memref<128x16xf32, #tpu.memory_space<vmem_shared>>
      %dma_start3A_94 = arith.constant 0 : i32
      %dma_start3A_95 = tpu.memref_slice %arg13[%add3A_33, %dma_start3A_94] : memref<10240x16xf32, #tpu.memory_space<vmem_shared>> -> memref<128x16xf32, #tpu.memory_space<vmem_shared>>
      tpu.enqueue_dma source(%arg11 : memref<128x16xf32, #tpu.memory_space<vmem>>) target(%dma_start3A_95 : memref<128x16xf32, #tpu.memory_space<vmem_shared>>) target_semaphore(%run_scoped3A : memref<!tpu.dma_semaphore, #tpu.memory_space<semaphore_mem>>)
      %dma_wait3A_96 = arith.constant 0 : i32
      %dma_wait3A_97 = tpu.memref_slice %arg13[%add3A_33, %dma_wait3A_96] : memref<10240x16xf32, #tpu.memory_space<vmem_shared>> -> memref<128x16xf32, #tpu.memory_space<vmem_shared>>
      %dma_wait3A_98 = arith.constant 0 : i32
      %dma_wait3A_99 = tpu.memref_slice %arg13[%add3A_33, %dma_wait3A_98] : memref<10240x16xf32, #tpu.memory_space<vmem_shared>> -> memref<128x16xf32, #tpu.memory_space<vmem_shared>>
      tpu.wait_dma2 semaphore(%run_scoped3A : memref<!tpu.dma_semaphore, #tpu.memory_space<semaphore_mem>>) src(%arg11 : memref<128x16xf32, #tpu.memory_space<vmem>>) dst(%dma_wait3A_99 : memref<128x16xf32, #tpu.memory_space<vmem_shared>>)
      tpu.yield
    }) : () -> ()
    %barrier3A = arith.constant 0 : index
    tpu.barrier barrier_id(%barrier3A)
    %dma_start3A = arith.constant 0 : i32
    %dma_start3A_34 = arith.constant 0 : i32
    %dma_start3A_35 = arith.constant 0 : i32
    %dma_start3A_36 = tpu.memref_slice %arg6[%dma_start3A, %dma_start3A_34, %dma_start3A_35] : memref<82x2x128xi32, #tpu.memory_space<vmem>> -> memref<1x1x128xi32, #tpu.memory_space<vmem>>
    %dma_start3A_37 = tpu.memref_squeeze %dma_start3A_36 : memref<1x1x128xi32, #tpu.memory_space<vmem>> -> memref<128xi32, #tpu.memory_space<vmem>>
    %dma_start3A_38 = arith.constant 0 : i32
    %dma_start3A_39 = arith.constant 0 : i32
    %dma_start3A_40 = tpu.memref_slice %arg2[%dma_start3A_38, %dma_start3A_39] : memref<10240x16xf32, #tpu.memory_space<hbm>> -> memref<10240x16xf32, #tpu.memory_space<hbm>>
    tpu.enqueue_indirect_dma source(%dma_start3A_40 : memref<10240x16xf32, #tpu.memory_space<hbm>>) target(%arg7 : memref<128x16xf32, #tpu.memory_space<vmem>>) offsets(%dma_start3A_37 : memref<128xi32, #tpu.memory_space<vmem>>) semaphore(%arg14 : memref<!tpu.dma_semaphore, #tpu.memory_space<semaphore_mem>>)
    %dma_start3A_41 = arith.constant 0 : i32
    %dma_start3A_42 = arith.constant 1 : i32
    %dma_start3A_43 = arith.constant 0 : i32
    %dma_start3A_44 = tpu.memref_slice %arg6[%dma_start3A_41, %dma_start3A_42, %dma_start3A_43] : memref<82x2x128xi32, #tpu.memory_space<vmem>> -> memref<1x1x128xi32, #tpu.memory_space<vmem>>
    %dma_start3A_45 = tpu.memref_squeeze %dma_start3A_44 : memref<1x1x128xi32, #tpu.memory_space<vmem>> -> memref<128xi32, #tpu.memory_space<vmem>>
    %dma_start3A_46 = arith.constant 0 : i32
    %dma_start3A_47 = arith.constant 0 : i32
    %dma_start3A_48 = tpu.memref_slice %arg3[%dma_start3A_46, %dma_start3A_47] : memref<10240x16xf32, #tpu.memory_space<hbm>> -> memref<10240x16xf32, #tpu.memory_space<hbm>>
    tpu.enqueue_indirect_dma source(%dma_start3A_48 : memref<10240x16xf32, #tpu.memory_space<hbm>>) target(%arg9 : memref<128x16xf32, #tpu.memory_space<vmem>>) offsets(%dma_start3A_45 : memref<128xi32, #tpu.memory_space<vmem>>) semaphore(%arg14 : memref<!tpu.dma_semaphore, #tpu.memory_space<semaphore_mem>>)
    %scan3A_49 = arith.constant 0 : i32
    %scan3A_50 = arith.constant 0 : i32
    %scan3A_51 = arith.constant 41 : i32
    %scan3A_52 = arith.addi %scan3A_50, %scan3A_51 : i32
    %scan3A_53 = arith.constant 1 : i32
    %scan3A_54 = scf.for %scan3A_92 = %scan3A_50 to %scan3A_52 step %scan3A_53 iter_args(%scan3A_93 = %scan3A_49) -> (i32)  : i32 {
      %mul3A_94 = arith.constant 2 : i32
      %mul3A_95 = arith.muli %mul3A_94, %scan3A_92 : i32
      %mul3A_96 = arith.constant 2 : i32
      %mul3A_97 = arith.muli %mul3A_96, %scan3A_92 : i32
      %add3A_98 = arith.constant 1 : i32
      %add3A_99 = arith.addi %mul3A_97, %add3A_98 : i32
      %dma_start3A_100 = arith.constant 0 : i32
      %dma_start3A_101 = arith.constant 0 : i32
      %dma_start3A_102 = tpu.memref_slice %arg6[%add3A_99, %dma_start3A_100, %dma_start3A_101] : memref<82x2x128xi32, #tpu.memory_space<vmem>> -> memref<1x1x128xi32, #tpu.memory_space<vmem>>
      %dma_start3A_103 = tpu.memref_squeeze %dma_start3A_102 : memref<1x1x128xi32, #tpu.memory_space<vmem>> -> memref<128xi32, #tpu.memory_space<vmem>>
      %dma_start3A_104 = arith.constant 0 : i32
      %dma_start3A_105 = arith.constant 0 : i32
      %dma_start3A_106 = tpu.memref_slice %arg2[%dma_start3A_104, %dma_start3A_105] : memref<10240x16xf32, #tpu.memory_space<hbm>> -> memref<10240x16xf32, #tpu.memory_space<hbm>>
      tpu.enqueue_indirect_dma source(%dma_start3A_106 : memref<10240x16xf32, #tpu.memory_space<hbm>>) target(%arg8 : memref<128x16xf32, #tpu.memory_space<vmem>>) offsets(%dma_start3A_103 : memref<128xi32, #tpu.memory_space<vmem>>) semaphore(%arg15 : memref<!tpu.dma_semaphore, #tpu.memory_space<semaphore_mem>>)
      %dma_start3A_107 = arith.constant 1 : i32
      %dma_start3A_108 = arith.constant 0 : i32
      %dma_start3A_109 = tpu.memref_slice %arg6[%add3A_99, %dma_start3A_107, %dma_start3A_108] : memref<82x2x128xi32, #tpu.memory_space<vmem>> -> memref<1x1x128xi32, #tpu.memory_space<vmem>>
      %dma_start3A_110 = tpu.memref_squeeze %dma_start3A_109 : memref<1x1x128xi32, #tpu.memory_space<vmem>> -> memref<128xi32, #tpu.memory_space<vmem>>
      %dma_start3A_111 = arith.constant 0 : i32
      %dma_start3A_112 = arith.constant 0 : i32
      %dma_start3A_113 = tpu.memref_slice %arg3[%dma_start3A_111, %dma_start3A_112] : memref<10240x16xf32, #tpu.memory_space<hbm>> -> memref<10240x16xf32, #tpu.memory_space<hbm>>
      tpu.enqueue_indirect_dma source(%dma_start3A_113 : memref<10240x16xf32, #tpu.memory_space<hbm>>) target(%arg10 : memref<128x16xf32, #tpu.memory_space<vmem>>) offsets(%dma_start3A_110 : memref<128xi32, #tpu.memory_space<vmem>>) semaphore(%arg15 : memref<!tpu.dma_semaphore, #tpu.memory_space<semaphore_mem>>)
      %dma_wait3A_114 = arith.constant 0 : i32
      %dma_wait3A_115 = arith.constant 0 : i32
      %dma_wait3A_116 = tpu.memref_slice %arg6[%mul3A_95, %dma_wait3A_114, %dma_wait3A_115] : memref<82x2x128xi32, #tpu.memory_space<vmem>> -> memref<1x1x128xi32, #tpu.memory_space<vmem>>
      %dma_wait3A_117 = tpu.memref_squeeze %dma_wait3A_116 : memref<1x1x128xi32, #tpu.memory_space<vmem>> -> memref<128xi32, #tpu.memory_space<vmem>>
      %dma_wait3A_118 = arith.constant 0 : i32
      %dma_wait3A_119 = arith.constant 0 : i32
      %dma_wait3A_120 = tpu.memref_slice %arg2[%dma_wait3A_118, %dma_wait3A_119] : memref<10240x16xf32, #tpu.memory_space<hbm>> -> memref<10240x16xf32, #tpu.memory_space<hbm>>
      tpu.wait_indirect_dma semaphore(%arg14 : memref<!tpu.dma_semaphore, #tpu.memory_space<semaphore_mem>>) src(%dma_wait3A_120 : memref<10240x16xf32, #tpu.memory_space<hbm>>) dst(%arg7 : memref<128x16xf32, #tpu.memory_space<vmem>>)
      %dma_wait3A_121 = arith.constant 1 : i32
      %dma_wait3A_122 = arith.constant 0 : i32
      %dma_wait3A_123 = tpu.memref_slice %arg6[%mul3A_95, %dma_wait3A_121, %dma_wait3A_122] : memref<82x2x128xi32, #tpu.memory_space<vmem>> -> memref<1x1x128xi32, #tpu.memory_space<vmem>>
      %dma_wait3A_124 = tpu.memref_squeeze %dma_wait3A_123 : memref<1x1x128xi32, #tpu.memory_space<vmem>> -> memref<128xi32, #tpu.memory_space<vmem>>
      %dma_wait3A_125 = arith.constant 0 : i32
      %dma_wait3A_126 = arith.constant 0 : i32
      %dma_wait3A_127 = tpu.memref_slice %arg3[%dma_wait3A_125, %dma_wait3A_126] : memref<10240x16xf32, #tpu.memory_space<hbm>> -> memref<10240x16xf32, #tpu.memory_space<hbm>>
      tpu.wait_indirect_dma semaphore(%arg14 : memref<!tpu.dma_semaphore, #tpu.memory_space<semaphore_mem>>) src(%dma_wait3A_127 : memref<10240x16xf32, #tpu.memory_space<hbm>>) dst(%arg9 : memref<128x16xf32, #tpu.memory_space<vmem>>)
      %gt3A = arith.constant 0 : i32
      %gt3A_128 = arith.cmpi sgt, %scan3A_92, %gt3A : i32
      %convert_element_type3A_129 = arith.extui %gt3A_128 : i1 to i32
      %cond3A = arith.constant 0 : i32
      %cond3A_130 = arith.cmpi ne, %convert_element_type3A_129, %cond3A : i32
      scf.if %cond3A_130 {
        %dma_wait3A_175 = arith.constant 1 : i32
        %dma_wait3A_176 = arith.constant 0 : i32
        %dma_wait3A_177 = tpu.memref_slice %arg6[%mul3A_95, %dma_wait3A_175, %dma_wait3A_176] : memref<82x2x128xi32, #tpu.memory_space<vmem>> -> memref<1x1x128xi32, #tpu.memory_space<vmem>>
        %dma_wait3A_178 = tpu.memref_squeeze %dma_wait3A_177 : memref<1x1x128xi32, #tpu.memory_space<vmem>> -> memref<128xi32, #tpu.memory_space<vmem>>
        %dma_wait3A_179 = arith.constant 0 : i32
        %dma_wait3A_180 = arith.constant 0 : i32
        %dma_wait3A_181 = tpu.memref_slice %arg13[%dma_wait3A_179, %dma_wait3A_180] : memref<10240x16xf32, #tpu.memory_space<vmem_shared>> -> memref<10240x16xf32, #tpu.memory_space<vmem_shared>>
        tpu.wait_indirect_dma semaphore(%arg16 : memref<!tpu.dma_semaphore, #tpu.memory_space<semaphore_mem>>) src(%arg11 : memref<128x16xf32, #tpu.memory_space<vmem>>) dst(%dma_wait3A_181 : memref<10240x16xf32, #tpu.memory_space<vmem_shared>>)
      } else {
      }
      %parallel_loop3A = arith.constant 0 : i32
      %parallel_loop3A_131 = arith.constant 128 : i32
      %parallel_loop3A_132 = arith.constant 1 : i32
      scf.for %parallel_loop3A_175 = %parallel_loop3A to %parallel_loop3A_131 step %parallel_loop3A_132  : i32 {
        %parallel_loop3A_176 = arith.index_cast %parallel_loop3A_175 : i32 to index
        %parallel_loop3A_177 = arith.constant 0 : index
        %parallel_loop3A_178 = tpu.vector_load %arg7[%parallel_loop3A_176, %parallel_loop3A_177] {strides = array<i32>} : memref<128x16xf32, #tpu.memory_space<vmem>>, vector<16xf32>,
        %parallel_loop3A_179 = arith.index_cast %parallel_loop3A_175 : i32 to index
        %parallel_loop3A_180 = arith.constant 0 : index
        %parallel_loop3A_181 = tpu.vector_load %arg9[%parallel_loop3A_179, %parallel_loop3A_180] {strides = array<i32>} : memref<128x16xf32, #tpu.memory_space<vmem>>, vector<16xf32>,
        %parallel_loop3A_182 = arith.addf %parallel_loop3A_178, %parallel_loop3A_181 : vector<16xf32>
        %parallel_loop3A_183 = arith.constant 0.000000e+00 : f32
        %parallel_loop3A_184 = vector.broadcast %parallel_loop3A_183 : f32 to vector<16xf32>
        %parallel_loop3A_185 = arith.select %eq3A_4, %parallel_loop3A_182, %parallel_loop3A_184 : vector<16xi1>, vector<16xf32>
        %parallel_loop3A_186 = arith.constant true
        %parallel_loop3A_187 = vector.broadcast %parallel_loop3A_186 : i1 to vector<16xi1>
        %parallel_loop3A_188 = tpu.scan <sum>, %parallel_loop3A_185 masked %parallel_loop3A_187 : vector<16xf32>, vector<16xi1> -> vector<16xf32>
        %parallel_loop3A_189 = vector.extract %parallel_loop3A_188[15] : f32 from vector<16xf32>
        %parallel_loop3A_190 = vector.broadcast %parallel_loop3A_189 : f32 to vector<16xf32>
        %parallel_loop3A_191 = arith.constant 0.000000e+00 : f32
        %parallel_loop3A_192 = vector.broadcast %parallel_loop3A_191 : f32 to vector<16xf32>
        %parallel_loop3A_193 = arith.maximumf %parallel_loop3A_190, %parallel_loop3A_192 : vector<16xf32>
        %parallel_loop3A_194 = arith.constant 0.000000e+00 : f32
        %parallel_loop3A_195 = vector.broadcast %parallel_loop3A_194 : f32 to vector<16xf32>
        %parallel_loop3A_196 = arith.minimumf %parallel_loop3A_190, %parallel_loop3A_195 : vector<16xf32>
        %parallel_loop3A_197 = arith.constant 2.000000e-01 : f32
        %parallel_loop3A_198 = vector.broadcast %parallel_loop3A_197 : f32 to vector<16xf32>
        %parallel_loop3A_199 = arith.mulf %parallel_loop3A_198, %parallel_loop3A_196 : vector<16xf32>
        %parallel_loop3A_200 = arith.addf %parallel_loop3A_193, %parallel_loop3A_199 : vector<16xf32>
        %parallel_loop3A_201 = math.exp %parallel_loop3A_200 : vector<16xf32>
        %parallel_loop3A_202 = arith.mulf %parallel_loop3A_201, %parallel_loop3A_178 : vector<16xf32>
        %parallel_loop3A_203 = arith.constant 0.000000e+00 : f32
        %parallel_loop3A_204 = vector.broadcast %parallel_loop3A_203 : f32 to vector<16xf32>
        %parallel_loop3A_205 = arith.select %eq3A_4, %parallel_loop3A_201, %parallel_loop3A_204 : vector<16xi1>, vector<16xf32>
        %parallel_loop3A_206 = arith.select %lt3A_2, %parallel_loop3A_202, %parallel_loop3A_205 : vector<16xi1>, vector<16xf32>
        %parallel_loop3A_207 = arith.index_cast %parallel_loop3A_175 : i32 to index
        %parallel_loop3A_208 = arith.constant 0 : index
        %parallel_loop3A_209 = tpu.vector_load %arg11[%parallel_loop3A_207, %parallel_loop3A_208] {strides = array<i32>} : memref<128x16xf32, #tpu.memory_space<vmem>>, vector<16xf32>,
        tpu.vector_store %arg11[%parallel_loop3A_207, %parallel_loop3A_208], %parallel_loop3A_206 {strides = array<i32>} : memref<128x16xf32, #tpu.memory_space<vmem>>, vector<16xf32>,
      } {sc.loop_unroll_factor = 8 : i64, sc.parallel_access}
      %dma_start3A_133 = arith.constant 1 : i32
      %dma_start3A_134 = arith.constant 0 : i32
      %dma_start3A_135 = tpu.memref_slice %arg6[%mul3A_95, %dma_start3A_133, %dma_start3A_134] : memref<82x2x128xi32, #tpu.memory_space<vmem>> -> memref<1x1x128xi32, #tpu.memory_space<vmem>>
      %dma_start3A_136 = tpu.memref_squeeze %dma_start3A_135 : memref<1x1x128xi32, #tpu.memory_space<vmem>> -> memref<128xi32, #tpu.memory_space<vmem>>
      %dma_start3A_137 = arith.constant 0 : i32
      %dma_start3A_138 = arith.constant 0 : i32
      %dma_start3A_139 = tpu.memref_slice %arg13[%dma_start3A_137, %dma_start3A_138] : memref<10240x16xf32, #tpu.memory_space<vmem_shared>> -> memref<10240x16xf32, #tpu.memory_space<vmem_shared>>
      tpu.enqueue_indirect_dma source(%arg11 : memref<128x16xf32, #tpu.memory_space<vmem>>) target(%dma_start3A_139 : memref<10240x16xf32, #tpu.memory_space<vmem_shared>>) offsets(%dma_start3A_136 : memref<128xi32, #tpu.memory_space<vmem>>) semaphore(%arg16 : memref<!tpu.dma_semaphore, #tpu.memory_space<semaphore_mem>>) {add = true}
      %lt3A_140 = arith.constant 40 : i32
      %lt3A_141 = arith.cmpi slt, %scan3A_92, %lt3A_140 : i32
      %convert_element_type3A_142 = arith.extui %lt3A_141 : i1 to i32
      %cond3A_143 = arith.constant 0 : i32
      %cond3A_144 = arith.cmpi ne, %convert_element_type3A_142, %cond3A_143 : i32
      scf.if %cond3A_144 {
        %add3A_175 = arith.constant 2 : i32
        %add3A_176 = arith.addi %mul3A_95, %add3A_175 : i32
        %dma_start3A_177 = arith.constant 0 : i32
        %dma_start3A_178 = arith.constant 0 : i32
        %dma_start3A_179 = tpu.memref_slice %arg6[%add3A_176, %dma_start3A_177, %dma_start3A_178] : memref<82x2x128xi32, #tpu.memory_space<vmem>> -> memref<1x1x128xi32, #tpu.memory_space<vmem>>
        %dma_start3A_180 = tpu.memref_squeeze %dma_start3A_179 : memref<1x1x128xi32, #tpu.memory_space<vmem>> -> memref<128xi32, #tpu.memory_space<vmem>>
        %dma_start3A_181 = arith.constant 0 : i32
        %dma_start3A_182 = arith.constant 0 : i32
        %dma_start3A_183 = tpu.memref_slice %arg2[%dma_start3A_181, %dma_start3A_182] : memref<10240x16xf32, #tpu.memory_space<hbm>> -> memref<10240x16xf32, #tpu.memory_space<hbm>>
        tpu.enqueue_indirect_dma source(%dma_start3A_183 : memref<10240x16xf32, #tpu.memory_space<hbm>>) target(%arg7 : memref<128x16xf32, #tpu.memory_space<vmem>>) offsets(%dma_start3A_180 : memref<128xi32, #tpu.memory_space<vmem>>) semaphore(%arg14 : memref<!tpu.dma_semaphore, #tpu.memory_space<semaphore_mem>>)
        %dma_start3A_184 = arith.constant 1 : i32
        %dma_start3A_185 = arith.constant 0 : i32
        %dma_start3A_186 = tpu.memref_slice %arg6[%add3A_176, %dma_start3A_184, %dma_start3A_185] : memref<82x2x128xi32, #tpu.memory_space<vmem>> -> memref<1x1x128xi32, #tpu.memory_space<vmem>>
        %dma_start3A_187 = tpu.memref_squeeze %dma_start3A_186 : memref<1x1x128xi32, #tpu.memory_space<vmem>> -> memref<128xi32, #tpu.memory_space<vmem>>
        %dma_start3A_188 = arith.constant 0 : i32
        %dma_start3A_189 = arith.constant 0 : i32
        %dma_start3A_190 = tpu.memref_slice %arg3[%dma_start3A_188, %dma_start3A_189] : memref<10240x16xf32, #tpu.memory_space<hbm>> -> memref<10240x16xf32, #tpu.memory_space<hbm>>
        tpu.enqueue_indirect_dma source(%dma_start3A_190 : memref<10240x16xf32, #tpu.memory_space<hbm>>) target(%arg9 : memref<128x16xf32, #tpu.memory_space<vmem>>) offsets(%dma_start3A_187 : memref<128xi32, #tpu.memory_space<vmem>>) semaphore(%arg14 : memref<!tpu.dma_semaphore, #tpu.memory_space<semaphore_mem>>)
      } else {
      }
      %dma_wait3A_145 = arith.constant 0 : i32
      %dma_wait3A_146 = arith.constant 0 : i32
      %dma_wait3A_147 = tpu.memref_slice %arg6[%add3A_99, %dma_wait3A_145, %dma_wait3A_146] : memref<82x2x128xi32, #tpu.memory_space<vmem>> -> memref<1x1x128xi32, #tpu.memory_space<vmem>>
      %dma_wait3A_148 = tpu.memref_squeeze %dma_wait3A_147 : memref<1x1x128xi32, #tpu.memory_space<vmem>> -> memref<128xi32, #tpu.memory_space<vmem>>
      %dma_wait3A_149 = arith.constant 0 : i32
      %dma_wait3A_150 = arith.constant 0 : i32
      %dma_wait3A_151 = tpu.memref_slice %arg2[%dma_wait3A_149, %dma_wait3A_150] : memref<10240x16xf32, #tpu.memory_space<hbm>> -> memref<10240x16xf32, #tpu.memory_space<hbm>>
      tpu.wait_indirect_dma semaphore(%arg15 : memref<!tpu.dma_semaphore, #tpu.memory_space<semaphore_mem>>) src(%dma_wait3A_151 : memref<10240x16xf32, #tpu.memory_space<hbm>>) dst(%arg8 : memref<128x16xf32, #tpu.memory_space<vmem>>)
      %dma_wait3A_152 = arith.constant 1 : i32
      %dma_wait3A_153 = arith.constant 0 : i32
      %dma_wait3A_154 = tpu.memref_slice %arg6[%add3A_99, %dma_wait3A_152, %dma_wait3A_153] : memref<82x2x128xi32, #tpu.memory_space<vmem>> -> memref<1x1x128xi32, #tpu.memory_space<vmem>>
      %dma_wait3A_155 = tpu.memref_squeeze %dma_wait3A_154 : memref<1x1x128xi32, #tpu.memory_space<vmem>> -> memref<128xi32, #tpu.memory_space<vmem>>
      %dma_wait3A_156 = arith.constant 0 : i32
      %dma_wait3A_157 = arith.constant 0 : i32
      %dma_wait3A_158 = tpu.memref_slice %arg3[%dma_wait3A_156, %dma_wait3A_157] : memref<10240x16xf32, #tpu.memory_space<hbm>> -> memref<10240x16xf32, #tpu.memory_space<hbm>>
      tpu.wait_indirect_dma semaphore(%arg15 : memref<!tpu.dma_semaphore, #tpu.memory_space<semaphore_mem>>) src(%dma_wait3A_158 : memref<10240x16xf32, #tpu.memory_space<hbm>>) dst(%arg10 : memref<128x16xf32, #tpu.memory_space<vmem>>)
      %gt3A_159 = arith.constant 0 : i32
      %gt3A_160 = arith.cmpi sgt, %scan3A_92, %gt3A_159 : i32
      %convert_element_type3A_161 = arith.extui %gt3A_160 : i1 to i32
      %cond3A_162 = arith.constant 0 : i32
      %cond3A_163 = arith.cmpi ne, %convert_element_type3A_161, %cond3A_162 : i32
      scf.if %cond3A_163 {
        %dma_wait3A_175 = arith.constant 1 : i32
        %dma_wait3A_176 = arith.constant 0 : i32
        %dma_wait3A_177 = tpu.memref_slice %arg6[%add3A_99, %dma_wait3A_175, %dma_wait3A_176] : memref<82x2x128xi32, #tpu.memory_space<vmem>> -> memref<1x1x128xi32, #tpu.memory_space<vmem>>
        %dma_wait3A_178 = tpu.memref_squeeze %dma_wait3A_177 : memref<1x1x128xi32, #tpu.memory_space<vmem>> -> memref<128xi32, #tpu.memory_space<vmem>>
        %dma_wait3A_179 = arith.constant 0 : i32
        %dma_wait3A_180 = arith.constant 0 : i32
        %dma_wait3A_181 = tpu.memref_slice %arg13[%dma_wait3A_179, %dma_wait3A_180] : memref<10240x16xf32, #tpu.memory_space<vmem_shared>> -> memref<10240x16xf32, #tpu.memory_space<vmem_shared>>
        tpu.wait_indirect_dma semaphore(%arg17 : memref<!tpu.dma_semaphore, #tpu.memory_space<semaphore_mem>>) src(%arg12 : memref<128x16xf32, #tpu.memory_space<vmem>>) dst(%dma_wait3A_181 : memref<10240x16xf32, #tpu.memory_space<vmem_shared>>)
      } else {
      }
      %parallel_loop3A_164 = arith.constant 0 : i32
      %parallel_loop3A_165 = arith.constant 128 : i32
      %parallel_loop3A_166 = arith.constant 1 : i32
      scf.for %parallel_loop3A_175 = %parallel_loop3A_164 to %parallel_loop3A_165 step %parallel_loop3A_166  : i32 {
        %parallel_loop3A_176 = arith.index_cast %parallel_loop3A_175 : i32 to index
        %parallel_loop3A_177 = arith.constant 0 : index
        %parallel_loop3A_178 = tpu.vector_load %arg8[%parallel_loop3A_176, %parallel_loop3A_177] {strides = array<i32>} : memref<128x16xf32, #tpu.memory_space<vmem>>, vector<16xf32>,
        %parallel_loop3A_179 = arith.index_cast %parallel_loop3A_175 : i32 to index
        %parallel_loop3A_180 = arith.constant 0 : index
        %parallel_loop3A_181 = tpu.vector_load %arg10[%parallel_loop3A_179, %parallel_loop3A_180] {strides = array<i32>} : memref<128x16xf32, #tpu.memory_space<vmem>>, vector<16xf32>,
        %parallel_loop3A_182 = arith.addf %parallel_loop3A_178, %parallel_loop3A_181 : vector<16xf32>
        %parallel_loop3A_183 = arith.constant 0.000000e+00 : f32
        %parallel_loop3A_184 = vector.broadcast %parallel_loop3A_183 : f32 to vector<16xf32>
        %parallel_loop3A_185 = arith.select %eq3A_4, %parallel_loop3A_182, %parallel_loop3A_184 : vector<16xi1>, vector<16xf32>
        %parallel_loop3A_186 = arith.constant true
        %parallel_loop3A_187 = vector.broadcast %parallel_loop3A_186 : i1 to vector<16xi1>
        %parallel_loop3A_188 = tpu.scan <sum>, %parallel_loop3A_185 masked %parallel_loop3A_187 : vector<16xf32>, vector<16xi1> -> vector<16xf32>
        %parallel_loop3A_189 = vector.extract %parallel_loop3A_188[15] : f32 from vector<16xf32>
        %parallel_loop3A_190 = vector.broadcast %parallel_loop3A_189 : f32 to vector<16xf32>
        %parallel_loop3A_191 = arith.constant 0.000000e+00 : f32
        %parallel_loop3A_192 = vector.broadcast %parallel_loop3A_191 : f32 to vector<16xf32>
        %parallel_loop3A_193 = arith.maximumf %parallel_loop3A_190, %parallel_loop3A_192 : vector<16xf32>
        %parallel_loop3A_194 = arith.constant 0.000000e+00 : f32
        %parallel_loop3A_195 = vector.broadcast %parallel_loop3A_194 : f32 to vector<16xf32>
        %parallel_loop3A_196 = arith.minimumf %parallel_loop3A_190, %parallel_loop3A_195 : vector<16xf32>
        %parallel_loop3A_197 = arith.constant 2.000000e-01 : f32
        %parallel_loop3A_198 = vector.broadcast %parallel_loop3A_197 : f32 to vector<16xf32>
        %parallel_loop3A_199 = arith.mulf %parallel_loop3A_198, %parallel_loop3A_196 : vector<16xf32>
        %parallel_loop3A_200 = arith.addf %parallel_loop3A_193, %parallel_loop3A_199 : vector<16xf32>
        %parallel_loop3A_201 = math.exp %parallel_loop3A_200 : vector<16xf32>
        %parallel_loop3A_202 = arith.mulf %parallel_loop3A_201, %parallel_loop3A_178 : vector<16xf32>
        %parallel_loop3A_203 = arith.constant 0.000000e+00 : f32
        %parallel_loop3A_204 = vector.broadcast %parallel_loop3A_203 : f32 to vector<16xf32>
        %parallel_loop3A_205 = arith.select %eq3A_4, %parallel_loop3A_201, %parallel_loop3A_204 : vector<16xi1>, vector<16xf32>
        %parallel_loop3A_206 = arith.select %lt3A_2, %parallel_loop3A_202, %parallel_loop3A_205 : vector<16xi1>, vector<16xf32>
        %parallel_loop3A_207 = arith.index_cast %parallel_loop3A_175 : i32 to index
        %parallel_loop3A_208 = arith.constant 0 : index
        %parallel_loop3A_209 = tpu.vector_load %arg12[%parallel_loop3A_207, %parallel_loop3A_208] {strides = array<i32>} : memref<128x16xf32, #tpu.memory_space<vmem>>, vector<16xf32>,
        tpu.vector_store %arg12[%parallel_loop3A_207, %parallel_loop3A_208], %parallel_loop3A_206 {strides = array<i32>} : memref<128x16xf32, #tpu.memory_space<vmem>>, vector<16xf32>,
      } {sc.loop_unroll_factor = 8 : i64, sc.parallel_access}
      %dma_start3A_167 = arith.constant 1 : i32
      %dma_start3A_168 = arith.constant 0 : i32
      %dma_start3A_169 = tpu.memref_slice %arg6[%add3A_99, %dma_start3A_167, %dma_start3A_168] : memref<82x2x128xi32, #tpu.memory_space<vmem>> -> memref<1x1x128xi32, #tpu.memory_space<vmem>>
      %dma_start3A_170 = tpu.memref_squeeze %dma_start3A_169 : memref<1x1x128xi32, #tpu.memory_space<vmem>> -> memref<128xi32, #tpu.memory_space<vmem>>
      %dma_start3A_171 = arith.constant 0 : i32
      %dma_start3A_172 = arith.constant 0 : i32
      %dma_start3A_173 = tpu.memref_slice %arg13[%dma_start3A_171, %dma_start3A_172] : memref<10240x16xf32, #tpu.memory_space<vmem_shared>> -> memref<10240x16xf32, #tpu.memory_space<vmem_shared>>
      tpu.enqueue_indirect_dma source(%arg12 : memref<128x16xf32, #tpu.memory_space<vmem>>) target(%dma_start3A_173 : memref<10240x16xf32, #tpu.memory_space<vmem_shared>>) offsets(%dma_start3A_170 : memref<128xi32, #tpu.memory_space<vmem>>) semaphore(%arg17 : memref<!tpu.dma_semaphore, #tpu.memory_space<semaphore_mem>>) {add = true}
      %scan3A_174 = arith.constant 0 : i32
      scf.yield %scan3A_174 : i32
    }
    %scan3A_55 = arith.constant 41 : i32
    %dma_wait3A = arith.constant 80 : i32
    %dma_wait3A_56 = arith.constant 1 : i32
    %dma_wait3A_57 = arith.constant 0 : i32
    %dma_wait3A_58 = tpu.memref_slice %arg6[%dma_wait3A, %dma_wait3A_56, %dma_wait3A_57] : memref<82x2x128xi32, #tpu.memory_space<vmem>> -> memref<1x1x128xi32, #tpu.memory_space<vmem>>
    %dma_wait3A_59 = tpu.memref_squeeze %dma_wait3A_58 : memref<1x1x128xi32, #tpu.memory_space<vmem>> -> memref<128xi32, #tpu.memory_space<vmem>>
    %dma_wait3A_60 = arith.constant 0 : i32
    %dma_wait3A_61 = arith.constant 0 : i32
    %dma_wait3A_62 = tpu.memref_slice %arg13[%dma_wait3A_60, %dma_wait3A_61] : memref<10240x16xf32, #tpu.memory_space<vmem_shared>> -> memref<10240x16xf32, #tpu.memory_space<vmem_shared>>
    tpu.wait_indirect_dma semaphore(%arg16 : memref<!tpu.dma_semaphore, #tpu.memory_space<semaphore_mem>>) src(%arg11 : memref<128x16xf32, #tpu.memory_space<vmem>>) dst(%dma_wait3A_62 : memref<10240x16xf32, #tpu.memory_space<vmem_shared>>)
    %dma_wait3A_63 = arith.constant 81 : i32
    %dma_wait3A_64 = arith.constant 1 : i32
    %dma_wait3A_65 = arith.constant 0 : i32
    %dma_wait3A_66 = tpu.memref_slice %arg6[%dma_wait3A_63, %dma_wait3A_64, %dma_wait3A_65] : memref<82x2x128xi32, #tpu.memory_space<vmem>> -> memref<1x1x128xi32, #tpu.memory_space<vmem>>
    %dma_wait3A_67 = tpu.memref_squeeze %dma_wait3A_66 : memref<1x1x128xi32, #tpu.memory_space<vmem>> -> memref<128xi32, #tpu.memory_space<vmem>>
    %dma_wait3A_68 = arith.constant 0 : i32
    %dma_wait3A_69 = arith.constant 0 : i32
    %dma_wait3A_70 = tpu.memref_slice %arg13[%dma_wait3A_68, %dma_wait3A_69] : memref<10240x16xf32, #tpu.memory_space<vmem_shared>> -> memref<10240x16xf32, #tpu.memory_space<vmem_shared>>
    tpu.wait_indirect_dma semaphore(%arg17 : memref<!tpu.dma_semaphore, #tpu.memory_space<semaphore_mem>>) src(%arg12 : memref<128x16xf32, #tpu.memory_space<vmem>>) dst(%dma_wait3A_70 : memref<10240x16xf32, #tpu.memory_space<vmem_shared>>)
    %barrier3A_71 = arith.constant 0 : index
    tpu.barrier barrier_id(%barrier3A_71)
    %mul3A_72 = arith.constant 640 : i32
    %mul3A_73 = arith.muli %arg1, %mul3A_72 : i32
    %add3A_74 = arith.constant 0 : i32
    %add3A_75 = arith.addi %mul3A_73, %add3A_74 : i32
    "tpu.region"() ({
      %run_scoped3A = tpu.sem_alloc : memref<!tpu.dma_semaphore, #tpu.memory_space<semaphore_mem>>
      %dma_start3A_92 = arith.constant 0 : i32
      %dma_start3A_93 = tpu.memref_slice %arg5[%arg0, %add3A_75, %dma_start3A_92] : memref<2x10240x16xf32, #tpu.memory_space<hbm>> -> memref<1x128x16xf32, #tpu.memory_space<hbm>>
      %dma_start3A_94 = tpu.memref_squeeze %dma_start3A_93 : memref<1x128x16xf32, #tpu.memory_space<hbm>> -> memref<128x16xf32, #tpu.memory_space<hbm>>
      %dma_start3A_95 = arith.constant 0 : i32
      %dma_start3A_96 = tpu.memref_slice %arg13[%add3A_75, %dma_start3A_95] : memref<10240x16xf32, #tpu.memory_space<vmem_shared>> -> memref<128x16xf32, #tpu.memory_space<vmem_shared>>
      tpu.enqueue_dma source(%dma_start3A_96 : memref<128x16xf32, #tpu.memory_space<vmem_shared>>) target(%dma_start3A_94 : memref<128x16xf32, #tpu.memory_space<hbm>>) target_semaphore(%run_scoped3A : memref<!tpu.dma_semaphore, #tpu.memory_space<semaphore_mem>>)
      %dma_wait3A_97 = arith.constant 0 : i32
      %dma_wait3A_98 = tpu.memref_slice %arg5[%arg0, %add3A_75, %dma_wait3A_97] : memref<2x10240x16xf32, #tpu.memory_space<hbm>> -> memref<1x128x16xf32, #tpu.memory_space<hbm>>
      %dma_wait3A_99 = tpu.memref_squeeze %dma_wait3A_98 : memref<1x128x16xf32, #tpu.memory_space<hbm>> -> memref<128x16xf32, #tpu.memory_space<hbm>>
      %dma_wait3A_100 = arith.constant 0 : i32
      %dma_wait3A_101 = tpu.memref_slice %arg13[%add3A_75, %dma_wait3A_100] : memref<10240x16xf32, #tpu.memory_space<vmem_shared>> -> memref<128x16xf32, #tpu.memory_space<vmem_shared>>
      tpu.wait_dma2 semaphore(%run_scoped3A : memref<!tpu.dma_semaphore, #tpu.memory_space<semaphore_mem>>) src(%dma_wait3A_101 : memref<128x16xf32, #tpu.memory_space<vmem_shared>>) dst(%dma_wait3A_99 : memref<128x16xf32, #tpu.memory_space<hbm>>)
      tpu.yield
    }) : () -> ()
    %mul3A_76 = arith.constant 640 : i32
    %mul3A_77 = arith.muli %arg1, %mul3A_76 : i32
    %add3A_78 = arith.constant 128 : i32
    %add3A_79 = arith.addi %mul3A_77, %add3A_78 : i32
    "tpu.region"() ({
      %run_scoped3A = tpu.sem_alloc : memref<!tpu.dma_semaphore, #tpu.memory_space<semaphore_mem>>
      %dma_start3A_92 = arith.constant 0 : i32
      %dma_start3A_93 = tpu.memref_slice %arg5[%arg0, %add3A_79, %dma_start3A_92] : memref<2x10240x16xf32, #tpu.memory_space<hbm>> -> memref<1x128x16xf32, #tpu.memory_space<hbm>>
      %dma_start3A_94 = tpu.memref_squeeze %dma_start3A_93 : memref<1x128x16xf32, #tpu.memory_space<hbm>> -> memref<128x16xf32, #tpu.memory_space<hbm>>
      %dma_start3A_95 = arith.constant 0 : i32
      %dma_start3A_96 = tpu.memref_slice %arg13[%add3A_79, %dma_start3A_95] : memref<10240x16xf32, #tpu.memory_space<vmem_shared>> -> memref<128x16xf32, #tpu.memory_space<vmem_shared>>
      tpu.enqueue_dma source(%dma_start3A_96 : memref<128x16xf32, #tpu.memory_space<vmem_shared>>) target(%dma_start3A_94 : memref<128x16xf32, #tpu.memory_space<hbm>>) target_semaphore(%run_scoped3A : memref<!tpu.dma_semaphore, #tpu.memory_space<semaphore_mem>>)
      %dma_wait3A_97 = arith.constant 0 : i32
      %dma_wait3A_98 = tpu.memref_slice %arg5[%arg0, %add3A_79, %dma_wait3A_97] : memref<2x10240x16xf32, #tpu.memory_space<hbm>> -> memref<1x128x16xf32, #tpu.memory_space<hbm>>
      %dma_wait3A_99 = tpu.memref_squeeze %dma_wait3A_98 : memref<1x128x16xf32, #tpu.memory_space<hbm>> -> memref<128x16xf32, #tpu.memory_space<hbm>>
      %dma_wait3A_100 = arith.constant 0 : i32
      %dma_wait3A_101 = tpu.memref_slice %arg13[%add3A_79, %dma_wait3A_100] : memref<10240x16xf32, #tpu.memory_space<vmem_shared>> -> memref<128x16xf32, #tpu.memory_space<vmem_shared>>
      tpu.wait_dma2 semaphore(%run_scoped3A : memref<!tpu.dma_semaphore, #tpu.memory_space<semaphore_mem>>) src(%dma_wait3A_101 : memref<128x16xf32, #tpu.memory_space<vmem_shared>>) dst(%dma_wait3A_99 : memref<128x16xf32, #tpu.memory_space<hbm>>)
      tpu.yield
    }) : () -> ()
    %mul3A_80 = arith.constant 640 : i32
    %mul3A_81 = arith.muli %arg1, %mul3A_80 : i32
    %add3A_82 = arith.constant 256 : i32
    %add3A_83 = arith.addi %mul3A_81, %add3A_82 : i32
    "tpu.region"() ({
      %run_scoped3A = tpu.sem_alloc : memref<!tpu.dma_semaphore, #tpu.memory_space<semaphore_mem>>
      %dma_start3A_92 = arith.constant 0 : i32
      %dma_start3A_93 = tpu.memref_slice %arg5[%arg0, %add3A_83, %dma_start3A_92] : memref<2x10240x16xf32, #tpu.memory_space<hbm>> -> memref<1x128x16xf32, #tpu.memory_space<hbm>>
      %dma_start3A_94 = tpu.memref_squeeze %dma_start3A_93 : memref<1x128x16xf32, #tpu.memory_space<hbm>> -> memref<128x16xf32, #tpu.memory_space<hbm>>
      %dma_start3A_95 = arith.constant 0 : i32
      %dma_start3A_96 = tpu.memref_slice %arg13[%add3A_83, %dma_start3A_95] : memref<10240x16xf32, #tpu.memory_space<vmem_shared>> -> memref<128x16xf32, #tpu.memory_space<vmem_shared>>
      tpu.enqueue_dma source(%dma_start3A_96 : memref<128x16xf32, #tpu.memory_space<vmem_shared>>) target(%dma_start3A_94 : memref<128x16xf32, #tpu.memory_space<hbm>>) target_semaphore(%run_scoped3A : memref<!tpu.dma_semaphore, #tpu.memory_space<semaphore_mem>>)
      %dma_wait3A_97 = arith.constant 0 : i32
      %dma_wait3A_98 = tpu.memref_slice %arg5[%arg0, %add3A_83, %dma_wait3A_97] : memref<2x10240x16xf32, #tpu.memory_space<hbm>> -> memref<1x128x16xf32, #tpu.memory_space<hbm>>
      %dma_wait3A_99 = tpu.memref_squeeze %dma_wait3A_98 : memref<1x128x16xf32, #tpu.memory_space<hbm>> -> memref<128x16xf32, #tpu.memory_space<hbm>>
      %dma_wait3A_100 = arith.constant 0 : i32
      %dma_wait3A_101 = tpu.memref_slice %arg13[%add3A_83, %dma_wait3A_100] : memref<10240x16xf32, #tpu.memory_space<vmem_shared>> -> memref<128x16xf32, #tpu.memory_space<vmem_shared>>
      tpu.wait_dma2 semaphore(%run_scoped3A : memref<!tpu.dma_semaphore, #tpu.memory_space<semaphore_mem>>) src(%dma_wait3A_101 : memref<128x16xf32, #tpu.memory_space<vmem_shared>>) dst(%dma_wait3A_99 : memref<128x16xf32, #tpu.memory_space<hbm>>)
      tpu.yield
    }) : () -> ()
    %mul3A_84 = arith.constant 640 : i32
    %mul3A_85 = arith.muli %arg1, %mul3A_84 : i32
    %add3A_86 = arith.constant 384 : i32
    %add3A_87 = arith.addi %mul3A_85, %add3A_86 : i32
    "tpu.region"() ({
      %run_scoped3A = tpu.sem_alloc : memref<!tpu.dma_semaphore, #tpu.memory_space<semaphore_mem>>
      %dma_start3A_92 = arith.constant 0 : i32
      %dma_start3A_93 = tpu.memref_slice %arg5[%arg0, %add3A_87, %dma_start3A_92] : memref<2x10240x16xf32, #tpu.memory_space<hbm>> -> memref<1x128x16xf32, #tpu.memory_space<hbm>>
      %dma_start3A_94 = tpu.memref_squeeze %dma_start3A_93 : memref<1x128x16xf32, #tpu.memory_space<hbm>> -> memref<128x16xf32, #tpu.memory_space<hbm>>
      %dma_start3A_95 = arith.constant 0 : i32
      %dma_start3A_96 = tpu.memref_slice %arg13[%add3A_87, %dma_start3A_95] : memref<10240x16xf32, #tpu.memory_space<vmem_shared>> -> memref<128x16xf32, #tpu.memory_space<vmem_shared>>
      tpu.enqueue_dma source(%dma_start3A_96 : memref<128x16xf32, #tpu.memory_space<vmem_shared>>) target(%dma_start3A_94 : memref<128x16xf32, #tpu.memory_space<hbm>>) target_semaphore(%run_scoped3A : memref<!tpu.dma_semaphore, #tpu.memory_space<semaphore_mem>>)
      %dma_wait3A_97 = arith.constant 0 : i32
      %dma_wait3A_98 = tpu.memref_slice %arg5[%arg0, %add3A_87, %dma_wait3A_97] : memref<2x10240x16xf32, #tpu.memory_space<hbm>> -> memref<1x128x16xf32, #tpu.memory_space<hbm>>
      %dma_wait3A_99 = tpu.memref_squeeze %dma_wait3A_98 : memref<1x128x16xf32, #tpu.memory_space<hbm>> -> memref<128x16xf32, #tpu.memory_space<hbm>>
      %dma_wait3A_100 = arith.constant 0 : i32
      %dma_wait3A_101 = tpu.memref_slice %arg13[%add3A_87, %dma_wait3A_100] : memref<10240x16xf32, #tpu.memory_space<vmem_shared>> -> memref<128x16xf32, #tpu.memory_space<vmem_shared>>
      tpu.wait_dma2 semaphore(%run_scoped3A : memref<!tpu.dma_semaphore, #tpu.memory_space<semaphore_mem>>) src(%dma_wait3A_101 : memref<128x16xf32, #tpu.memory_space<vmem_shared>>) dst(%dma_wait3A_99 : memref<128x16xf32, #tpu.memory_space<hbm>>)
      tpu.yield
    }) : () -> ()
    %mul3A_88 = arith.constant 640 : i32
    %mul3A_89 = arith.muli %arg1, %mul3A_88 : i32
    %add3A_90 = arith.constant 512 : i32
    %add3A_91 = arith.addi %mul3A_89, %add3A_90 : i32
    "tpu.region"() ({
      %run_scoped3A = tpu.sem_alloc : memref<!tpu.dma_semaphore, #tpu.memory_space<semaphore_mem>>
      %dma_start3A_92 = arith.constant 0 : i32
      %dma_start3A_93 = tpu.memref_slice %arg5[%arg0, %add3A_91, %dma_start3A_92] : memref<2x10240x16xf32, #tpu.memory_space<hbm>> -> memref<1x128x16xf32, #tpu.memory_space<hbm>>
      %dma_start3A_94 = tpu.memref_squeeze %dma_start3A_93 : memref<1x128x16xf32, #tpu.memory_space<hbm>> -> memref<128x16xf32, #tpu.memory_space<hbm>>
      %dma_start3A_95 = arith.constant 0 : i32
      %dma_start3A_96 = tpu.memref_slice %arg13[%add3A_91, %dma_start3A_95] : memref<10240x16xf32, #tpu.memory_space<vmem_shared>> -> memref<128x16xf32, #tpu.memory_space<vmem_shared>>
      tpu.enqueue_dma source(%dma_start3A_96 : memref<128x16xf32, #tpu.memory_space<vmem_shared>>) target(%dma_start3A_94 : memref<128x16xf32, #tpu.memory_space<hbm>>) target_semaphore(%run_scoped3A : memref<!tpu.dma_semaphore, #tpu.memory_space<semaphore_mem>>)
      %dma_wait3A_97 = arith.constant 0 : i32
      %dma_wait3A_98 = tpu.memref_slice %arg5[%arg0, %add3A_91, %dma_wait3A_97] : memref<2x10240x16xf32, #tpu.memory_space<hbm>> -> memref<1x128x16xf32, #tpu.memory_space<hbm>>
      %dma_wait3A_99 = tpu.memref_squeeze %dma_wait3A_98 : memref<1x128x16xf32, #tpu.memory_space<hbm>> -> memref<128x16xf32, #tpu.memory_space<hbm>>
      %dma_wait3A_100 = arith.constant 0 : i32
      %dma_wait3A_101 = tpu.memref_slice %arg13[%add3A_91, %dma_wait3A_100] : memref<10240x16xf32, #tpu.memory_space<vmem_shared>> -> memref<128x16xf32, #tpu.memory_space<vmem_shared>>
      tpu.wait_dma2 semaphore(%run_scoped3A : memref<!tpu.dma_semaphore, #tpu.memory_space<semaphore_mem>>) src(%dma_wait3A_101 : memref<128x16xf32, #tpu.memory_space<vmem_shared>>) dst(%dma_wait3A_99 : memref<128x16xf32, #tpu.memory_space<hbm>>)
      tpu.yield
    }) : () -> ()
    return
  }
}

module attributes {stable_mosaic.version = 14 : i64} {
  func.func @_k1_body(%arg0: i32, %arg1: memref<1000x128xf32, #tpu.memory_space<vmem>>, %arg2: memref<128x64xf32, #tpu.memory_space<vmem>>, %arg3: memref<64x8xf32, #tpu.memory_space<vmem>>, %arg4: memref<64x8xf32, #tpu.memory_space<vmem>>, %arg5: memref<1000x80xf32, #tpu.memory_space<vmem>>, %arg6: memref<1000x16xf32, #tpu.memory_space<vmem>>) attributes {dimension_semantics = [#tpu.dimension_semantics<arbitrary>], iteration_bounds = array<i64: 10>, scalar_prefetch = 0 : i64, scratch_operands = 0 : i64, tpu.core_type = #tpu.core_type<tc>, window_params = [{transform_indices = @transform_0, window_bounds = array<i64: 1000, 128>}, {pipeline_mode = #tpu.pipeline_mode<synchronous>, transform_indices = @transform_1, window_bounds = array<i64: 128, 64>}, {pipeline_mode = #tpu.pipeline_mode<synchronous>, transform_indices = @transform_2, window_bounds = array<i64: 64, 8>}, {pipeline_mode = #tpu.pipeline_mode<synchronous>, transform_indices = @transform_3, window_bounds = array<i64: 64, 8>}, {transform_indices = @transform_4, window_bounds = array<i64: 1000, 80>}, {transform_indices = @transform_5, window_bounds = array<i64: 1000, 16>}]} {
    %get3A = arith.constant 0 : index
    %get3A_0 = arith.constant 0 : index
    %get3A_1 = vector.load %arg1[%get3A, %get3A_0] : memref<1000x128xf32, #tpu.memory_space<vmem>>, vector<1000x128xf32>
    %get3A_2 = arith.constant 0 : index
    %get3A_3 = arith.constant 0 : index
    %get3A_4 = vector.load %arg2[%get3A_2, %get3A_3] : memref<128x64xf32, #tpu.memory_space<vmem>>, vector<128x64xf32>
    %dot_general3A = arith.constant dense<0.000000e+00> : vector<1000x64xf32>
    %dot_general3A_5 = tpu.matmul %get3A_1, %get3A_4, %dot_general3A {dimension_numbers = #tpu.dot_dimension_numbers<[1], [0], [0], [1], [0, 0, 1, 1], [], []>, transpose_lhs_hint = false} : vector<1000x128xf32>, vector<128x64xf32>, vector<1000x64xf32> -> vector<1000x64xf32>
    %get3A_6 = arith.constant 0 : index
    %get3A_7 = arith.constant 0 : index
    %get3A_8 = vector.load %arg3[%get3A_6, %get3A_7] : memref<64x8xf32, #tpu.memory_space<vmem>>, vector<64x8xf32>
    %dot_general3A_9 = arith.constant dense<0.000000e+00> : vector<1000x8xf32>
    %dot_general3A_10 = tpu.matmul %dot_general3A_5, %get3A_8, %dot_general3A_9 {dimension_numbers = #tpu.dot_dimension_numbers<[1], [0], [0], [1], [0, 0, 1, 1], [], []>, transpose_lhs_hint = false} : vector<1000x64xf32>, vector<64x8xf32>, vector<1000x8xf32> -> vector<1000x8xf32>
    %get3A_11 = arith.constant 0 : index
    %get3A_12 = arith.constant 0 : index
    %get3A_13 = vector.load %arg4[%get3A_11, %get3A_12] : memref<64x8xf32, #tpu.memory_space<vmem>>, vector<64x8xf32>
    %dot_general3A_14 = arith.constant dense<0.000000e+00> : vector<1000x8xf32>
    %dot_general3A_15 = tpu.matmul %dot_general3A_5, %get3A_13, %dot_general3A_14 {dimension_numbers = #tpu.dot_dimension_numbers<[1], [0], [0], [1], [0, 0, 1, 1], [], []>, transpose_lhs_hint = false} : vector<1000x64xf32>, vector<64x8xf32>, vector<1000x8xf32> -> vector<1000x8xf32>
    %concatenate3A = tpu.concatenate %dot_general3A_5, %dot_general3A_10, %dot_general3A_10 in 1 : vector<1000x64xf32>, vector<1000x8xf32>, vector<1000x8xf32> -> vector<1000x80xf32>
    %swap3A = arith.constant 0 : index
    %swap3A_16 = arith.constant 0 : index
    %swap3A_17 = vector.load %arg5[%swap3A, %swap3A_16] : memref<1000x80xf32, #tpu.memory_space<vmem>>, vector<1000x80xf32>
    tpu.vector_store %arg5[%swap3A, %swap3A_16], %concatenate3A {strides = array<i32>} : memref<1000x80xf32, #tpu.memory_space<vmem>>, vector<1000x80xf32>,
    %concatenate3A_18 = tpu.concatenate %dot_general3A_15, %dot_general3A_15 in 1 : vector<1000x8xf32>, vector<1000x8xf32> -> vector<1000x16xf32>
    %swap3A_19 = arith.constant 0 : index
    %swap3A_20 = arith.constant 0 : index
    %swap3A_21 = vector.load %arg6[%swap3A_19, %swap3A_20] : memref<1000x16xf32, #tpu.memory_space<vmem>>, vector<1000x16xf32>
    tpu.vector_store %arg6[%swap3A_19, %swap3A_20], %concatenate3A_18 {strides = array<i32>} : memref<1000x16xf32, #tpu.memory_space<vmem>>, vector<1000x16xf32>,
    return
  }
  func.func @transform_0(%arg0: i32) -> (i32, i32) {
    %c0_i32 = arith.constant 0 : i32
    %c0_i32_0 = arith.constant 0 : i32
    return %arg0, %c0_i32 : i32, i32
  }
  func.func @transform_1(%arg0: i32) -> (i32, i32) {
    %c0_i32 = arith.constant 0 : i32
    %c0_i32_0 = arith.constant 0 : i32
    %c0_i32_1 = arith.constant 0 : i32
    return %c0_i32, %c0_i32_0 : i32, i32
  }
  func.func @transform_2(%arg0: i32) -> (i32, i32) {
    %c0_i32 = arith.constant 0 : i32
    %c0_i32_0 = arith.constant 0 : i32
    %c0_i32_1 = arith.constant 0 : i32
    return %c0_i32, %c0_i32_0 : i32, i32
  }
  func.func @transform_3(%arg0: i32) -> (i32, i32) {
    %c0_i32 = arith.constant 0 : i32
    %c0_i32_0 = arith.constant 0 : i32
    %c0_i32_1 = arith.constant 0 : i32
    return %c0_i32, %c0_i32_0 : i32, i32
  }
  func.func @transform_4(%arg0: i32) -> (i32, i32) {
    %c0_i32 = arith.constant 0 : i32
    %c0_i32_0 = arith.constant 0 : i32
    return %arg0, %c0_i32 : i32, i32
  }
  func.func @transform_5(%arg0: i32) -> (i32, i32) {
    %c0_i32 = arith.constant 0 : i32
    %c0_i32_0 = arith.constant 0 : i32
    return %arg0, %c0_i32 : i32, i32
  }
}

module attributes {stable_mosaic.version = 14 : i64} {
  func.func @_k3_body(%arg0: i32, %arg1: memref<2x1000x80xf32, #tpu.memory_space<vmem>>, %arg2: memref<8x64xf32, #tpu.memory_space<vmem>>, %arg3: memref<1x64xf32, #tpu.memory_space<vmem>>, %arg4: memref<64x8xf32, #tpu.memory_space<vmem>>, %arg5: memref<8x1xf32, #tpu.memory_space<vmem>>, %arg6: memref<8x1xf32, #tpu.memory_space<vmem>>, %arg7: memref<1000x16xf32, #tpu.memory_space<vmem>>, %arg8: memref<1000x16xf32, #tpu.memory_space<vmem>>) attributes {dimension_semantics = [#tpu.dimension_semantics<arbitrary>], iteration_bounds = array<i64: 10>, scalar_prefetch = 0 : i64, scratch_operands = 0 : i64, tpu.core_type = #tpu.core_type<tc>, window_params = [{transform_indices = @transform_0, window_bounds = array<i64: 2, 1000, 80>}, {pipeline_mode = #tpu.pipeline_mode<synchronous>, transform_indices = @transform_1, window_bounds = array<i64: 8, 64>}, {pipeline_mode = #tpu.pipeline_mode<synchronous>, transform_indices = @transform_2, window_bounds = array<i64: 1, 64>}, {pipeline_mode = #tpu.pipeline_mode<synchronous>, transform_indices = @transform_3, window_bounds = array<i64: 64, 8>}, {pipeline_mode = #tpu.pipeline_mode<synchronous>, transform_indices = @transform_4, window_bounds = array<i64: 8, 1>}, {pipeline_mode = #tpu.pipeline_mode<synchronous>, transform_indices = @transform_5, window_bounds = array<i64: 8, 1>}, {transform_indices = @transform_6, window_bounds = array<i64: 1000, 16>}, {transform_indices = @transform_7, window_bounds = array<i64: 1000, 16>}]} {
    %get3A = arith.constant 0 : index
    %get3A_0 = arith.constant 0 : index
    %get3A_1 = arith.constant 0 : index
    %get3A_2 = vector.load %arg1[%get3A, %get3A_0, %get3A_1] : memref<2x1000x80xf32, #tpu.memory_space<vmem>>, vector<1x1000x80xf32>
    %get3A_3 = vector.shape_cast %get3A_2 : vector<1x1000x80xf32> to vector<1000x80xf32>
    %get3A_4 = arith.constant 1 : index
    %get3A_5 = arith.constant 0 : index
    %get3A_6 = arith.constant 0 : index
    %get3A_7 = vector.load %arg1[%get3A_4, %get3A_5, %get3A_6] : memref<2x1000x80xf32, #tpu.memory_space<vmem>>, vector<1x1000x80xf32>
    %get3A_8 = vector.shape_cast %get3A_7 : vector<1x1000x80xf32> to vector<1000x80xf32>
    %add3A = arith.addf %get3A_3, %get3A_8 : vector<1000x80xf32>
    %slice3A = vector.extract_strided_slice %add3A {offsets = [0, 0], sizes = [1000, 64], strides = [1, 1]} : vector<1000x80xf32> to vector<1000x64xf32>
    %slice3A_9 = vector.extract_strided_slice %add3A {offsets = [0, 64], sizes = [1000, 8], strides = [1, 1]} : vector<1000x80xf32> to vector<1000x8xf32>
    %get3A_10 = arith.constant 0 : index
    %get3A_11 = arith.constant 0 : index
    %get3A_12 = vector.load %arg2[%get3A_10, %get3A_11] : memref<8x64xf32, #tpu.memory_space<vmem>>, vector<8x64xf32>
    %dot_general3A = arith.constant dense<0.000000e+00> : vector<1000x64xf32>
    %dot_general3A_13 = tpu.matmul %slice3A_9, %get3A_12, %dot_general3A {dimension_numbers = #tpu.dot_dimension_numbers<[1], [0], [0], [1], [0, 0, 1, 1], [], []>, transpose_lhs_hint = false} : vector<1000x8xf32>, vector<8x64xf32>, vector<1000x64xf32> -> vector<1000x64xf32>
    %add3A_14 = arith.constant 1.000000e-16 : f32
    %add3A_15 = vector.broadcast %add3A_14 : f32 to vector<1000x64xf32>
    %add3A_16 = arith.addf %dot_general3A_13, %add3A_15 : vector<1000x64xf32>
    %div3A = arith.divf %slice3A, %add3A_16 : vector<1000x64xf32>
    %get3A_17 = arith.constant 0 : index
    %get3A_18 = arith.constant 0 : index
    %get3A_19 = vector.load %arg3[%get3A_17, %get3A_18] : memref<1x64xf32, #tpu.memory_space<vmem>>, vector<1x64xf32>
    %get3A_20 = vector.shape_cast %get3A_19 : vector<1x64xf32> to vector<64xf32>
    %broadcast_in_dim3A = vector.shape_cast %get3A_20 : vector<64xf32> to vector<1x64xf32>
    %add3A_21 = vector.broadcast %broadcast_in_dim3A : vector<1x64xf32> to vector<1000x64xf32>
    %add3A_22 = arith.addf %div3A, %add3A_21 : vector<1000x64xf32>
    %gt3A = arith.constant 0.000000e+00 : f32
    %gt3A_23 = vector.broadcast %gt3A : f32 to vector<1000x64xf32>
    %gt3A_24 = arith.cmpf ogt, %add3A_22, %gt3A_23 : vector<1000x64xf32>
    %min3A = arith.constant 0.000000e+00 : f32
    %min3A_25 = vector.broadcast %min3A : f32 to vector<1000x64xf32>
    %min3A_26 = arith.minimumf %add3A_22, %min3A_25 : vector<1000x64xf32>
    %exp3A = math.exp %min3A_26 : vector<1000x64xf32>
    %sub3A = arith.constant 1.000000e+00 : f32
    %sub3A_27 = vector.broadcast %sub3A : f32 to vector<1000x64xf32>
    %sub3A_28 = arith.subf %exp3A, %sub3A_27 : vector<1000x64xf32>
    %select_n3A = arith.select %gt3A_24, %add3A_22, %sub3A_28 : vector<1000x64xi1>, vector<1000x64xf32>
    %get3A_29 = arith.constant 0 : index
    %get3A_30 = arith.constant 0 : index
    %get3A_31 = vector.load %arg4[%get3A_29, %get3A_30] : memref<64x8xf32, #tpu.memory_space<vmem>>, vector<64x8xf32>
    %dot_general3A_32 = arith.constant dense<0.000000e+00> : vector<1000x8xf32>
    %dot_general3A_33 = tpu.matmul %select_n3A, %get3A_31, %dot_general3A_32 {dimension_numbers = #tpu.dot_dimension_numbers<[1], [0], [0], [1], [0, 0, 1, 1], [], []>, transpose_lhs_hint = false} : vector<1000x64xf32>, vector<64x8xf32>, vector<1000x8xf32> -> vector<1000x8xf32>
    %get3A_34 = arith.constant 0 : index
    %get3A_35 = arith.constant 0 : index
    %get3A_36 = vector.load %arg5[%get3A_34, %get3A_35] : memref<8x1xf32, #tpu.memory_space<vmem>>, vector<8x1xf32>
    %dot_general3A_37 = arith.constant dense<0.000000e+00> : vector<1000x1xf32>
    %dot_general3A_38 = tpu.matmul %dot_general3A_33, %get3A_36, %dot_general3A_37 {dimension_numbers = #tpu.dot_dimension_numbers<[1], [0], [0], [1], [0, 0, 1, 1], [], []>, transpose_lhs_hint = false} : vector<1000x8xf32>, vector<8x1xf32>, vector<1000x1xf32> -> vector<1000x1xf32>
    %get3A_39 = arith.constant 0 : index
    %get3A_40 = arith.constant 0 : index
    %get3A_41 = vector.load %arg6[%get3A_39, %get3A_40] : memref<8x1xf32, #tpu.memory_space<vmem>>, vector<8x1xf32>
    %dot_general3A_42 = arith.constant dense<0.000000e+00> : vector<1000x1xf32>
    %dot_general3A_43 = tpu.matmul %dot_general3A_33, %get3A_41, %dot_general3A_42 {dimension_numbers = #tpu.dot_dimension_numbers<[1], [0], [0], [1], [0, 0, 1, 1], [], []>, transpose_lhs_hint = false} : vector<1000x8xf32>, vector<8x1xf32>, vector<1000x1xf32> -> vector<1000x1xf32>
    %broadcast_in_dim3A_44 = arith.constant 0.000000e+00 : f32
    %broadcast_in_dim3A_45 = vector.broadcast %broadcast_in_dim3A_44 : f32 to vector<1000x7xf32>
    %broadcast_in_dim3A_46 = arith.constant 0.000000e+00 : f32
    %broadcast_in_dim3A_47 = vector.broadcast %broadcast_in_dim3A_46 : f32 to vector<1000x8xf32>
    %concatenate3A = tpu.concatenate %dot_general3A_33, %dot_general3A_38, %broadcast_in_dim3A_45 in 1 : vector<1000x8xf32>, vector<1000x1xf32>, vector<1000x7xf32> -> vector<1000x16xf32>
    %swap3A = arith.constant 0 : index
    %swap3A_48 = arith.constant 0 : index
    %swap3A_49 = vector.load %arg7[%swap3A, %swap3A_48] : memref<1000x16xf32, #tpu.memory_space<vmem>>, vector<1000x16xf32>
    tpu.vector_store %arg7[%swap3A, %swap3A_48], %concatenate3A {strides = array<i32>} : memref<1000x16xf32, #tpu.memory_space<vmem>>, vector<1000x16xf32>,
    %concatenate3A_50 = tpu.concatenate %broadcast_in_dim3A_47, %dot_general3A_43, %broadcast_in_dim3A_45 in 1 : vector<1000x8xf32>, vector<1000x1xf32>, vector<1000x7xf32> -> vector<1000x16xf32>
    %swap3A_51 = arith.constant 0 : index
    %swap3A_52 = arith.constant 0 : index
    %swap3A_53 = vector.load %arg8[%swap3A_51, %swap3A_52] : memref<1000x16xf32, #tpu.memory_space<vmem>>, vector<1000x16xf32>
    tpu.vector_store %arg8[%swap3A_51, %swap3A_52], %concatenate3A_50 {strides = array<i32>} : memref<1000x16xf32, #tpu.memory_space<vmem>>, vector<1000x16xf32>,
    return
  }
  func.func @transform_0(%arg0: i32) -> (i32, i32, i32) {
    %c0_i32 = arith.constant 0 : i32
    %c0_i32_0 = arith.constant 0 : i32
    %c0_i32_1 = arith.constant 0 : i32
    return %c0_i32, %arg0, %c0_i32_0 : i32, i32, i32
  }
  func.func @transform_1(%arg0: i32) -> (i32, i32) {
    %c0_i32 = arith.constant 0 : i32
    %c0_i32_0 = arith.constant 0 : i32
    %c0_i32_1 = arith.constant 0 : i32
    return %c0_i32, %c0_i32_0 : i32, i32
  }
  func.func @transform_2(%arg0: i32) -> (i32, i32) {
    %c0_i32 = arith.constant 0 : i32
    %c0_i32_0 = arith.constant 0 : i32
    %c0_i32_1 = arith.constant 0 : i32
    return %c0_i32, %c0_i32_0 : i32, i32
  }
  func.func @transform_3(%arg0: i32) -> (i32, i32) {
    %c0_i32 = arith.constant 0 : i32
    %c0_i32_0 = arith.constant 0 : i32
    %c0_i32_1 = arith.constant 0 : i32
    return %c0_i32, %c0_i32_0 : i32, i32
  }
  func.func @transform_4(%arg0: i32) -> (i32, i32) {
    %c0_i32 = arith.constant 0 : i32
    %c0_i32_0 = arith.constant 0 : i32
    %c0_i32_1 = arith.constant 0 : i32
    return %c0_i32, %c0_i32_0 : i32, i32
  }
  func.func @transform_5(%arg0: i32) -> (i32, i32) {
    %c0_i32 = arith.constant 0 : i32
    %c0_i32_0 = arith.constant 0 : i32
    %c0_i32_1 = arith.constant 0 : i32
    return %c0_i32, %c0_i32_0 : i32, i32
  }
  func.func @transform_6(%arg0: i32) -> (i32, i32) {
    %c0_i32 = arith.constant 0 : i32
    %c0_i32_0 = arith.constant 0 : i32
    return %arg0, %c0_i32 : i32, i32
  }
  func.func @transform_7(%arg0: i32) -> (i32, i32) {
    %c0_i32 = arith.constant 0 : i32
    %c0_i32_0 = arith.constant 0 : i32
    return %arg0, %c0_i32 : i32, i32
  }
}

module attributes {stable_mosaic.version = 14 : i64} {
  func.func @_k5_body(%arg0: memref<2x10240x16xf32, #tpu.memory_space<vmem>>, %arg1: memref<10000x1xi32, #tpu.memory_space<vmem>>, %arg2: memref<8x8xf32, #tpu.memory_space<vmem>>, %arg3: memref<1x8xf32, #tpu.memory_space<vmem>>, %arg4: memref<8x20xf32, #tpu.memory_space<vmem>>, %arg5: memref<1x20xf32, #tpu.memory_space<vmem>>, %arg6: memref<20x10xf32, #tpu.memory_space<vmem>>, %arg7: memref<1x10xf32, #tpu.memory_space<vmem>>, %arg8: memref<64x10xf32, #tpu.memory_space<vmem>>) attributes {dimension_semantics = [], scalar_prefetch = 0 : i64, scratch_operands = 0 : i64, tpu.core_type = #tpu.core_type<tc>} {
    %get3A = arith.constant 0 : index
    %get3A_0 = arith.constant 0 : index
    %get3A_1 = arith.constant 0 : index
    %get3A_2 = vector.load %arg0[%get3A, %get3A_0, %get3A_1] : memref<2x10240x16xf32, #tpu.memory_space<vmem>>, vector<1x10240x16xf32>
    %get3A_3 = vector.shape_cast %get3A_2 : vector<1x10240x16xf32> to vector<10240x16xf32>
    %get3A_4 = arith.constant 1 : index
    %get3A_5 = arith.constant 0 : index
    %get3A_6 = arith.constant 0 : index
    %get3A_7 = vector.load %arg0[%get3A_4, %get3A_5, %get3A_6] : memref<2x10240x16xf32, #tpu.memory_space<vmem>>, vector<1x10240x16xf32>
    %get3A_8 = vector.shape_cast %get3A_7 : vector<1x10240x16xf32> to vector<10240x16xf32>
    %add3A = arith.addf %get3A_3, %get3A_8 : vector<10240x16xf32>
    %slice3A = vector.extract_strided_slice %add3A {offsets = [0, 0], sizes = [10000, 8], strides = [1, 1]} : vector<10240x16xf32> to vector<10000x8xf32>
    %slice3A_9 = vector.extract_strided_slice %add3A {offsets = [0, 8], sizes = [10000, 8], strides = [1, 1]} : vector<10240x16xf32> to vector<10000x8xf32>
    %get3A_10 = arith.constant 0 : index
    %get3A_11 = arith.constant 0 : index
    %get3A_12 = vector.load %arg2[%get3A_10, %get3A_11] : memref<8x8xf32, #tpu.memory_space<vmem>>, vector<8x8xf32>
    %dot_general3A = arith.constant dense<0.000000e+00> : vector<10000x8xf32>
    %dot_general3A_13 = tpu.matmul %slice3A_9, %get3A_12, %dot_general3A {dimension_numbers = #tpu.dot_dimension_numbers<[1], [0], [0], [1], [0, 0, 1, 1], [], []>, transpose_lhs_hint = false} : vector<10000x8xf32>, vector<8x8xf32>, vector<10000x8xf32> -> vector<10000x8xf32>
    %add3A_14 = arith.constant 1.000000e-16 : f32
    %add3A_15 = vector.broadcast %add3A_14 : f32 to vector<10000x8xf32>
    %add3A_16 = arith.addf %dot_general3A_13, %add3A_15 : vector<10000x8xf32>
    %div3A = arith.divf %slice3A, %add3A_16 : vector<10000x8xf32>
    %get3A_17 = arith.constant 0 : index
    %get3A_18 = arith.constant 0 : index
    %get3A_19 = vector.load %arg3[%get3A_17, %get3A_18] : memref<1x8xf32, #tpu.memory_space<vmem>>, vector<1x8xf32>
    %get3A_20 = vector.shape_cast %get3A_19 : vector<1x8xf32> to vector<8xf32>
    %broadcast_in_dim3A = vector.shape_cast %get3A_20 : vector<8xf32> to vector<1x8xf32>
    %add3A_21 = vector.broadcast %broadcast_in_dim3A : vector<1x8xf32> to vector<10000x8xf32>
    %add3A_22 = arith.addf %div3A, %add3A_21 : vector<10000x8xf32>
    %iota3A = tpu.iota {dimensions = array<i32: 1>} : vector<10000x64xi32>
    %get3A_23 = arith.constant 0 : index
    %get3A_24 = arith.constant 0 : index
    %get3A_25 = vector.load %arg1[%get3A_23, %get3A_24] : memref<10000x1xi32, #tpu.memory_space<vmem>>, vector<10000x1xi32>
    %eq3A = vector.broadcast %get3A_25 : vector<10000x1xi32> to vector<10000x64xi32>
    %eq3A_26 = arith.cmpi eq, %eq3A, %iota3A : vector<10000x64xi32>
    %convert_element_type3A = arith.extui %eq3A_26 : vector<10000x64xi1> to vector<10000x64xi32>
    %convert_element_type3A_27 = arith.sitofp %convert_element_type3A : vector<10000x64xi32> to vector<10000x64xf32>
    %dot_general3A_28 = arith.constant dense<0.000000e+00> : vector<64x8xf32>
    %dot_general3A_29 = tpu.matmul %convert_element_type3A_27, %add3A_22, %dot_general3A_28 {dimension_numbers = #tpu.dot_dimension_numbers<[0], [0], [1], [1], [0, 1, 1, 1], [], []>, transpose_lhs_hint = false} : vector<10000x64xf32>, vector<10000x8xf32>, vector<64x8xf32> -> vector<64x8xf32>
    %broadcast_in_dim3A_30 = arith.constant 1.000000e+00 : f32
    %broadcast_in_dim3A_31 = vector.broadcast %broadcast_in_dim3A_30 : f32 to vector<10000x1xf32>
    %dot_general3A_32 = arith.constant dense<0.000000e+00> : vector<64x1xf32>
    %dot_general3A_33 = tpu.matmul %convert_element_type3A_27, %broadcast_in_dim3A_31, %dot_general3A_32 {dimension_numbers = #tpu.dot_dimension_numbers<[0], [0], [1], [1], [0, 1, 1, 1], [], []>, transpose_lhs_hint = false} : vector<10000x64xf32>, vector<10000x1xf32>, vector<64x1xf32> -> vector<64x1xf32>
    %max3A = arith.constant 1.000000e+00 : f32
    %max3A_34 = vector.broadcast %max3A : f32 to vector<64x1xf32>
    %max3A_35 = arith.maximumf %dot_general3A_33, %max3A_34 : vector<64x1xf32>
    %div3A_36 = vector.broadcast %max3A_35 : vector<64x1xf32> to vector<64x8xf32>
    %div3A_37 = arith.divf %dot_general3A_29, %div3A_36 : vector<64x8xf32>
    %get3A_38 = arith.constant 0 : index
    %get3A_39 = arith.constant 0 : index
    %get3A_40 = vector.load %arg4[%get3A_38, %get3A_39] : memref<8x20xf32, #tpu.memory_space<vmem>>, vector<8x20xf32>
    %dot_general3A_41 = arith.constant dense<0.000000e+00> : vector<64x20xf32>
    %dot_general3A_42 = tpu.matmul %div3A_37, %get3A_40, %dot_general3A_41 {dimension_numbers = #tpu.dot_dimension_numbers<[1], [0], [0], [1], [0, 0, 1, 1], [], []>, transpose_lhs_hint = false} : vector<64x8xf32>, vector<8x20xf32>, vector<64x20xf32> -> vector<64x20xf32>
    %get3A_43 = arith.constant 0 : index
    %get3A_44 = arith.constant 0 : index
    %get3A_45 = vector.load %arg5[%get3A_43, %get3A_44] : memref<1x20xf32, #tpu.memory_space<vmem>>, vector<1x20xf32>
    %get3A_46 = vector.shape_cast %get3A_45 : vector<1x20xf32> to vector<20xf32>
    %broadcast_in_dim3A_47 = vector.shape_cast %get3A_46 : vector<20xf32> to vector<1x20xf32>
    %add3A_48 = vector.broadcast %broadcast_in_dim3A_47 : vector<1x20xf32> to vector<64x20xf32>
    %add3A_49 = arith.addf %dot_general3A_42, %add3A_48 : vector<64x20xf32>
    %max3A_50 = arith.constant 0.000000e+00 : f32
    %max3A_51 = vector.broadcast %max3A_50 : f32 to vector<64x20xf32>
    %max3A_52 = arith.maximumf %add3A_49, %max3A_51 : vector<64x20xf32>
    %get3A_53 = arith.constant 0 : index
    %get3A_54 = arith.constant 0 : index
    %get3A_55 = vector.load %arg6[%get3A_53, %get3A_54] : memref<20x10xf32, #tpu.memory_space<vmem>>, vector<20x10xf32>
    %dot_general3A_56 = arith.constant dense<0.000000e+00> : vector<64x10xf32>
    %dot_general3A_57 = tpu.matmul %max3A_52, %get3A_55, %dot_general3A_56 {dimension_numbers = #tpu.dot_dimension_numbers<[1], [0], [0], [1], [0, 0, 1, 1], [], []>, transpose_lhs_hint = false} : vector<64x20xf32>, vector<20x10xf32>, vector<64x10xf32> -> vector<64x10xf32>
    %get3A_58 = arith.constant 0 : index
    %get3A_59 = arith.constant 0 : index
    %get3A_60 = vector.load %arg7[%get3A_58, %get3A_59] : memref<1x10xf32, #tpu.memory_space<vmem>>, vector<1x10xf32>
    %get3A_61 = vector.shape_cast %get3A_60 : vector<1x10xf32> to vector<10xf32>
    %broadcast_in_dim3A_62 = vector.shape_cast %get3A_61 : vector<10xf32> to vector<1x10xf32>
    %add3A_63 = vector.broadcast %broadcast_in_dim3A_62 : vector<1x10xf32> to vector<64x10xf32>
    %add3A_64 = arith.addf %dot_general3A_57, %add3A_63 : vector<64x10xf32>
    %reduce_max3A = arith.constant dense<0xFF800000> : vector<64xf32>
    %reduce_max3A_65 = vector.multi_reduction <maximumf>, %add3A_64, %reduce_max3A [1] : vector<64x10xf32> to vector<64xf32>
    %broadcast_in_dim3A_66 = vector.shape_cast %reduce_max3A_65 : vector<64xf32> to vector<64x1xf32>
    %sub3A = vector.broadcast %broadcast_in_dim3A_66 : vector<64x1xf32> to vector<64x10xf32>
    %sub3A_67 = arith.subf %add3A_64, %sub3A : vector<64x10xf32>
    %exp3A = math.exp %sub3A_67 : vector<64x10xf32>
    %reduce_sum3A = arith.constant dense<0.000000e+00> : vector<64xf32>
    %reduce_sum3A_68 = vector.multi_reduction <add>, %exp3A, %reduce_sum3A [1] : vector<64x10xf32> to vector<64xf32>
    %broadcast_in_dim3A_69 = vector.shape_cast %reduce_sum3A_68 : vector<64xf32> to vector<64x1xf32>
    %log3A = math.log %broadcast_in_dim3A_69 : vector<64x1xf32>
    %add3A_70 = arith.addf %log3A, %broadcast_in_dim3A_66 : vector<64x1xf32>
    %sub3A_71 = vector.broadcast %add3A_70 : vector<64x1xf32> to vector<64x10xf32>
    %sub3A_72 = arith.subf %add3A_64, %sub3A_71 : vector<64x10xf32>
    %swap3A = arith.constant 0 : index
    %swap3A_73 = arith.constant 0 : index
    %swap3A_74 = vector.load %arg8[%swap3A, %swap3A_73] : memref<64x10xf32, #tpu.memory_space<vmem>>, vector<64x10xf32>
    tpu.vector_store %arg8[%swap3A, %swap3A_73], %sub3A_72 {strides = array<i32>} : memref<64x10xf32, #tpu.memory_space<vmem>>, vector<64x10xf32>,
    return
  }
}

</mosaic_0001>

<sc_bundles>
// kernel: kernel.10.cloned.1.call-start
scs
__scs_entry_jumppad:
0x0: {  	(pc) =	sbr.rel $0x88, $3  }
0x1: {  	(tag) =	ssettag $0x0;
	lr =	simm.s32 $0x1  }
0x2: {  	[smem:$0x3F92] =	sst lr;
	_ =	strace $0xD0000000  }
0x3: {  	_ = 	snop  }
0x4: {  	_ = 	snop  }
0x5: {  	_ = 	snop  }
0x6: {  	_ = 	snop  }
0x7: {  	_ = 	snop  }
__scs_overlays_trampoline_lowered:
0x8: {  	[smem:$0x3FA1] =	sst s0  }
0x9: {  	[smem:$0x3FA2] =	sst s1  }
0xa: {  	[smem:$0x3FA3] =	sst s2  }
0xb: {  	[smem:$0x3FA4] =	sst s3  }
0xc: {  	[smem:$0x3FA5] =	sst s4  }
0xd: {  	[smem:$0x3FA6] =	sst s5  }
0xe: {  	[smem:$0x3FA7] =	sst s6  }
0xf: {  	[smem:$0x3FA8] =	sst s7  }
0x10: {  	[smem:$0x3FA9] =	sst s8  }
0x11: {  	[smem:$0x3FAA] =	sst s9;
	s0 =	simm.s32 @!p0 $0x0  }
0x12: {  	s1 =	sld [smem:$0x3F90];
	s0 =	simm.s32 @p0 $0x1  }
0x13: {  	[smem:$0x3FAB] =	sst s0;
	s0 =	simm.s32 @!p1 $0x0  }
0x14: {  	s2 =	sld [smem:$0x3F8F];
	s0 =	simm.s32 @p1 $0x1  }
0x15: {  	[smem:$0x3FAC] =	sst s0;
	s0 =	simm.s32 @!p2 $0x0  }
0x16: {  	s3 =	sld [smem:$0x3FDB];
	s0 =	simm.s32 @p2 $0x1  }
0x17: {  	s4 =	simm.s32 $0x1BF5;
	[smem:$0x3FAE] =	sst s0  }
0x18: {  	s0 =	sld [smem:$0x3F91];
	_ =	swait.ge [sflag:s4], $0x0  }
0x19: {  	s7 =	sld [smem:$0x3F92]  }
0x1a: {  	s8 =	sadd.s32 $0xFFFFE003, lr  }
0x1b: {  	s9 =	sadd.s32 $0xFFFFFEF7, lr;
	s5 =	simm.s32 $0xFFFFFFFF;
	p2 =	slt.u32 s8, $0xFFFFF086  }
0x1c: {  	p1 =	slt.u32 s9, $0xF7A;
	s5 =	simm.s32 @!p2 $0x0  }
0x1d: {  	s5 =	simm.s32 @p1 $0x1;
	p0 =	seq.s32 s7, s2  }
0x1e: {  	s7 =	smul.u32 @!p0 $0xF7A, s2;
	p2 =	seq.s32 @!p0 s5, $0x0  }
0x1f: {  	s9 =	smul.u32 $0xF7A, s1;
	s8 =	simm.s32 @!p0 $0x1BF5;
	p2 =	por !p2, p0  }
0x20: {  	[sflag:s8] =	ssyncset.s32 @!p0 $0xFFFFF086;
	s6 =	sadd.s32 @!p0 s3, s7;
	s7 =	simm.s32 @!p0 $0x108  }
0x21: {  	s3 =	sadd.s32 s3, s9;
	s6 =	sadd.s32 @!p0 $0x88, s6;
	s7 =	simm.s32 @p2 $0x1082  }
0x22: {  	[simem:s7], [sflag:s8] =	dma.local @!p0 [hbm:s6], $0xF7A  }
0x23: {  	s9 =	sor.u32 $0xD0000000, s2;
	s6 =	simm.s32 $0x108;
	_ =	swait.ge @!p0 [sflag:s8], $0x0  }
0x24: {  	s3 =	sadd.s32 $0x88, s3;
	s6 =	simm.s32 @!p1 $0x1082;
	[sflag:s4] =	ssyncset.s32 $0xFFFFF086  }
0x25: {  	[simem:s6], [sflag:s4] =	dma.local [hbm:s3], $0xF7A  }
0x26: {  	[smem:$0x3F92] =	sst s1;
	(tag) =	ssettag s2;
	_ =	strace s9  }
0x27: {  	s1 =	sld [smem:$0x3FA2]  }
0x28: {  	s2 =	sld [smem:$0x3FA3]  }
0x29: {  	s4 =	sld [smem:$0x3FA5]  }
0x2a: {  	p0 =	seq.s32 s5, $0x0;
	s5 =	sld [smem:$0x3FA6]  }
0x2b: {  	s6 =	sld [smem:$0x3FA7]  }
0x2c: {  	s7 =	sld [smem:$0x3FA8]  }
0x2d: {  	s3 =	simm.s32 $0x108;
	s8 =	sld [smem:$0x3FA9]  }
0x2e: {  	s3 =	simm.s32 @!p0 $0x1082;
	s9 =	sld [smem:$0x3FAA]  }
0x2f: {  	lr =	sadd.s32 s0, s3;
	s0 =	sld [smem:$0x3FA1]  }
0x30: {  	s3 =	sld [smem:$0x3FA4]  }
0x31: {  	[smem:$0x3FAD] =	sst s10  }
0x32: {  	s10 =	sld [smem:$0x3FAB];
	_ =	sdelay $0x3  }
0x33: {  	p0 =	seq.s32 s10, $0x1;
	s10 =	sld [smem:$0x3FAD];
	_ =	sdelay $0x3  }
0x34: {  	[smem:$0x3FAD] =	sst s10  }
0x35: {  	s10 =	sld [smem:$0x3FAC];
	_ =	sdelay $0x3  }
0x36: {  	p1 =	seq.s32 s10, $0x1;
	s10 =	sld [smem:$0x3FAD];
	_ =	sdelay $0x3  }
0x37: {  	[smem:$0x3FAD] =	sst s10  }
0x38: {  	s10 =	sld [smem:$0x3FAE]  }
0x39: {  	_ = 	snop;
	(pc) =	sbr.ind lr, $3  }
0x3a: {  	_ = 	snop  }
0x3b: {  	_ = 	snop  }
0x3c: {  	p2 =	seq.s32 s10, $0x1;
	s10 =	sld [smem:$0x3FAD]  }
0x3d: {  	_ =	shalt  }
0x3e: {  	_ =	shalt  }
0x3f: {  	_ =	shalt  }
0x40: {  	_ =	shalt  }
0x41: {  	_ =	shalt  }
0x42: {  	_ =	shalt  }
0x43: {  	_ =	shalt  }
0x44: {  	_ =	shalt  }
0x45: {  	_ =	shalt  }
0x46: {  	_ =	shalt  }
0x47: {  	_ =	shalt  }
0x48: {  	_ =	shalt  }
0x49: {  	_ =	shalt  }
0x4a: {  	_ =	shalt  }
0x4b: {  	_ =	shalt  }
0x4c: {  	_ =	shalt  }
0x4d: {  	_ =	shalt  }
0x4e: {  	_ =	shalt  }
0x4f: {  	_ =	shalt  }
0x50: {  	_ =	shalt  }
0x51: {  	_ =	shalt  }
0x52: {  	_ =	shalt  }
0x53: {  	_ =	shalt  }
0x54: {  	_ =	shalt  }
0x55: {  	_ =	shalt  }
0x56: {  	_ =	shalt  }
0x57: {  	_ =	shalt  }
0x58: {  	_ =	shalt  }
0x59: {  	_ =	shalt  }
0x5a: {  	_ =	shalt  }
0x5b: {  	_ =	shalt  }
0x5c: {  	_ =	shalt  }
0x5d: {  	_ =	shalt  }
0x5e: {  	_ =	shalt  }
0x5f: {  	_ =	shalt  }
0x60: {  	_ =	shalt  }
0x61: {  	_ =	shalt  }
0x62: {  	_ =	shalt  }
0x63: {  	_ =	shalt  }
0x64: {  	_ =	shalt  }
0x65: {  	_ =	shalt  }
0x66: {  	_ =	shalt  }
0x67: {  	_ =	shalt  }
0x68: {  	_ =	shalt  }
0x69: {  	_ =	shalt  }
0x6a: {  	_ =	shalt  }
0x6b: {  	_ =	shalt  }
0x6c: {  	_ =	shalt  }
0x6d: {  	_ =	shalt  }
0x6e: {  	_ =	shalt  }
0x6f: {  	_ =	shalt  }
0x70: {  	_ =	shalt  }
0x71: {  	_ =	shalt  }
0x72: {  	_ =	shalt  }
0x73: {  	_ =	shalt  }
0x74: {  	_ =	shalt  }
0x75: {  	_ =	shalt  }
0x76: {  	_ =	shalt  }
0x77: {  	_ =	shalt  }
0x78: {  	_ =	shalt  }
0x79: {  	_ =	shalt  }
0x7a: {  	_ =	shalt  }
0x7b: {  	_ =	shalt  }
0x7c: {  	_ =	shalt  }
0x7d: {  	_ =	shalt  }
0x7e: {  	_ =	shalt  }
0x7f: {  	_ =	shalt  }
0x80: {  	_ =	shalt  }
0x81: {  	_ =	shalt  }
0x82: {  	_ =	shalt  }
0x83: {  	_ =	shalt  }
0x84: {  	_ =	shalt  }
0x85: {  	_ =	shalt  }
0x86: {  	_ =	shalt  }
0x87: {  	_ =	shalt  }
.Lfunc_end0:
.L_simem_size_0:
called_computation.1_lowered:
.L_overlay_start_0:
0x88: {  	s2 =	sld [smem:$0x3FD9]  }
0x89: {  	s3 =	sld [smem:$0x3FFE];
	_ =	sdelay $0x1  }
0x8a: {  	s1 =	srdreg.scid  }
0x8b: {  	s0 =	sand.u32 $0x1, s1  }
0x8c: {  	s16 =	sshll.u32 s0, $0xA;
	s2 =	sadd.s32 s3, s2  }
0x8d: {  	s2 =	sadd.s32 s2, s16  }
0x8e: {  	[smem:$0x3FB9] =	sst s2  }
0x8f: {  	_ = 	snop  }
0x90: {  	(tm) =	ssettm $0x1  }
0x91: {  	s17 =	sld [smem:$0x3FFB];
	_ =	sdelay $0x3  }
0x92: {  	_ =	strace s17  }
0x93: {  	s2 =	sld [smem:$0x3FFC];
	_ =	sdelay $0x3  }
0x94: {  	_ =	strace s2  }
0x95: {  	s2 =	sld [smem:$0x3FFD];
	_ =	sdelay $0x3  }
0x96: {  	_ =	strace s2  }
0x97: {  	_ =	strace $0x8FFFFFFF  }
0x98: {  	s18 =	sld [smem:$0x3FDB];
	_ =	sdelay $0x1  }
0x99: {  	s19 =	simm.s32 $_scs_section_size  }
0x9a: {  	s4 =	simm.s32 $_size__tile_overlayer_lowered;
	s5 =	simm.s32 $_tile_overlayer_lowered  }
0x9b: {  	s22 =	simm.s32 $0x1BFF;
	s21 =	sshll.u32 s5, $0x1;
	s2 =	sadd.s32 s19, s18  }
0x9c: {  	s6 =	simm.s32 $0x0;
	s20 =	sshll.u32 s4, $0x1;
	s4 =	sadd.s32 s21, s2  }
0x9d: {  	[timem:s6], [sflag:s22] =	dma.local [hbm:s4], s20  }
0x9e: {  	_ =	swait.ge [sflag:s22], s20  }
0x9f: {  	s3 =	ssub.s32 $0x0, s20;
	[sflag:s22] =	ssyncset.done $0x0  }
0xa0: {  	[sflag:s22] =	ssyncadd.s32 s3;
	_ =	sdelay $0x1  }
0xa1: {  	s23 =	simm.s32 $0x1B8B  }
0xa2: {  	_ =	swait.ge [sflag:s23], $0x1  }
0xa3: {  	[sflag:s23] =	ssyncset.done $0x0  }
0xa4: {  	s25 =	simm.s32 $0x1B8E;
	s24 =	sld [smem:$0x3FFE];
	[sflag:s23] =	ssyncadd.s32 $0xFFFFFFFF  }
0xa5: {  	s26 =	simm.s32 $execute0_lowered;
	[smem:$0x3FD2] =	sst s25  }
0xa6: {  	s4 =	sshll.u32 s26, $0x1;
	_ =	strace $0x80000049;
	[dreg:$0x1] =	wrdreg $0xFFFFFFFF  }
0xa7: {  	s28 =	simm.s32 $_size_execute0_lowered;
	s2 =	sadd.s32 s2, s4;
	[dreg:$0x0] =	wrdreg $0x0  }
0xa8: {  	s4 =	sshll.u32 s28, $0x1;
	[dreg:$0x2] =	wrdreg s2  }
0xa9: {  	[dreg:$0x3] =	wrdreg s4  }
0xaa: {  	[dreg:$0x4] =	wrdreg $0xC0  }
0xab: {  	_ =	task [dreg:s6], $0x5FFFF  }
0xac: {  	[dreg:$0x1] =	wrdreg $0xFFFFFFFF  }
0xad: {  	[dreg:$0x0] =	wrdreg $0x60  }
0xae: {  	[dreg:$0x2] =	wrdreg s24  }
0xaf: {  	[dreg:$0x3] =	wrdreg $0x82000  }
0xb0: {  	[dreg:$0x4] =	wrdreg $0x9  }
0xb1: {  	_ =	task.clear_ibuf [dreg:s6], $0x5FFFF;
	_ =	strace $0x90000049  }
0xb2: {  	s29 =	simm.s32 $0x9;
	_ =	strace $0x8000004B  }
0xb3: {  	_ =	swait.ge [sflag:s29], $0x1  }
0xb4: {  	[sflag:s29] =	ssyncadd.s32 $0xFFFFFFFF  }
0xb5: {  	_ =	strace $0x9000004B  }
0xb6: {  	_ =	sfence  }
0xb7: {  	s30 =	sld [smem:$0x0];
	_ =	sdelay $0x2  }
0xb8: {  	s31 =	sshll.u32 s1, $0xD;
	s1 =	sshrl.u32 s1, $0x2  }
0xb9: {  	s3 =	sand.u32 $0x4000, s31;
	s1 =	sadd.s32 s1, s30  }
0xba: {  	s0 =	sor.u32 s3, s0;
	s1 =	sshll.u32 s1, $0x11  }
0xbb: {  	s0 =	sor.u32 s1, s0  }
0xbc: {  	s0 =	sadd.s32 $0x8F2B, s0  }
0xbd: {  	[sflag:s0] =	ssyncadd.remote.s32 $0x1  }
0xbe: {  	_ =	sfence.sel $0xFFFF  }
0xbf: {  	[dreg:$0x0] =	wrdreg $0xFFFFFFFF;
	(pc) =	sbr.abs _section_cstart, $3  }
0xc0: {  	[dreg:$0x1] =	wrdreg $0xFFFFFFFF  }
0xc1: {  	_ =	task.clear_ibuf [dreg:s6], $0x2FFFF;
	_ =	strace $0x9FFFFFFF  }
0xc2: {  	(tm) =	ssettm $0x7FFFFFFF  }
0xc3: {  	_ =	shalt  }
tec
execute0_lowered:
.L_overlay_start_1:
0x0: {  	(tag) =	ssettag $0x1  }
0x1: {  	s0 =	rddreg [dreg:$0x0]  }
0x2: {  	s1 =	rddreg [dreg:$0x1];
	s2 =	srdreg.scid  }
0x3: {  	s4 =	simm.s32 $0x0;
	s8 =	stileid.u32;
	s18 =	simm.s32 $0x5  }
0x4: {  	s19 =	simm.s32 $0x7200;
	s20 =	simm.s32 $0x80;
	s23 =	simm.s32 $0x5A00  }
0x5: {  	s28 =	simm.s32 $0x7A00;
	s29 =	simm.s32 $0x3;
	s30 =	simm.s32 $0x4  }
0x6: {  	s31 =	simm.s32 $0x0;
	s2 =	sand.u32 $0x1, s2;
	[smem:$0x7FF] =	sst s4  }
0x7: {  	s4 =	sadd.s32 $0x7400, s0;
	s5 =	sadd.s32 $0x2400, s0;
	s11 =	smul.u32 $0x2800, s8  }
0x8: {  	s3 =	sshll.u32 s2, $0x4;
	_ =	strace $0x8000004A;
	s6 =	ssub.s32 $0x2, s2  }
0x9: {  	s2 =	smul.u32 $0x28000, s2;
	s3 =	sor.u32 s8, s3;
	s7 =	sshrl.u32 s6, $0x1  }
0xa: {  	s24 =	sadd.s32 $0x800, s11;
	s12 =	sadd.s32 $0x1000, s11;
	s13 =	sadd.s32 $0x1800, s11  }
0xb: {  	s15 =	sadd.s32 $0x2000, s11;
	s3 =	smul.u32 $0xA40, s3;
	s6 =	ssub.s32 s6, s7  }
0xc: {  	s7 =	sadd.s32 s11, s1;
	s8 =	sadd.s32 s24, s1;
	s9 =	sadd.s32 s12, s1  }
0xd: {  	s10 =	sadd.s32 s13, s1;
	s14 =	sadd.s32 s11, s2;
	s11 =	sadd.s32 s15, s1  }
0xe: {  	s25 =	sadd.s32 s2, s12;
	s26 =	sadd.s32 s2, s13;
	s14 =	sshrl.u32 s14, $0x3  }
0xf: {  	s12 =	sshrl.u32 s26, $0x3;
	s17 =	smax.u32 s6, $0x1;
	s3 =	sadd.s32 s3, s0  }
0x10: {  	s26 =	simm.s32 $0x2;
	s0 =	sadd.s32 $0xC400, s0;
	s3 =	sadd.s32 $0x20400, s3  }
0x11: {  	s14 =	sadd.s32 s0, s14;
	[dreg:$0x3] =	wrdreg s3;
	s3 =	sadd.s32 s2, s24  }
0x12: {  	[dreg:$0x4] =	wrdreg s14;
	s2 =	sadd.s32 s2, s15;
	s3 =	sshrl.u32 s3, $0x3  }
0x13: {  	s15 =	sadd.s32 s0, s12;
	s24 =	simm.s32 $0x6A00;
	s3 =	sadd.s32 s0, s3  }
0x14: {  	v0 =	vimm.f32 $0.0e+00;
	s2 =	sshrl.u32 s2, $0x3;
	[dreg:$0x5] =	wrdreg s3;
	s3 =	sshrl.u32 s25, $0x3  }
0x15: {  	vm0 =	vcmask $0x1F24;
	vm1 =	vcmask $0x3F24;
	vm2 =	vmmov $0xff;
	s16 =	sadd.s32 s0, s2;
	s25 =	simm.s32 $0x1;
	s14 =	sadd.s32 s0, s3  }
.LBB2_1:
0x16: {  	s0 =	simm.s32 $0x0;
	s2 =	rddreg [dreg:$0x3]  }
0x17: {  	[tilespmem:s0], [sflag:$0x5] =	stream.linear.gather [hbm4b:s2+s0], $0x5200, $0x38;
	[tilespmem:$0xAA00] =	vst v63  }
0x18: {  	_ =	swait.ge [sflag:s18], $0x5200  }
0x19: {  	[sflag:s18] =	ssyncset.done $0x0  }
0x1a: {  	s0 =	simm.s32 $0x40;
	s2 =	simm.s32 $0x0;
	[sflag:s18] =	ssyncadd.s32 $0xFFFFAE00  }
.LBB2_2:
0x1b: {  	p0 =	sne.s32 s0, $0x1FC0;
	[tilespmem:s2+$0x7200] =	vst v0;
	s2 =	smov.u32 s0;
	s0 =	sadd.s32 $0x40, s0  }
.Ltmp0:
0x1c: {  	(pc) =	sbr.rel @p0 .LBB2_2-.Ltmp0, $2  }
0x1d: {  	_ =	sdelay $0x2  }
0x1e: {  	s2 =	sshra.s32 s2, $0x2  }
0x1f: {  	[tilespmem:s2+$0x7200] =	vst v0  }
0x20: {  	[spmem:s7] =	stream.linear.scatter [tilespmem:s19], [sflag:$0x5], $0x800, $0x38;
	[tilespmem:$0xAA00] =	vst v63  }
0x21: {  	_ =	swait.ge [sflag:s18], $0x800  }
0x22: {  	[sflag:s18] =	ssyncset.done $0x0  }
0x23: {  	[sflag:s18] =	ssyncadd.s32 $0xFFFFF800  }
0x24: {  	[spmem:s8] =	stream.linear.scatter [tilespmem:s19], [sflag:$0x5], $0x800, $0x38;
	[tilespmem:$0xAA00] =	vst v63  }
0x25: {  	_ =	swait.ge [sflag:s18], $0x800  }
0x26: {  	[sflag:s18] =	ssyncset.done $0x0  }
0x27: {  	[sflag:s18] =	ssyncadd.s32 $0xFFFFF800  }
0x28: {  	[spmem:s9] =	stream.linear.scatter [tilespmem:s19], [sflag:$0x5], $0x800, $0x38;
	[tilespmem:$0xAA00] =	vst v63  }
0x29: {  	_ =	swait.ge [sflag:s18], $0x800  }
0x2a: {  	[sflag:s18] =	ssyncset.done $0x0  }
0x2b: {  	[sflag:s18] =	ssyncadd.s32 $0xFFFFF800  }
0x2c: {  	[spmem:s10] =	stream.linear.scatter [tilespmem:s19], [sflag:$0x5], $0x800, $0x38;
	[tilespmem:$0xAA00] =	vst v63  }
0x2d: {  	_ =	swait.ge [sflag:s18], $0x800  }
0x2e: {  	[sflag:s18] =	ssyncset.done $0x0  }
0x2f: {  	[sflag:s18] =	ssyncadd.s32 $0xFFFFF800  }
0x30: {  	[spmem:s11] =	stream.linear.scatter [tilespmem:s19], [sflag:$0x5], $0x800, $0x38;
	[tilespmem:$0xAA00] =	vst v63  }
0x31: {  	_ =	swait.ge [sflag:s18], $0x800  }
0x32: {  	[sflag:s18] =	ssyncset.done $0x0  }
0x33: {  	[sflag:s18] =	ssyncadd.s32 $0xFFFFF800  }
0x34: {  	s0 =	simm.s32 $0x0;
	s21 =	simm.s32 $0x5200;
	[bflag:$0x0] =	sbarrier.arrive $0xFFFF  }
0x35: {  	[tilespmem:s21], [sflag:$0x1] =	stream.indirect.gather [hbm4b:s4+s20], $0x10, s0, s20, $0xb8;
	[tilespmem:$0xAA00] =	vst v63  }
0x36: {  	s22 =	simm.s32 $0x6200  }
0x37: {  	[tilespmem:s22], [sflag:$0x1] =	stream.indirect.gather [hbm4b:s5+s20], $0x10, s20, s20, $0xb8;
	[tilespmem:$0xAA00] =	vst v63  }
.LBB2_4:
0x38: {  	s2 =	sshll.u32 s0, $0x9  }
0x39: {  	s21 =	sand.u32 $0x3FFFFE00, s2  }
0x3a: {  	s2 =	sor.u32 $0x100, s21  }
0x3b: {  	[tilespmem:s23], [sflag:$0x2] =	stream.indirect.gather [hbm4b:s4+s20], $0x10, s2, s20, $0xb8;
	[tilespmem:$0xAA00] =	vst v63  }
0x3c: {  	s3 =	sor.u32 $0x180, s21  }
0x3d: {  	[tilespmem:s24], [sflag:$0x2] =	stream.indirect.gather [hbm4b:s5+s20], $0x10, s3, s20, $0xb8;
	[tilespmem:$0xAA00] =	vst v63  }
0x3e: {  	_ =	swait.ge [sflag:s25], $0x800  }
0x3f: {  	[sflag:s25] =	ssyncset.done $0x0  }
0x40: {  	[sflag:s25] =	ssyncadd.s32 $0xFFFFF800  }
0x41: {  	_ =	swait.ge [sflag:s25], $0x800  }
0x42: {  	p0 =	seq.s32 s0, $0x0;
	[sflag:s25] =	ssyncset.done $0x0  }
0x43: {  	s2 =	simm.s32 @!p0 $0x3;
	[sflag:s25] =	ssyncadd.s32 $0xFFFFF800  }
0x44: {  	_ =	swait.ge @!p0 [sflag:s2], $0x800  }
0x45: {  	[sflag:s2] =	ssyncset.done @!p0 $0x0  }
0x46: {  	s12 =	simm.s32 $0x5240;
	[sflag:s2] =	ssyncadd.s32 @!p0 $0xFFFFF800  }
0x47: {  	s6 =	simm.s32 $0x6240;
	v8 =	vld [tilespmem:s12+$0x30]  }
0x48: {  	v1 =	vld [tilespmem:s6+$0x30];
	_ =	sdelay $0x2  }
0x49: {  	v15 =	vld [tilespmem:s12+$0xFFFFFFD0]  }
0x4a: {  	v2 =	vld [tilespmem:s6+$0xFFFFFFD0]  }
0x4b: {  	v1 =	vadd.f32 v1, v8  }
0x4c: {  	v14 =	vld [tilespmem:s12+$0xFFFFFFE0]  }
0x4d: {  	v12 =	vld [tilespmem:s12+$0xFFFFFFF0];
	v1 =	vsel vm0, $0x0, v1  }
0x4e: {  	(xrf2) =	vadd.scan.msk.f32 $0xffff, v1;
	v1 =	vld [tilespmem:s6+$0xFFFFFFF0]  }
0x4f: {  	v3 =	vld [tilespmem:s6+$0xFFFFFFE0];
	v2 =	vadd.f32 v2, v15  }
0x50: {  	v4 =	vld [tilespmem:s6+$0xFFFFFFC0]  }
0x51: {  	v13 =	vld [tilespmem:s12+$0xFFFFFFC0];
	v2 =	vsel vm0, $0x0, v2  }
0x52: {  	(xrf2) =	vadd.scan.msk.f32 $0xffff, v2  }
0x53: {  	v1 =	vadd.f32 v1, v12  }
0x54: {  	v2 =	vadd.f32 v3, v14  }
0x55: {  	v5 =	vld [tilespmem:s6+$0x0];
	v1 =	vsel vm0, $0x0, v1  }
0x56: {  	v4 =	vadd.f32 v4, v13;
	v3 =	vld [tilespmem:s12+$0x0];
	v2 =	vsel vm0, $0x0, v2  }
0x57: {  	v7 =	vld [tilespmem:s6+$0x10];
	(xrf2) =	vadd.scan.msk.f32 $0xffff, v2  }
0x58: {  	v4 =	vsel vm0, $0x0, v4;
	v2 =	vld [tilespmem:s12+$0x10];
	(xrf2) =	vadd.scan.msk.f32 $0xffff, v1;
	v1, _, _ =	vpop (xrf2)  }
0x59: {  	(xrf2) =	vadd.scan.msk.f32 $0xffff, v4;
	v4 =	vld [tilespmem:s6+$0x20];
	v6 =	vbroadcast v1, $0xF  }
0x5a: {  	v1 =	vld [tilespmem:s12+$0x20]  }
0x5b: {  	v5 =	vadd.f32 v5, v3;
	v9 =	vmin.f32 v6, $0.0e+00  }
0x5c: {  	v10, _, _ =	vpop (xrf2);
	v9 =	vmul.f32 $2.000000030e-01, v9  }
0x5d: {  	v5 =	vsel vm0, $0x0, v5;
	v10 =	vbroadcast v10, $0xF;
	v6 =	vmax.f32 v6, $0.0e+00  }
0x5e: {  	(xrf2) =	vadd.scan.msk.f32 $0xffff, v5;
	v5 =	vadd.f32 v7, v2;
	v6 =	vadd.f32 v9, v6  }
0x5f: {  	v7 =	vmin.f32 v10, $0.0e+00;
	v4 =	vadd.f32 v4, v1  }
0x60: {  	v5 =	vsel vm0, $0x0, v5;
	v7 =	vmul.f32 $2.000000030e-01, v7;
	v6 =	vmul.f32 $1.442695020e+00, v6  }
0x61: {  	s13 =	simm.s32 $0x52C0;
	v9, _, _ =	vpop (xrf2);
	(xrf2) =	vadd.scan.msk.f32 $0xffff, v5;
	v5 =	vmax.f32 v10, $0.0e+00;
	v10 =	vsel vm0, $0x0, v4  }
0x62: {  	s22 =	simm.s32 $0x62C0;
	v4 =	vld [tilespmem:s13+$0x30];
	v9 =	vbroadcast v9, $0xF;
	v11, _, _ =	vpop (xrf2);
	v5 =	vadd.f32 v7, v5;
	(erf) = vpow2.f32 v6  }
0x63: {  	(xrf2) =	vadd.scan.msk.f32 $0xffff, v10;
	v10 =	vld [tilespmem:s22+$0x30];
	v6 =	vbroadcast v11, $0xF  }
0x64: {  	v7 =	vmin.f32 v9, $0.0e+00;
	v16 =	vmul.f32 $1.442695020e+00, v5  }
0x65: {  	v7 =	vmul.f32 $2.000000030e-01, v7;
	v11 =	vmin.f32 v6, $0.0e+00  }
0x66: {  	v9 =	vmax.f32 v9, $0.0e+00;
	v11 =	vmul.f32 $2.000000030e-01, v11;
	v5, _, _ =	vpop (xrf2);
	(erf) = vpow2.f32 v16;
	v16 =	vld [tilespmem:s22+$0xFFFFFFD0]  }
0x67: {  	v6 =	vmax.f32 v6, $0.0e+00;
	v7 =	vadd.f32 v7, v9;
	v9 =	vbroadcast v5, $0xF;
	v5 =	vld [tilespmem:s13+$0xFFFFFFD0]  }
0x68: {  	v17, _, _ =	vpop (xrf2);
	v10 =	vadd.f32 v10, v4;
	v11 =	vadd.f32 v11, v6  }
0x69: {  	v23 =	vld [tilespmem:s22+$0xFFFFFFF0];
	v17 =	vbroadcast v17, $0xF;
	v7 =	vmul.f32 $1.442695020e+00, v7;
	v18 =	vmax.f32 v9, $0.0e+00  }
0x6a: {  	v6 =	vld [tilespmem:s13+$0xFFFFFFE0];
	v9 =	vmin.f32 v9, $0.0e+00;
	v10 =	vsel vm0, $0x0, v10;
	v19 =	vmul.f32 $1.442695020e+00, v11  }
0x6b: {  	v11 =	vld [tilespmem:s22+$0xFFFFFFE0];
	v9 =	vmul.f32 $2.000000030e-01, v9;
	v21 =	vmax.f32 v17, $0.0e+00;
	v17 =	vmin.f32 v17, $0.0e+00;
	v20 =	vpop (erf)  }
0x6c: {  	(erf) = vpow2.f32 v7;
	v7 =	vld [tilespmem:s13+$0xFFFFFFF0];
	v16 =	vadd.f32 v16, v5;
	v22 =	vmul.f32 v20, v8;
	v8, _, _ =	vpop (xrf2)  }
0x6d: {  	(xrf2) =	vadd.scan.msk.f32 $0xffff, v10;
	v10 =	vmul.f32 $2.000000030e-01, v17;
	v20 =	vsel vm1, $0x0, v20;
	v24 =	vbroadcast v8, $0xF;
	v8 =	vld [tilespmem:s13+$0x0]  }
0x6e: {  	v18 =	vadd.f32 v9, v18;
	v25, _, _ =	vpop (xrf2);
	v16 =	vsel vm0, $0x0, v16;
	v17 =	vsel vm2, v22, v20;
	v20 =	vld [tilespmem:s22+$0x0]  }
0x6f: {  	v25 =	vbroadcast v25, $0xF;
	(xrf2) =	vadd.scan.msk.f32 $0xffff, v16  }
0x70: {  	v21 =	vadd.f32 v10, v21;
	v18 =	vmul.f32 $1.442695020e+00, v18;
	v11 =	vadd.f32 v11, v6  }
0x71: {  	v26 =	vld [tilespmem:s22+$0x10];
	v22 =	vmax.f32 v24, $0.0e+00;
	v24 =	vmin.f32 v24, $0.0e+00;
	v27 =	vmin.f32 v25, $0.0e+00  }
0x72: {  	v9 =	vld [tilespmem:s13+$0x10];
	v23 =	vadd.f32 v23, v7;
	v16 =	vmul.f32 $2.000000030e-01, v24;
	v27 =	vmul.f32 $2.000000030e-01, v27  }
0x73: {  	v24 =	vld [tilespmem:s22+$0xFFFFFFC0];
	v11 =	vsel vm0, $0x0, v11;
	v25 =	vmax.f32 v25, $0.0e+00;
	v20 =	vadd.f32 v20, v8  }
0x74: {  	(erf) = vpow2.f32 v18;
	(xrf2) =	vadd.scan.msk.f32 $0xffff, v11;
	v11 =	vld [tilespmem:s13+$0xFFFFFFC0];
	v16 =	vadd.f32 v16, v22;
	v25 =	vadd.f32 v27, v25  }
0x75: {  	v21 =	vmul.f32 $1.442695020e+00, v21;
	v23 =	vsel vm0, $0x0, v23;
	v22 =	vpop (erf);
	(erf) = vpow2.f32 v19  }
0x76: {  	(xrf2) =	vadd.scan.msk.f32 $0xffff, v23;
	v15 =	vmul.f32 v22, v15;
	v19 =	vsel vm1, $0x0, v22;
	v16 =	vmul.f32 $1.442695020e+00, v16  }
0x77: {  	(erf) = vpow2.f32 v21;
	v18 =	vsel vm0, $0x0, v20;
	v22 =	vmul.f32 $1.442695020e+00, v25;
	v20, _, _ =	vpop (xrf2)  }
0x78: {  	v28 =	vld [tilespmem:s22+$0x20];
	v26 =	vadd.f32 v26, v9;
	v15 =	vsel vm2, v15, v19;
	(erf) = vpow2.f32 v16;
	v25 =	vpop (erf)  }
0x79: {  	v10 =	vld [tilespmem:s13+$0x20];
	v21 =	vadd.f32 v24, v11;
	(erf) = vpow2.f32 v22;
	v27 =	vbroadcast v20, $0xF;
	v24, _, _ =	vpop (xrf2)  }
0x7a: {  	v14 =	vmul.f32 v25, v14;
	v22 =	vsel vm1, $0x0, v25;
	v24 =	vbroadcast v24, $0xF  }
0x7b: {  	v21 =	vsel vm0, $0x0, v21;
	v16 =	vmin.f32 v27, $0.0e+00;
	v19 =	vmax.f32 v27, $0.0e+00  }
0x7c: {  	(xrf2) =	vadd.scan.msk.f32 $0xffff, v21;
	v25 =	vsel vm2, v14, v22;
	v16 =	vmul.f32 $2.000000030e-01, v16;
	v14 =	vmin.f32 v24, $0.0e+00  }
0x7d: {  	s2 =	simm.s32 $0x7240;
	v23 =	vsel vm0, $0x0, v26;
	v22 =	vmul.f32 $2.000000030e-01, v14  }
0x7e: {  	[tilespmem:s2+$0x30] =	vst v17;
	v26 =	vadd.f32 v28, v10;
	v17 =	vmax.f32 v24, $0.0e+00;
	v16 =	vadd.f32 v16, v19;
	v19, _, _ =	vpop (xrf2)  }
0x7f: {  	[tilespmem:s2+$0xFFFFFFD0] =	vst v15;
	(xrf2) =	vadd.scan.msk.f32 $0xffff, v18;
	v24 =	vpop (erf);
	v19 =	vbroadcast v19, $0xF;
	v15 =	vadd.f32 v22, v17  }
0x80: {  	v20 =	vsel vm0, $0x0, v26;
	v14 =	vmul.f32 v24, v13;
	v13, _, _ =	vpop (xrf2);
	v21 =	vmul.f32 $1.442695020e+00, v16  }
0x81: {  	v27 =	vpop (erf);
	v16 =	vsel vm1, $0x0, v24;
	v26 =	vbroadcast v13, $0xF;
	v17 =	vmin.f32 v19, $0.0e+00  }
0x82: {  	(xrf2) =	vadd.scan.msk.f32 $0xffff, v23;
	v13 =	vpop (erf);
	v22 =	vmax.f32 v19, $0.0e+00;
	v19 =	vsel vm1, $0x0, v27;
	(erf) = vpow2.f32 v21  }
0x83: {  	[tilespmem:s2+$0xFFFFFFE0] =	vst v25;
	v24 =	vmul.f32 $1.442695020e+00, v15;
	v18 =	vsel vm1, $0x0, v13;
	v25 =	vmul.f32 $2.000000030e-01, v17;
	v15 =	vpop (erf)  }
0x84: {  	s6 =	simm.s32 $0x7240;
	s12 =	simm.s32 $0x8;
	s13 =	simm.s32 $0x5340;
	v23 =	vmax.f32 v26, $0.0e+00;
	v26 =	vmin.f32 v26, $0.0e+00;
	v21 =	vmul.f32 v27, v12;
	v17 =	vpop (erf)  }
.LBB2_5:
0x85: {  	v27 =	vld [tilespmem:s13+$0x30];
	v22 =	vadd.f32 v25, v22;
	v25 =	vmul.f32 $2.000000030e-01, v26;
	s22 =	sadd.s32 $0x80, s22;
	(erf) = vpow2.f32 v24;
	(xrf2) =	vadd.scan.msk.f32 $0xffff, v20;
	v12 =	vmovc v7  }
0x86: {  	s12 =	sadd.s32 $0x8, s12;
	v24 =	vmul.f32 v13, v3;
	v13 =	vmul.f32 v15, v2;
	v15 =	vsel vm1, $0x0, v15;
	v7 =	vld [tilespmem:s22+$0x30];
	v20, _, _ =	vpop (xrf2)  }
0x87: {  	v3 =	vmovc v8;
	v2 =	vmovc v9;
	p1 =	slt.u32 s12, $0x78;
	v26 =	vld [tilespmem:s22+$0xFFFFFFC0];
	v20 =	vbroadcast v20, $0xF;
	v22 =	vmul.f32 $1.442695020e+00, v22;
	v28 =	vadd.f32 v25, v23  }
0x88: {  	v8 =	vsel vm2, v14, v16;
	v16 =	vmul.f32 v17, v1;
	v17 =	vsel vm1, $0x0, v17;
	v1 =	vmovc v10;
	v14 =	vmovc v11;
	v25 =	vld [tilespmem:s13+$0xFFFFFFD0]  }
0x89: {  	v9 =	vld [tilespmem:s22+$0xFFFFFFD0];
	v10 =	vmax.f32 v20, $0.0e+00;
	v11 =	vmin.f32 v20, $0.0e+00;
	v20 =	vmul.f32 $1.442695020e+00, v28;
	v23, _, _ =	vpop (xrf2);
	[tilespmem:s2+$0xFFFFFFC0] =	vst v8  }
0x8a: {  	v19 =	vsel vm2, v21, v19;
	v28 =	vld [tilespmem:s13+$0xFFFFFFE0];
	v11 =	vmul.f32 $2.000000030e-01, v11;
	v8 =	vbroadcast v23, $0xF  }
0x8b: {  	v18 =	vsel vm2, v24, v18;
	v21 =	vld [tilespmem:s22+$0xFFFFFFE0];
	v23 =	vadd.f32 v7, v27;
	(erf) = vpow2.f32 v22;
	v22 =	vpop (erf);
	[tilespmem:s2+$0xFFFFFFF0] =	vst v19  }
0x8c: {  	v7 =	vld [tilespmem:s13+$0xFFFFFFF0];
	v19 =	vmax.f32 v8, $0.0e+00;
	v31 =	vmin.f32 v8, $0.0e+00;
	v29 =	vmul.f32 v22, v4;
	v4, _, _ =	vpop (xrf2);
	[tilespmem:s2+$0x0] =	vst v18  }
0x8d: {  	v32 =	vsel vm1, $0x0, v22;
	v18 =	vld [tilespmem:s22+$0xFFFFFFF0];
	v23 =	vsel vm0, $0x0, v23;
	v30 =	vbroadcast v4, $0xF;
	v4 =	vmovc v27  }
0x8e: {  	s2 =	sadd.s32 $0x80, s2;
	v9 =	vadd.f32 v9, v25;
	v8 =	vld [tilespmem:s13+$0x0];
	(xrf2) =	vadd.scan.msk.f32 $0xffff, v23;
	v23 =	vmul.f32 $2.000000030e-01, v31;
	v31 =	vsel vm2, v29, v32;
	v24 =	vpop (erf)  }
0x8f: {  	v10 =	vadd.f32 v11, v10;
	v27 =	vld [tilespmem:s22+$0x0];
	v11 =	vmax.f32 v30, $0.0e+00;
	v29 =	vmin.f32 v30, $0.0e+00;
	[tilespmem:s2+$0x30] =	vst v31;
	v22, _, _ =	vpop (xrf2)  }
0x90: {  	v30 =	vsel vm0, $0x0, v9;
	v21 =	vadd.f32 v21, v28;
	v9 =	vld [tilespmem:s13+$0x10];
	v22 =	vbroadcast v22, $0xF  }
0x91: {  	v19 =	vadd.f32 v23, v19;
	v23 =	vmul.f32 $2.000000030e-01, v29;
	v31 =	vld [tilespmem:s22+$0x10];
	(xrf2) =	vadd.scan.msk.f32 $0xffff, v30;
	v30 =	vmul.f32 $1.442695020e+00, v10  }
0x92: {  	v33 =	vsel vm0, $0x0, v21;
	v18 =	vadd.f32 v18, v7;
	v10 =	vld [tilespmem:s13+$0x20];
	v29 =	vmin.f32 v22, $0.0e+00  }
0x93: {  	v23 =	vadd.f32 v23, v11;
	v22 =	vmax.f32 v22, $0.0e+00;
	v32 =	vld [tilespmem:s22+$0x20];
	v29 =	vmul.f32 $2.000000030e-01, v29  }
0x94: {  	v19 =	vmul.f32 $1.442695020e+00, v19;
	v11 =	vld [tilespmem:s13+$0xFFFFFFC0];
	v18 =	vsel vm0, $0x0, v18;
	v27 =	vadd.f32 v27, v8;
	(xrf2) =	vadd.scan.msk.f32 $0xffff, v33;
	v21 =	vpop (erf)  }
0x95: {  	v33 =	vmul.f32 v24, v5;
	v23 =	vmul.f32 $1.442695020e+00, v23;
	v5 =	vmovc v25;
	v22 =	vadd.f32 v29, v22  }
0x96: {  	v25 =	vsel vm0, $0x0, v27;
	v29 =	vadd.f32 v31, v9;
	(erf) = vpow2.f32 v30  }
0x97: {  	(xrf2) =	vadd.scan.msk.f32 $0xffff, v18;
	v18 =	vsel vm1, $0x0, v24;
	v22 =	vmul.f32 $1.442695020e+00, v22;
	(erf) = vpow2.f32 v20  }
0x98: {  	v24 =	vsel vm0, $0x0, v29;
	v20 =	vadd.f32 v32, v10;
	v27, _, _ =	vpop (xrf2);
	v29 =	vmul.f32 v21, v6  }
0x99: {  	v6 =	vmovc v28;
	v30 =	vadd.f32 v26, v11;
	v27 =	vbroadcast v27, $0xF;
	(erf) = vpow2.f32 v19  }
0x9a: {  	v19 =	vsel vm1, $0x0, v21;
	v20 =	vsel vm0, $0x0, v20;
	(erf) = vpow2.f32 v23  }
0x9b: {  	v21 =	vsel vm0, $0x0, v30;
	v23 =	vmin.f32 v27, $0.0e+00;
	v26, _, _ =	vpop (xrf2);
	(erf) = vpow2.f32 v22  }
0x9c: {  	v18 =	vsel vm2, v33, v18;
	v26 =	vbroadcast v26, $0xF;
	v23 =	vmul.f32 $2.000000030e-01, v23;
	(xrf2) =	vadd.scan.msk.f32 $0xffff, v21  }
0x9d: {  	v13 =	vsel vm2, v13, v15;
	v21 =	vmax.f32 v27, $0.0e+00;
	[tilespmem:s2+$0xFFFFFFD0] =	vst v18;
	v18 =	vsel vm2, v29, v19  }
0x9e: {  	v15 =	vmax.f32 v26, $0.0e+00;
	v19 =	vmin.f32 v26, $0.0e+00;
	v21 =	vadd.f32 v23, v21;
	v22, _, _ =	vpop (xrf2);
	[tilespmem:s2+$0xFFFFFFE0] =	vst v18  }
0x9f: {  	v17 =	vsel vm2, v16, v17;
	v18 =	vmul.f32 $2.000000030e-01, v19;
	v19 =	vbroadcast v22, $0xF;
	(xrf2) =	vadd.scan.msk.f32 $0xffff, v25;
	v22 =	vpop (erf)  }
.Ltmp1:
0xa0: {  	v21 =	vmul.f32 $1.442695020e+00, v21;
	v14 =	vmul.f32 v22, v14;
	v16 =	vsel vm1, $0x0, v22;
	v27 =	vpop (erf);
	[tilespmem:s6+$0x10] =	vst v13;
	(pc) =	sbr.rel @p1 .LBB2_5-.Ltmp1, $4  }
0xa1: {  	v23 =	vadd.f32 v18, v15;
	v22 =	vmax.f32 v19, $0.0e+00;
	v18 =	vmin.f32 v19, $0.0e+00;
	v13, _, _ =	vpop (xrf2);
	[tilespmem:s6+$0x20] =	vst v17;
	s6 =	smov.u32 s2  }
0xa2: {  	v19 =	vsel vm1, $0x0, v27;
	v28 =	vbroadcast v13, $0xF;
	(xrf2) =	vadd.scan.msk.f32 $0xffff, v24;
	(erf) = vpow2.f32 v21;
	v13 =	vpop (erf)  }
0xa3: {  	v25 =	vmul.f32 $2.000000030e-01, v18;
	v24 =	vmul.f32 $1.442695020e+00, v23;
	v18 =	vsel vm1, $0x0, v13;
	v15 =	vpop (erf)  }
0xa4: {  	s13 =	sadd.s32 $0x80, s13;
	v21 =	vmul.f32 v27, v12;
	v23 =	vmax.f32 v28, $0.0e+00;
	v26 =	vmin.f32 v28, $0.0e+00;
	v17 =	vpop (erf)  }
0xa5: {  	(xrf2) =	vadd.scan.msk.f32 $0xffff, v20;
	_ =	sdelay $0x3  }
0xa6: {  	v12, _, _ =	vpop (xrf2)  }
0xa7: {  	v20 =	vadd.f32 v25, v22;
	v12 =	vbroadcast v12, $0xF  }
0xa8: {  	v22 =	vmul.f32 $2.000000030e-01, v26  }
0xa9: {  	(erf) = vpow2.f32 v24;
	v20 =	vmul.f32 $1.442695020e+00, v20;
	v24 =	vmin.f32 v12, $0.0e+00;
	v25, _, _ =	vpop (xrf2)  }
0xaa: {  	v22 =	vadd.f32 v22, v23;
	v23 =	vmul.f32 $2.000000030e-01, v24;
	v24 =	vbroadcast v25, $0xF;
	v25, _, _ =	vpop (xrf2)  }
0xab: {  	v12 =	vmax.f32 v12, $0.0e+00;
	(erf) = vpow2.f32 v20;
	v20 =	vbroadcast v25, $0xF  }
0xac: {  	v26 =	vmax.f32 v24, $0.0e+00;
	v24 =	vmin.f32 v24, $0.0e+00;
	v12 =	vadd.f32 v23, v12;
	v25, _, _ =	vpop (xrf2)  }
0xad: {  	v24 =	vmul.f32 $2.000000030e-01, v24;
	v23 =	vmin.f32 v20, $0.0e+00;
	v25 =	vbroadcast v25, $0xF  }
0xae: {  	v12 =	vmul.f32 $1.442695020e+00, v12;
	v23 =	vmul.f32 $2.000000030e-01, v23  }
0xaf: {  	v20 =	vmax.f32 v20, $0.0e+00;
	v24 =	vadd.f32 v24, v26;
	v27 =	vmin.f32 v25, $0.0e+00  }
0xb0: {  	v22 =	vmul.f32 $1.442695020e+00, v22;
	v20 =	vadd.f32 v23, v20;
	v26 =	vmul.f32 $2.000000030e-01, v27  }
0xb1: {  	(erf) = vpow2.f32 v12;
	v24 =	vmul.f32 $1.442695020e+00, v24;
	v23 =	vmax.f32 v25, $0.0e+00  }
0xb2: {  	(erf) = vpow2.f32 v22;
	v12 =	vmul.f32 $1.442695020e+00, v20;
	v23 =	vadd.f32 v26, v23  }
0xb3: {  	v3 =	vmul.f32 v13, v3;
	(erf) = vpow2.f32 v24  }
0xb4: {  	v13 =	vpop (erf);
	(erf) = vpow2.f32 v12;
	v12 =	vsel vm2, v14, v16;
	v20 =	vmul.f32 $1.442695020e+00, v23  }
0xb5: {  	v3 =	vsel vm2, v3, v18;
	v4 =	vmul.f32 v13, v4;
	v14 =	vpop (erf);
	[tilespmem:s2+$0xFFFFFFC0] =	vst v12;
	v12 =	vsel vm2, v21, v19  }
0xb6: {  	v5 =	vmul.f32 v14, v5;
	[tilespmem:s2+$0xFFFFFFF0] =	vst v12;
	v12 =	vsel vm1, $0x0, v13;
	(erf) = vpow2.f32 v20  }
0xb7: {  	[tilespmem:s2+$0x0] =	vst v3;
	v3 =	vsel vm2, v4, v12;
	v4 =	vsel vm1, $0x0, v14  }
0xb8: {  	v2 =	vmul.f32 v15, v2;
	v16 =	vpop (erf);
	v4 =	vsel vm2, v5, v4  }
0xb9: {  	s22 =	sadd.s32 $0x80, s2;
	v6 =	vmul.f32 v16, v6;
	v5 =	vsel vm1, $0x0, v15  }
0xba: {  	[tilespmem:s22+$0x30] =	vst v3;
	v3 =	vsel vm1, $0x0, v16;
	v2 =	vsel vm2, v2, v5  }
0xbb: {  	v1 =	vmul.f32 v17, v1;
	[tilespmem:s22+$0xFFFFFFD0] =	vst v4;
	v3 =	vsel vm2, v6, v3;
	v4 =	vpop (erf)  }
0xbc: {  	v6 =	vsel vm1, $0x0, v17;
	[tilespmem:s22+$0xFFFFFFE0] =	vst v3;
	v3 =	vmul.f32 v4, v11;
	v5 =	vpop (erf);
	v4 =	vsel vm1, $0x0, v4  }
0xbd: {  	v1 =	vsel vm2, v1, v6;
	[tilespmem:s6+$0x10] =	vst v2;
	v2 =	vpop (erf);
	v6 =	vmul.f32 v5, v7  }
0xbe: {  	[tilespmem:s6+$0x20] =	vst v1;
	v1 =	vsel vm1, $0x0, v5;
	v5 =	vpop (erf);
	v7 =	vmul.f32 v2, v8;
	v3 =	vsel vm2, v3, v4  }
0xbf: {  	v2 =	vsel vm1, $0x0, v2;
	v8 =	vmul.f32 v5, v9;
	[tilespmem:s22+$0xFFFFFFC0] =	vst v3;
	v1 =	vsel vm2, v6, v1;
	v4 =	vpop (erf)  }
0xc0: {  	v3 =	vsel vm1, $0x0, v5;
	[tilespmem:s22+$0xFFFFFFF0] =	vst v1;
	v1 =	vsel vm2, v7, v2;
	v5 =	vmul.f32 v4, v10  }
0xc1: {  	v2 =	vsel vm1, $0x0, v4;
	[tilespmem:s22+$0x0] =	vst v1;
	v1 =	vsel vm2, v8, v3  }
0xc2: {  	[tilespmem:s22+$0x10] =	vst v1;
	v2 =	vsel vm2, v5, v2  }
0xc3: {  	s12 =	sadd.s32 $0x80, s21;
	p1 =	seq.s32 s0, $0x28;
	[tilespmem:s22+$0x20] =	vst v2  }
0xc4: {  	[spmem:s1] =	stream.indirect.scatter.add.f32 [tilespmem:s19], [sflag:$0x3], $0x10, s12, s20, $0xb8;
	[tilespmem:$0xAA00] =	vst v63  }
0xc5: {  	s2 =	sadd.s32 @!p1 $0x200, s21;
	s6 =	simm.s32 @!p1 $0x80;
	s12 =	simm.s32 @!p1 $0x5200  }
0xc6: {  	[tilespmem:s12], [sflag:$0x1] =	stream.indirect.gather @!p1 [hbm4b:s4+s6], $0x10, s2, s6, $0xb8;
	[tilespmem:$0xAA00] =	vst v63  }
0xc7: {  	s2 =	sadd.s32 @!p1 $0x280, s21;
	s12 =	simm.s32 @!p1 $0x6200  }
0xc8: {  	[tilespmem:s12], [sflag:$0x1] =	stream.indirect.gather @!p1 [hbm4b:s5+s6], $0x10, s2, s6, $0xb8;
	[tilespmem:$0xAA00] =	vst v63  }
0xc9: {  	_ =	swait.ge [sflag:s26], $0x800  }
0xca: {  	[sflag:s26] =	ssyncset.done $0x0  }
0xcb: {  	[sflag:s26] =	ssyncadd.s32 $0xFFFFF800  }
0xcc: {  	_ =	swait.ge [sflag:s26], $0x800  }
0xcd: {  	[sflag:s26] =	ssyncset.done $0x0  }
0xce: {  	s2 =	simm.s32 @!p0 $0x4;
	[sflag:s26] =	ssyncadd.s32 $0xFFFFF800  }
0xcf: {  	_ =	swait.ge @!p0 [sflag:s2], $0x800  }
0xd0: {  	[sflag:s2] =	ssyncset.done @!p0 $0x0  }
0xd1: {  	s13 =	simm.s32 $0x5A40;
	[sflag:s2] =	ssyncadd.s32 @!p0 $0xFFFFF800  }
0xd2: {  	s21 =	simm.s32 $0x6A40;
	v8 =	vld [tilespmem:s13+$0x30]  }
0xd3: {  	v1 =	vld [tilespmem:s21+$0x30];
	_ =	sdelay $0x2  }
0xd4: {  	v15 =	vld [tilespmem:s13+$0xFFFFFFD0]  }
0xd5: {  	v2 =	vld [tilespmem:s21+$0xFFFFFFD0]  }
0xd6: {  	v1 =	vadd.f32 v1, v8  }
0xd7: {  	v14 =	vld [tilespmem:s13+$0xFFFFFFE0]  }
0xd8: {  	v12 =	vld [tilespmem:s13+$0xFFFFFFF0];
	v1 =	vsel vm0, $0x0, v1  }
0xd9: {  	(xrf2) =	vadd.scan.msk.f32 $0xffff, v1;
	v1 =	vld [tilespmem:s21+$0xFFFFFFF0]  }
0xda: {  	v3 =	vld [tilespmem:s21+$0xFFFFFFE0];
	v2 =	vadd.f32 v2, v15  }
0xdb: {  	v4 =	vld [tilespmem:s21+$0xFFFFFFC0]  }
0xdc: {  	v13 =	vld [tilespmem:s13+$0xFFFFFFC0];
	v2 =	vsel vm0, $0x0, v2  }
0xdd: {  	(xrf2) =	vadd.scan.msk.f32 $0xffff, v2  }
0xde: {  	v1 =	vadd.f32 v1, v12  }
0xdf: {  	v5 =	vld [tilespmem:s21+$0x0];
	v2 =	vadd.f32 v3, v14  }
0xe0: {  	v3 =	vld [tilespmem:s13+$0x0];
	v1 =	vsel vm0, $0x0, v1  }
0xe1: {  	v4 =	vadd.f32 v4, v13;
	v2 =	vsel vm0, $0x0, v2  }
0xe2: {  	v7 =	vld [tilespmem:s21+$0x10];
	(xrf2) =	vadd.scan.msk.f32 $0xffff, v2  }
0xe3: {  	v4 =	vsel vm0, $0x0, v4;
	v2 =	vld [tilespmem:s13+$0x10];
	(xrf2) =	vadd.scan.msk.f32 $0xffff, v1;
	v1, _, _ =	vpop (xrf2)  }
0xe4: {  	(xrf2) =	vadd.scan.msk.f32 $0xffff, v4;
	v4 =	vld [tilespmem:s21+$0x20];
	v6 =	vbroadcast v1, $0xF  }
0xe5: {  	v5 =	vadd.f32 v5, v3;
	v1 =	vld [tilespmem:s13+$0x20]  }
0xe6: {  	v9 =	vmin.f32 v6, $0.0e+00  }
0xe7: {  	v5 =	vsel vm0, $0x0, v5;
	v10, _, _ =	vpop (xrf2);
	v9 =	vmul.f32 $2.000000030e-01, v9  }
0xe8: {  	(xrf2) =	vadd.scan.msk.f32 $0xffff, v5;
	v10 =	vbroadcast v10, $0xF;
	v6 =	vmax.f32 v6, $0.0e+00  }
0xe9: {  	v5 =	vadd.f32 v7, v2;
	v6 =	vadd.f32 v9, v6  }
0xea: {  	v7 =	vmin.f32 v10, $0.0e+00;
	v4 =	vadd.f32 v4, v1  }
0xeb: {  	v5 =	vsel vm0, $0x0, v5;
	v7 =	vmul.f32 $2.000000030e-01, v7;
	v6 =	vmul.f32 $1.442695020e+00, v6  }
0xec: {  	s22 =	simm.s32 $0x5AC0;
	v9, _, _ =	vpop (xrf2);
	(xrf2) =	vadd.scan.msk.f32 $0xffff, v5;
	v5 =	vmax.f32 v10, $0.0e+00;
	v10 =	vsel vm0, $0x0, v4  }
0xed: {  	s21 =	simm.s32 $0x6AC0;
	v4 =	vld [tilespmem:s22+$0x30];
	v9 =	vbroadcast v9, $0xF;
	v11, _, _ =	vpop (xrf2);
	v5 =	vadd.f32 v7, v5;
	(erf) = vpow2.f32 v6  }
0xee: {  	(xrf2) =	vadd.scan.msk.f32 $0xffff, v10;
	v10 =	vld [tilespmem:s21+$0x30];
	v6 =	vbroadcast v11, $0xF  }
0xef: {  	v7 =	vmin.f32 v9, $0.0e+00;
	v16 =	vmul.f32 $1.442695020e+00, v5  }
0xf0: {  	v7 =	vmul.f32 $2.000000030e-01, v7;
	v11 =	vmin.f32 v6, $0.0e+00  }
0xf1: {  	v9 =	vmax.f32 v9, $0.0e+00;
	v11 =	vmul.f32 $2.000000030e-01, v11;
	v5, _, _ =	vpop (xrf2);
	(erf) = vpow2.f32 v16;
	v16 =	vld [tilespmem:s21+$0xFFFFFFD0]  }
0xf2: {  	v6 =	vmax.f32 v6, $0.0e+00;
	v7 =	vadd.f32 v7, v9;
	v9 =	vbroadcast v5, $0xF;
	v5 =	vld [tilespmem:s22+$0xFFFFFFD0];
	v17, _, _ =	vpop (xrf2)  }
0xf3: {  	v10 =	vadd.f32 v10, v4;
	v11 =	vadd.f32 v11, v6;
	v17 =	vbroadcast v17, $0xF  }
0xf4: {  	v23 =	vld [tilespmem:s21+$0xFFFFFFF0];
	v7 =	vmul.f32 $1.442695020e+00, v7;
	v18 =	vmax.f32 v9, $0.0e+00;
	v9 =	vmin.f32 v9, $0.0e+00  }
0xf5: {  	v6 =	vld [tilespmem:s22+$0xFFFFFFE0];
	v10 =	vsel vm0, $0x0, v10;
	v19 =	vmul.f32 $1.442695020e+00, v11;
	v9 =	vmul.f32 $2.000000030e-01, v9  }
0xf6: {  	v11 =	vld [tilespmem:s21+$0xFFFFFFE0];
	v21 =	vmax.f32 v17, $0.0e+00;
	v17 =	vmin.f32 v17, $0.0e+00;
	(erf) = vpow2.f32 v7;
	v20 =	vpop (erf)  }
0xf7: {  	(xrf2) =	vadd.scan.msk.f32 $0xffff, v10;
	v7 =	vld [tilespmem:s22+$0xFFFFFFF0];
	v10 =	vmul.f32 $2.000000030e-01, v17;
	v16 =	vadd.f32 v16, v5;
	v22 =	vmul.f32 v20, v8;
	v8, _, _ =	vpop (xrf2)  }
0xf8: {  	v18 =	vadd.f32 v9, v18;
	v20 =	vsel vm1, $0x0, v20;
	v24 =	vbroadcast v8, $0xF;
	v8 =	vld [tilespmem:s22+$0x0]  }
0xf9: {  	v21 =	vadd.f32 v10, v21;
	v25, _, _ =	vpop (xrf2);
	v16 =	vsel vm0, $0x0, v16;
	v17 =	vsel vm2, v22, v20;
	v20 =	vld [tilespmem:s21+$0x0]  }
0xfa: {  	v18 =	vmul.f32 $1.442695020e+00, v18;
	v25 =	vbroadcast v25, $0xF;
	(xrf2) =	vadd.scan.msk.f32 $0xffff, v16  }
0xfb: {  	v11 =	vadd.f32 v11, v6;
	v21 =	vmul.f32 $1.442695020e+00, v21;
	v22 =	vmax.f32 v24, $0.0e+00  }
0xfc: {  	v26 =	vld [tilespmem:s21+$0x10];
	v24 =	vmin.f32 v24, $0.0e+00;
	(erf) = vpow2.f32 v18;
	v27 =	vmin.f32 v25, $0.0e+00  }
0xfd: {  	v9 =	vld [tilespmem:s22+$0x10];
	v23 =	vadd.f32 v23, v7;
	v16 =	vmul.f32 $2.000000030e-01, v24;
	v27 =	vmul.f32 $2.000000030e-01, v27  }
0xfe: {  	v24 =	vld [tilespmem:s21+$0xFFFFFFC0];
	v11 =	vsel vm0, $0x0, v11;
	v25 =	vmax.f32 v25, $0.0e+00;
	v20 =	vadd.f32 v20, v8  }
0xff: {  	(erf) = vpow2.f32 v19;
	(xrf2) =	vadd.scan.msk.f32 $0xffff, v11;
	v11 =	vld [tilespmem:s22+$0xFFFFFFC0];
	v16 =	vadd.f32 v16, v22;
	v25 =	vadd.f32 v27, v25  }
0x100: {  	v23 =	vsel vm0, $0x0, v23;
	(erf) = vpow2.f32 v21;
	v22 =	vpop (erf)  }
0x101: {  	(xrf2) =	vadd.scan.msk.f32 $0xffff, v23;
	v15 =	vmul.f32 v22, v15;
	v16 =	vmul.f32 $1.442695020e+00, v16  }
0x102: {  	v19 =	vsel vm1, $0x0, v22;
	v18 =	vsel vm0, $0x0, v20;
	v22 =	vmul.f32 $1.442695020e+00, v25;
	v20, _, _ =	vpop (xrf2)  }
0x103: {  	v28 =	vld [tilespmem:s21+$0x20];
	v26 =	vadd.f32 v26, v9;
	v15 =	vsel vm2, v15, v19;
	(erf) = vpow2.f32 v16;
	v25 =	vpop (erf)  }
0x104: {  	v10 =	vld [tilespmem:s22+$0x20];
	v21 =	vadd.f32 v24, v11;
	(erf) = vpow2.f32 v22;
	v27 =	vbroadcast v20, $0xF;
	v24, _, _ =	vpop (xrf2)  }
0x105: {  	v14 =	vmul.f32 v25, v14;
	v22 =	vsel vm1, $0x0, v25;
	v24 =	vbroadcast v24, $0xF  }
0x106: {  	v21 =	vsel vm0, $0x0, v21;
	v16 =	vmin.f32 v27, $0.0e+00;
	v19 =	vmax.f32 v27, $0.0e+00  }
0x107: {  	(xrf2) =	vadd.scan.msk.f32 $0xffff, v21;
	v25 =	vsel vm2, v14, v22;
	v16 =	vmul.f32 $2.000000030e-01, v16;
	v14 =	vmin.f32 v24, $0.0e+00  }
0x108: {  	s2 =	simm.s32 $0x7A40;
	v23 =	vsel vm0, $0x0, v26;
	v22 =	vmul.f32 $2.000000030e-01, v14  }
0x109: {  	[tilespmem:s2+$0x30] =	vst v17;
	v26 =	vadd.f32 v28, v10;
	v17 =	vmax.f32 v24, $0.0e+00;
	v16 =	vadd.f32 v16, v19;
	v19, _, _ =	vpop (xrf2)  }
0x10a: {  	[tilespmem:s2+$0xFFFFFFD0] =	vst v15;
	v24 =	vpop (erf);
	(xrf2) =	vadd.scan.msk.f32 $0xffff, v18;
	v19 =	vbroadcast v19, $0xF;
	v15 =	vadd.f32 v22, v17  }
0x10b: {  	v20 =	vsel vm0, $0x0, v26;
	v14 =	vmul.f32 v24, v13;
	v13, _, _ =	vpop (xrf2);
	v21 =	vmul.f32 $1.442695020e+00, v16  }
0x10c: {  	v27 =	vpop (erf);
	v16 =	vsel vm1, $0x0, v24;
	v26 =	vbroadcast v13, $0xF;
	v17 =	vmin.f32 v19, $0.0e+00  }
0x10d: {  	(xrf2) =	vadd.scan.msk.f32 $0xffff, v23;
	v13 =	vpop (erf);
	v22 =	vmax.f32 v19, $0.0e+00;
	v19 =	vsel vm1, $0x0, v27;
	(erf) = vpow2.f32 v21  }
0x10e: {  	[tilespmem:s2+$0xFFFFFFE0] =	vst v25;
	v24 =	vmul.f32 $1.442695020e+00, v15;
	v18 =	vsel vm1, $0x0, v13;
	v25 =	vmul.f32 $2.000000030e-01, v17;
	v15 =	vpop (erf)  }
0x10f: {  	s12 =	simm.s32 $0x8;
	s6 =	simm.s32 $0x7A40;
	s13 =	simm.s32 $0x5B40;
	v23 =	vmax.f32 v26, $0.0e+00;
	v26 =	vmin.f32 v26, $0.0e+00;
	v21 =	vmul.f32 v27, v12;
	v17 =	vpop (erf)  }
.LBB2_7:
0x110: {  	v27 =	vld [tilespmem:s13+$0x30];
	v22 =	vadd.f32 v25, v22;
	v25 =	vmul.f32 $2.000000030e-01, v26;
	s21 =	sadd.s32 $0x80, s21;
	(erf) = vpow2.f32 v24;
	(xrf2) =	vadd.scan.msk.f32 $0xffff, v20;
	v12 =	vmovc v7  }
0x111: {  	s12 =	sadd.s32 $0x8, s12;
	v24 =	vmul.f32 v13, v3;
	v13 =	vmul.f32 v15, v2;
	v15 =	vsel vm1, $0x0, v15;
	v7 =	vld [tilespmem:s21+$0x30];
	v20, _, _ =	vpop (xrf2)  }
0x112: {  	v3 =	vmovc v8;
	v2 =	vmovc v9;
	p0 =	slt.u32 s12, $0x78;
	v26 =	vld [tilespmem:s21+$0xFFFFFFC0];
	v20 =	vbroadcast v20, $0xF;
	v22 =	vmul.f32 $1.442695020e+00, v22;
	v28 =	vadd.f32 v25, v23  }
0x113: {  	v8 =	vsel vm2, v14, v16;
	v16 =	vmul.f32 v17, v1;
	v17 =	vsel vm1, $0x0, v17;
	v1 =	vmovc v10;
	v14 =	vmovc v11;
	v25 =	vld [tilespmem:s13+$0xFFFFFFD0]  }
0x114: {  	v9 =	vld [tilespmem:s21+$0xFFFFFFD0];
	v10 =	vmax.f32 v20, $0.0e+00;
	v11 =	vmin.f32 v20, $0.0e+00;
	v20 =	vmul.f32 $1.442695020e+00, v28;
	v23, _, _ =	vpop (xrf2);
	[tilespmem:s2+$0xFFFFFFC0] =	vst v8  }
0x115: {  	v19 =	vsel vm2, v21, v19;
	v28 =	vld [tilespmem:s13+$0xFFFFFFE0];
	v11 =	vmul.f32 $2.000000030e-01, v11;
	v8 =	vbroadcast v23, $0xF  }
0x116: {  	v18 =	vsel vm2, v24, v18;
	v21 =	vld [tilespmem:s21+$0xFFFFFFE0];
	v23 =	vadd.f32 v7, v27;
	(erf) = vpow2.f32 v22;
	v22 =	vpop (erf);
	[tilespmem:s2+$0xFFFFFFF0] =	vst v19  }
0x117: {  	v7 =	vld [tilespmem:s13+$0xFFFFFFF0];
	v19 =	vmax.f32 v8, $0.0e+00;
	v31 =	vmin.f32 v8, $0.0e+00;
	v29 =	vmul.f32 v22, v4;
	v4, _, _ =	vpop (xrf2);
	[tilespmem:s2+$0x0] =	vst v18  }
0x118: {  	v32 =	vsel vm1, $0x0, v22;
	v18 =	vld [tilespmem:s21+$0xFFFFFFF0];
	v23 =	vsel vm0, $0x0, v23;
	v30 =	vbroadcast v4, $0xF;
	v4 =	vmovc v27  }
0x119: {  	s2 =	sadd.s32 $0x80, s2;
	v9 =	vadd.f32 v9, v25;
	v8 =	vld [tilespmem:s13+$0x0];
	(xrf2) =	vadd.scan.msk.f32 $0xffff, v23;
	v23 =	vmul.f32 $2.000000030e-01, v31;
	v31 =	vsel vm2, v29, v32;
	v24 =	vpop (erf)  }
0x11a: {  	v10 =	vadd.f32 v11, v10;
	v27 =	vld [tilespmem:s21+$0x0];
	v11 =	vmax.f32 v30, $0.0e+00;
	v29 =	vmin.f32 v30, $0.0e+00;
	[tilespmem:s2+$0x30] =	vst v31;
	v22, _, _ =	vpop (xrf2)  }
0x11b: {  	v30 =	vsel vm0, $0x0, v9;
	v21 =	vadd.f32 v21, v28;
	v9 =	vld [tilespmem:s13+$0x10];
	v22 =	vbroadcast v22, $0xF  }
0x11c: {  	v19 =	vadd.f32 v23, v19;
	v23 =	vmul.f32 $2.000000030e-01, v29;
	v31 =	vld [tilespmem:s21+$0x10];
	(xrf2) =	vadd.scan.msk.f32 $0xffff, v30;
	v30 =	vmul.f32 $1.442695020e+00, v10  }
0x11d: {  	v33 =	vsel vm0, $0x0, v21;
	v18 =	vadd.f32 v18, v7;
	v10 =	vld [tilespmem:s13+$0x20];
	v29 =	vmin.f32 v22, $0.0e+00  }
0x11e: {  	v23 =	vadd.f32 v23, v11;
	v22 =	vmax.f32 v22, $0.0e+00;
	v32 =	vld [tilespmem:s21+$0x20];
	v29 =	vmul.f32 $2.000000030e-01, v29  }
0x11f: {  	v19 =	vmul.f32 $1.442695020e+00, v19;
	v11 =	vld [tilespmem:s13+$0xFFFFFFC0];
	v18 =	vsel vm0, $0x0, v18;
	v27 =	vadd.f32 v27, v8;
	(xrf2) =	vadd.scan.msk.f32 $0xffff, v33;
	v21 =	vpop (erf)  }
0x120: {  	v33 =	vmul.f32 v24, v5;
	v23 =	vmul.f32 $1.442695020e+00, v23;
	v5 =	vmovc v25;
	v22 =	vadd.f32 v29, v22  }
0x121: {  	v25 =	vsel vm0, $0x0, v27;
	v29 =	vadd.f32 v31, v9;
	(erf) = vpow2.f32 v30  }
0x122: {  	(xrf2) =	vadd.scan.msk.f32 $0xffff, v18;
	v18 =	vsel vm1, $0x0, v24;
	v22 =	vmul.f32 $1.442695020e+00, v22;
	(erf) = vpow2.f32 v20  }
0x123: {  	v24 =	vsel vm0, $0x0, v29;
	v20 =	vadd.f32 v32, v10;
	v27, _, _ =	vpop (xrf2);
	v29 =	vmul.f32 v21, v6  }
0x124: {  	v6 =	vmovc v28;
	v30 =	vadd.f32 v26, v11;
	v27 =	vbroadcast v27, $0xF;
	(erf) = vpow2.f32 v19  }
0x125: {  	v19 =	vsel vm1, $0x0, v21;
	v20 =	vsel vm0, $0x0, v20;
	(erf) = vpow2.f32 v23  }
0x126: {  	v21 =	vsel vm0, $0x0, v30;
	v23 =	vmin.f32 v27, $0.0e+00;
	v26, _, _ =	vpop (xrf2);
	(erf) = vpow2.f32 v22  }
0x127: {  	v18 =	vsel vm2, v33, v18;
	v26 =	vbroadcast v26, $0xF;
	v23 =	vmul.f32 $2.000000030e-01, v23;
	(xrf2) =	vadd.scan.msk.f32 $0xffff, v21  }
0x128: {  	v13 =	vsel vm2, v13, v15;
	v21 =	vmax.f32 v27, $0.0e+00;
	[tilespmem:s2+$0xFFFFFFD0] =	vst v18;
	v18 =	vsel vm2, v29, v19  }
0x129: {  	v15 =	vmax.f32 v26, $0.0e+00;
	v19 =	vmin.f32 v26, $0.0e+00;
	v21 =	vadd.f32 v23, v21;
	v22, _, _ =	vpop (xrf2);
	[tilespmem:s2+$0xFFFFFFE0] =	vst v18  }
0x12a: {  	v17 =	vsel vm2, v16, v17;
	v18 =	vmul.f32 $2.000000030e-01, v19;
	v19 =	vbroadcast v22, $0xF;
	(xrf2) =	vadd.scan.msk.f32 $0xffff, v25;
	v22 =	vpop (erf)  }
.Ltmp2:
0x12b: {  	v21 =	vmul.f32 $1.442695020e+00, v21;
	v14 =	vmul.f32 v22, v14;
	v16 =	vsel vm1, $0x0, v22;
	v27 =	vpop (erf);
	[tilespmem:s6+$0x10] =	vst v13;
	(pc) =	sbr.rel @p0 .LBB2_7-.Ltmp2, $4  }
0x12c: {  	v23 =	vadd.f32 v18, v15;
	v22 =	vmax.f32 v19, $0.0e+00;
	v18 =	vmin.f32 v19, $0.0e+00;
	v13, _, _ =	vpop (xrf2);
	[tilespmem:s6+$0x20] =	vst v17;
	s6 =	smov.u32 s2  }
0x12d: {  	v19 =	vsel vm1, $0x0, v27;
	v28 =	vbroadcast v13, $0xF;
	(xrf2) =	vadd.scan.msk.f32 $0xffff, v24;
	(erf) = vpow2.f32 v21;
	v13 =	vpop (erf)  }
0x12e: {  	v25 =	vmul.f32 $2.000000030e-01, v18;
	v24 =	vmul.f32 $1.442695020e+00, v23;
	v18 =	vsel vm1, $0x0, v13;
	v15 =	vpop (erf)  }
0x12f: {  	s13 =	sadd.s32 $0x80, s13;
	v21 =	vmul.f32 v27, v12;
	v23 =	vmax.f32 v28, $0.0e+00;
	v26 =	vmin.f32 v28, $0.0e+00;
	v17 =	vpop (erf)  }
0x130: {  	(xrf2) =	vadd.scan.msk.f32 $0xffff, v20;
	_ =	sdelay $0x4  }
0x131: {  	v12, _, _ =	vpop (xrf2)  }
0x132: {  	v34 =	vadd.f32 v25, v22;
	v12 =	vbroadcast v12, $0xF  }
0x133: {  	v35 =	vmul.f32 $2.000000030e-01, v26  }
0x134: {  	(erf) = vpow2.f32 v24;
	v20 =	vmul.f32 $1.442695020e+00, v34;
	v36, _, _ =	vpop (xrf2);
	v37 =	vmin.f32 v12, $0.0e+00  }
0x135: {  	v22 =	vadd.f32 v35, v23;
	v25 =	vbroadcast v36, $0xF;
	v38 =	vmul.f32 $2.000000030e-01, v37;
	v39, _, _ =	vpop (xrf2)  }
0x136: {  	(erf) = vpow2.f32 v20;
	v12 =	vmax.f32 v12, $0.0e+00;
	v24 =	vbroadcast v39, $0xF;
	v41, _, _ =	vpop (xrf2)  }
0x137: {  	v40 =	vmin.f32 v25, $0.0e+00;
	v12 =	vadd.f32 v38, v12;
	v26 =	vbroadcast v41, $0xF  }
0x138: {  	v25 =	vmax.f32 v25, $0.0e+00;
	v20 =	vmul.f32 $2.000000030e-01, v40;
	v42 =	vmin.f32 v24, $0.0e+00  }
0x139: {  	v12 =	vmul.f32 $1.442695020e+00, v12;
	v23 =	vmul.f32 $2.000000030e-01, v42;
	v43 =	vmin.f32 v26, $0.0e+00  }
0x13a: {  	v20 =	vadd.f32 v20, v25;
	v24 =	vmax.f32 v24, $0.0e+00;
	v25 =	vmul.f32 $2.000000030e-01, v43  }
0x13b: {  	v22 =	vmul.f32 $1.442695020e+00, v22;
	v23 =	vadd.f32 v23, v24;
	v44 =	vmax.f32 v26, $0.0e+00  }
0x13c: {  	(erf) = vpow2.f32 v12;
	v20 =	vmul.f32 $1.442695020e+00, v20;
	v24 =	vadd.f32 v25, v44  }
0x13d: {  	(erf) = vpow2.f32 v22;
	v45 =	vmul.f32 $1.442695020e+00, v23  }
0x13e: {  	(erf) = vpow2.f32 v20;
	v46 =	vmul.f32 $1.442695020e+00, v24  }
0x13f: {  	(erf) = vpow2.f32 v45  }
0x140: {  	v3 =	vmul.f32 v13, v3;
	v47 =	vsel vm2, v14, v16;
	v48 =	vpop (erf);
	(erf) = vpow2.f32 v46  }
0x141: {  	[tilespmem:s2+$0xFFFFFFC0] =	vst v47;
	v50 =	vsel vm2, v21, v19;
	v4 =	vmul.f32 v48, v4;
	v49 =	vpop (erf)  }
0x142: {  	v2 =	vmul.f32 v15, v2;
	[tilespmem:s2+$0xFFFFFFF0] =	vst v50;
	v3 =	vsel vm2, v3, v18;
	v52 =	vsel vm1, $0x0, v48;
	v51 =	vpop (erf)  }
0x143: {  	s22 =	sadd.s32 $0x80, s2;
	v54 =	vsel vm1, $0x0, v15;
	[tilespmem:s2+$0x0] =	vst v3;
	v3 =	vsel vm2, v4, v52;
	v6 =	vmul.f32 v51, v6  }
0x144: {  	v2 =	vsel vm2, v2, v54;
	v5 =	vmul.f32 v49, v5;
	[tilespmem:s22+$0x30] =	vst v3;
	v3 =	vsel vm1, $0x0, v51  }
0x145: {  	v1 =	vmul.f32 v17, v1;
	[tilespmem:s6+$0x10] =	vst v2;
	v53 =	vsel vm1, $0x0, v49;
	v3 =	vsel vm2, v6, v3;
	v55 =	vpop (erf)  }
0x146: {  	v56 =	vsel vm1, $0x0, v17;
	v4 =	vsel vm2, v5, v53;
	[tilespmem:s22+$0xFFFFFFE0] =	vst v3;
	v3 =	vmul.f32 v55, v11;
	v57 =	vpop (erf)  }
0x147: {  	v1 =	vsel vm2, v1, v56;
	[tilespmem:s22+$0xFFFFFFD0] =	vst v4;
	v4 =	vsel vm1, $0x0, v55;
	v58 =	vmul.f32 v57, v7;
	v2 =	vpop (erf)  }
0x148: {  	s0 =	sadd.s32 $0x1, s0;
	[tilespmem:s6+$0x20] =	vst v1;
	v1 =	vsel vm1, $0x0, v57;
	v3 =	vsel vm2, v3, v4;
	v60 =	vmul.f32 v2, v8;
	v59 =	vpop (erf)  }
0x149: {  	p0 =	sne.s32 s0, $0x29;
	v2 =	vsel vm1, $0x0, v2;
	[tilespmem:s22+$0xFFFFFFC0] =	vst v3;
	v1 =	vsel vm2, v58, v1;
	v62 =	vmul.f32 v59, v9;
	v61 =	vpop (erf)  }
.Ltmp3:
0x14a: {  	[tilespmem:s22+$0xFFFFFFF0] =	vst v1;
	v1 =	vsel vm2, v60, v2;
	v3 =	vsel vm1, $0x0, v59;
	v63 =	vmul.f32 v61, v10;
	(pc) =	sbr.rel @p0 .LBB2_4-.Ltmp3, $4  }
0x14b: {  	[tilespmem:s22+$0x0] =	vst v1;
	v1 =	vsel vm2, v62, v3;
	v2 =	vsel vm1, $0x0, v61  }
0x14c: {  	[tilespmem:s22+$0x10] =	vst v1;
	v2 =	vsel vm2, v63, v2  }
0x14d: {  	[tilespmem:s22+$0x20] =	vst v2  }
0x14e: {  	[spmem:s1] =	stream.indirect.scatter.add.f32 [tilespmem:s28], [sflag:$0x4], $0x10, s3, s20, $0xb8;
	[tilespmem:$0xAA00] =	vst v63  }
0x14f: {  	_ =	swait.ge [sflag:s29], $0x800  }
0x150: {  	[sflag:s29] =	ssyncset.done $0x0  }
0x151: {  	[sflag:s29] =	ssyncadd.s32 $0xFFFFF800  }
0x152: {  	_ =	swait.ge [sflag:s30], $0x800  }
0x153: {  	[sflag:s30] =	ssyncset.done $0x0  }
0x154: {  	s0 =	stileid.u32;
	[sflag:s30] =	ssyncadd.s32 $0xFFFFF800  }
0x155: {  	s0 =	sshll.u32 s0, $0x6;
	[bflag:$0x0] =	sbarrier.arrive $0xFFFF  }
0x156: {  	s2 =	sshrl.u32 s7, $0x3;
	s0 =	sor.u32 $0x1C05, s0;
	s3 =	rddreg [dreg:$0x4]  }
0x157: {  	[hbm:s3], [sflag:s0] =	dma.local [spmem:s2], $0x100  }
0x158: {  	_ =	swait.ge [sflag:s18], $0x100  }
0x159: {  	[sflag:s18] =	ssyncset.done $0x0  }
0x15a: {  	s6 =	sshrl.u32 s8, $0x3;
	s12 =	rddreg [dreg:$0x5];
	[sflag:s18] =	ssyncadd.s32 $0xFFFFFF00  }
0x15b: {  	[hbm:s12], [sflag:s0] =	dma.local [spmem:s6], $0x100  }
0x15c: {  	_ =	swait.ge [sflag:s18], $0x100  }
0x15d: {  	[sflag:s18] =	ssyncset.done $0x0  }
0x15e: {  	s13 =	sshrl.u32 s9, $0x3;
	[sflag:s18] =	ssyncadd.s32 $0xFFFFFF00  }
0x15f: {  	[hbm:s14], [sflag:s0] =	dma.local [spmem:s13], $0x100  }
0x160: {  	_ =	swait.ge [sflag:s18], $0x100  }
0x161: {  	[sflag:s18] =	ssyncset.done $0x0  }
0x162: {  	s21 =	sshrl.u32 s10, $0x3;
	[sflag:s18] =	ssyncadd.s32 $0xFFFFFF00  }
0x163: {  	[hbm:s15], [sflag:s0] =	dma.local [spmem:s21], $0x100  }
0x164: {  	s31 =	sadd.s32 $0x1, s31;
	_ =	swait.ge [sflag:s18], $0x100  }
0x165: {  	p0 =	sne.s32 s31, s17;
	[sflag:s18] =	ssyncset.done $0x0  }
.Ltmp4:
0x166: {  	s22 =	sshrl.u32 s11, $0x3;
	[sflag:s18] =	ssyncadd.s32 $0xFFFFFF00;
	(pc) =	sbr.rel @p0 .LBB2_1-.Ltmp4, $4  }
0x167: {  	[hbm:s16], [sflag:s0] =	dma.local [spmem:s22], $0x100  }
0x168: {  	_ =	swait.ge [sflag:s18], $0x100  }
0x169: {  	[sflag:s18] =	ssyncset.done $0x0  }
0x16a: {  	[sflag:s18] =	ssyncadd.s32 $0xFFFFFF00  }
0x16b: {  	_ =	sfence.sel $0x180000  }
0x16c: {  	[bflag:$0x0] =	sbarrier.arrive $0xFFFF  }
0x16d: {  	_ =	strace $0x9000004A  }
0x16e: {  	s0 =	stileid.u32;
	[bflag:$0x2] =	sbarrier.arrive $0xFFFF  }
0x16f: {  	p0 =	sne.s32 s0, $0x0;
	s0 =	rddreg [dreg:$0x2]  }
0x170: {  	s0 =	sadd.s32 @!p0 $0x100000, s0  }
0x171: {  	[sflag:s0] =	ssyncadd.tile.s32 @!p0 $0x1;
	_ =	shalt  }
.Lfunc_end2:
_tile_overlayer_lowered:
.L_overlay_start_2:
0x172: {  	(tag) =	ssettag $0x2  }
0x173: {  	s0 =	rddreg [dreg:$0x0];
	s2 =	stileid.u32  }
0x174: {  	s1 =	rddreg [dreg:$0x1];
	p0 =	sne.s32 s2, $0x0  }
0x175: {  	s3 =	rddreg [dreg:$0x2];
	[bflag:$0x3] =	sbarrier.arrive $0xFFFF;
	s2 =	simm.s32 @!p0 $0x1C05  }
0x176: {  	[timem:s3], [sflag:s2] =	dma.local @!p0 [hbm:s0], s1  }
0x177: {  	s0 =	simm.s32 @!p0 $0x5  }
0x178: {  	_ =	swait.ge @!p0 [sflag:s0], s1  }
0x179: {  	s1 =	ssub.s32 @!p0 $0x0, s1;
	[sflag:s0] =	ssyncset.done @!p0 $0x0  }
0x17a: {  	[sflag:s0] =	ssyncadd.s32 @!p0 s1  }
0x17b: {  	[bflag:$0x3] =	sbarrier.arrive $0xFFFF  }
0x17c: {  	_ =	shalt  }

// kernel: kernel.7.cloned.1.call-start
scs
__scs_entry_jumppad:
0x0: {  	(pc) =	sbr.rel $0x88, $3  }
0x1: {  	(tag) =	ssettag $0x0;
	lr =	simm.s32 $0x1  }
0x2: {  	[smem:$0x3F92] =	sst lr;
	_ =	strace $0xD0000000  }
0x3: {  	_ = 	snop  }
0x4: {  	_ = 	snop  }
0x5: {  	_ = 	snop  }
0x6: {  	_ = 	snop  }
0x7: {  	_ = 	snop  }
__scs_overlays_trampoline_lowered:
0x8: {  	[smem:$0x3FA1] =	sst s0  }
0x9: {  	[smem:$0x3FA2] =	sst s1  }
0xa: {  	[smem:$0x3FA3] =	sst s2  }
0xb: {  	[smem:$0x3FA4] =	sst s3  }
0xc: {  	[smem:$0x3FA5] =	sst s4  }
0xd: {  	[smem:$0x3FA6] =	sst s5  }
0xe: {  	[smem:$0x3FA7] =	sst s6  }
0xf: {  	[smem:$0x3FA8] =	sst s7  }
0x10: {  	[smem:$0x3FA9] =	sst s8  }
0x11: {  	[smem:$0x3FAA] =	sst s9;
	s0 =	simm.s32 @!p0 $0x0  }
0x12: {  	s1 =	sld [smem:$0x3F90];
	s0 =	simm.s32 @p0 $0x1  }
0x13: {  	[smem:$0x3FAB] =	sst s0;
	s0 =	simm.s32 @!p1 $0x0  }
0x14: {  	s2 =	sld [smem:$0x3F8F];
	s0 =	simm.s32 @p1 $0x1  }
0x15: {  	[smem:$0x3FAC] =	sst s0;
	s0 =	simm.s32 @!p2 $0x0  }
0x16: {  	s3 =	sld [smem:$0x3FDB];
	s0 =	simm.s32 @p2 $0x1  }
0x17: {  	s4 =	simm.s32 $0x1BF5;
	[smem:$0x3FAE] =	sst s0  }
0x18: {  	s0 =	sld [smem:$0x3F91];
	_ =	swait.ge [sflag:s4], $0x0  }
0x19: {  	s7 =	sld [smem:$0x3F92]  }
0x1a: {  	s8 =	sadd.s32 $0xFFFFE003, lr  }
0x1b: {  	s9 =	sadd.s32 $0xFFFFFEF7, lr;
	s5 =	simm.s32 $0xFFFFFFFF;
	p2 =	slt.u32 s8, $0xFFFFF086  }
0x1c: {  	p1 =	slt.u32 s9, $0xF7A;
	s5 =	simm.s32 @!p2 $0x0  }
0x1d: {  	s5 =	simm.s32 @p1 $0x1;
	p0 =	seq.s32 s7, s2  }
0x1e: {  	s7 =	smul.u32 @!p0 $0xF7A, s2;
	p2 =	seq.s32 @!p0 s5, $0x0  }
0x1f: {  	s9 =	smul.u32 $0xF7A, s1;
	s8 =	simm.s32 @!p0 $0x1BF5;
	p2 =	por !p2, p0  }
0x20: {  	[sflag:s8] =	ssyncset.s32 @!p0 $0xFFFFF086;
	s6 =	sadd.s32 @!p0 s3, s7;
	s7 =	simm.s32 @!p0 $0x108  }
0x21: {  	s3 =	sadd.s32 s3, s9;
	s6 =	sadd.s32 @!p0 $0x88, s6;
	s7 =	simm.s32 @p2 $0x1082  }
0x22: {  	[simem:s7], [sflag:s8] =	dma.local @!p0 [hbm:s6], $0xF7A  }
0x23: {  	s9 =	sor.u32 $0xD0000000, s2;
	s6 =	simm.s32 $0x108;
	_ =	swait.ge @!p0 [sflag:s8], $0x0  }
0x24: {  	s3 =	sadd.s32 $0x88, s3;
	s6 =	simm.s32 @!p1 $0x1082;
	[sflag:s4] =	ssyncset.s32 $0xFFFFF086  }
0x25: {  	[simem:s6], [sflag:s4] =	dma.local [hbm:s3], $0xF7A  }
0x26: {  	[smem:$0x3F92] =	sst s1;
	(tag) =	ssettag s2;
	_ =	strace s9  }
0x27: {  	s1 =	sld [smem:$0x3FA2]  }
0x28: {  	s2 =	sld [smem:$0x3FA3]  }
0x29: {  	s4 =	sld [smem:$0x3FA5]  }
0x2a: {  	p0 =	seq.s32 s5, $0x0;
	s5 =	sld [smem:$0x3FA6]  }
0x2b: {  	s6 =	sld [smem:$0x3FA7]  }
0x2c: {  	s7 =	sld [smem:$0x3FA8]  }
0x2d: {  	s3 =	simm.s32 $0x108;
	s8 =	sld [smem:$0x3FA9]  }
0x2e: {  	s3 =	simm.s32 @!p0 $0x1082;
	s9 =	sld [smem:$0x3FAA]  }
0x2f: {  	lr =	sadd.s32 s0, s3;
	s0 =	sld [smem:$0x3FA1]  }
0x30: {  	s3 =	sld [smem:$0x3FA4]  }
0x31: {  	[smem:$0x3FAD] =	sst s10  }
0x32: {  	s10 =	sld [smem:$0x3FAB];
	_ =	sdelay $0x3  }
0x33: {  	p0 =	seq.s32 s10, $0x1;
	s10 =	sld [smem:$0x3FAD];
	_ =	sdelay $0x3  }
0x34: {  	[smem:$0x3FAD] =	sst s10  }
0x35: {  	s10 =	sld [smem:$0x3FAC];
	_ =	sdelay $0x3  }
0x36: {  	p1 =	seq.s32 s10, $0x1;
	s10 =	sld [smem:$0x3FAD];
	_ =	sdelay $0x3  }
0x37: {  	[smem:$0x3FAD] =	sst s10  }
0x38: {  	s10 =	sld [smem:$0x3FAE]  }
0x39: {  	_ = 	snop;
	(pc) =	sbr.ind lr, $3  }
0x3a: {  	_ = 	snop  }
0x3b: {  	_ = 	snop  }
0x3c: {  	p2 =	seq.s32 s10, $0x1;
	s10 =	sld [smem:$0x3FAD]  }
0x3d: {  	_ =	shalt  }
0x3e: {  	_ =	shalt  }
0x3f: {  	_ =	shalt  }
0x40: {  	_ =	shalt  }
0x41: {  	_ =	shalt  }
0x42: {  	_ =	shalt  }
0x43: {  	_ =	shalt  }
0x44: {  	_ =	shalt  }
0x45: {  	_ =	shalt  }
0x46: {  	_ =	shalt  }
0x47: {  	_ =	shalt  }
0x48: {  	_ =	shalt  }
0x49: {  	_ =	shalt  }
0x4a: {  	_ =	shalt  }
0x4b: {  	_ =	shalt  }
0x4c: {  	_ =	shalt  }
0x4d: {  	_ =	shalt  }
0x4e: {  	_ =	shalt  }
0x4f: {  	_ =	shalt  }
0x50: {  	_ =	shalt  }
0x51: {  	_ =	shalt  }
0x52: {  	_ =	shalt  }
0x53: {  	_ =	shalt  }
0x54: {  	_ =	shalt  }
0x55: {  	_ =	shalt  }
0x56: {  	_ =	shalt  }
0x57: {  	_ =	shalt  }
0x58: {  	_ =	shalt  }
0x59: {  	_ =	shalt  }
0x5a: {  	_ =	shalt  }
0x5b: {  	_ =	shalt  }
0x5c: {  	_ =	shalt  }
0x5d: {  	_ =	shalt  }
0x5e: {  	_ =	shalt  }
0x5f: {  	_ =	shalt  }
0x60: {  	_ =	shalt  }
0x61: {  	_ =	shalt  }
0x62: {  	_ =	shalt  }
0x63: {  	_ =	shalt  }
0x64: {  	_ =	shalt  }
0x65: {  	_ =	shalt  }
0x66: {  	_ =	shalt  }
0x67: {  	_ =	shalt  }
0x68: {  	_ =	shalt  }
0x69: {  	_ =	shalt  }
0x6a: {  	_ =	shalt  }
0x6b: {  	_ =	shalt  }
0x6c: {  	_ =	shalt  }
0x6d: {  	_ =	shalt  }
0x6e: {  	_ =	shalt  }
0x6f: {  	_ =	shalt  }
0x70: {  	_ =	shalt  }
0x71: {  	_ =	shalt  }
0x72: {  	_ =	shalt  }
0x73: {  	_ =	shalt  }
0x74: {  	_ =	shalt  }
0x75: {  	_ =	shalt  }
0x76: {  	_ =	shalt  }
0x77: {  	_ =	shalt  }
0x78: {  	_ =	shalt  }
0x79: {  	_ =	shalt  }
0x7a: {  	_ =	shalt  }
0x7b: {  	_ =	shalt  }
0x7c: {  	_ =	shalt  }
0x7d: {  	_ =	shalt  }
0x7e: {  	_ =	shalt  }
0x7f: {  	_ =	shalt  }
0x80: {  	_ =	shalt  }
0x81: {  	_ =	shalt  }
0x82: {  	_ =	shalt  }
0x83: {  	_ =	shalt  }
0x84: {  	_ =	shalt  }
0x85: {  	_ =	shalt  }
0x86: {  	_ =	shalt  }
0x87: {  	_ =	shalt  }
.Lfunc_end0:
.L_simem_size_0:
called_computation_lowered:
.L_overlay_start_0:
0x88: {  	s2 =	sld [smem:$0x3FD9]  }
0x89: {  	s3 =	sld [smem:$0x3FFE];
	_ =	sdelay $0x1  }
0x8a: {  	s1 =	srdreg.scid  }
0x8b: {  	s0 =	sand.u32 $0x1, s1  }
0x8c: {  	s16 =	sshll.u32 s0, $0xA;
	s2 =	sadd.s32 s3, s2  }
0x8d: {  	s2 =	sadd.s32 s2, s16  }
0x8e: {  	[smem:$0x3FB9] =	sst s2  }
0x8f: {  	_ = 	snop  }
0x90: {  	(tm) =	ssettm $0x1  }
0x91: {  	s17 =	sld [smem:$0x3FFB];
	_ =	sdelay $0x3  }
0x92: {  	_ =	strace s17  }
0x93: {  	s2 =	sld [smem:$0x3FFC];
	_ =	sdelay $0x3  }
0x94: {  	_ =	strace s2  }
0x95: {  	s2 =	sld [smem:$0x3FFD];
	_ =	sdelay $0x3  }
0x96: {  	_ =	strace s2  }
0x97: {  	_ =	strace $0x8FFFFFFF  }
0x98: {  	s18 =	sld [smem:$0x3FDB];
	_ =	sdelay $0x1  }
0x99: {  	s19 =	simm.s32 $_scs_section_size  }
0x9a: {  	s4 =	simm.s32 $_size__tile_overlayer_lowered;
	s5 =	simm.s32 $_tile_overlayer_lowered  }
0x9b: {  	s22 =	simm.s32 $0x1BFF;
	s21 =	sshll.u32 s5, $0x1;
	s2 =	sadd.s32 s19, s18  }
0x9c: {  	s6 =	simm.s32 $0x0;
	s20 =	sshll.u32 s4, $0x1;
	s4 =	sadd.s32 s21, s2  }
0x9d: {  	[timem:s6], [sflag:s22] =	dma.local [hbm:s4], s20  }
0x9e: {  	_ =	swait.ge [sflag:s22], s20  }
0x9f: {  	s3 =	ssub.s32 $0x0, s20;
	[sflag:s22] =	ssyncset.done $0x0  }
0xa0: {  	[sflag:s22] =	ssyncadd.s32 s3;
	_ =	sdelay $0x1  }
0xa1: {  	s23 =	simm.s32 $0x1B8B  }
0xa2: {  	_ =	swait.ge [sflag:s23], $0x1  }
0xa3: {  	[sflag:s23] =	ssyncset.done $0x0  }
0xa4: {  	s25 =	simm.s32 $0x1B8E;
	s24 =	sld [smem:$0x3FFE];
	[sflag:s23] =	ssyncadd.s32 $0xFFFFFFFF  }
0xa5: {  	s26 =	simm.s32 $execute0_lowered;
	[smem:$0x3FD2] =	sst s25  }
0xa6: {  	s4 =	sshll.u32 s26, $0x1;
	_ =	strace $0x80000046;
	[dreg:$0x1] =	wrdreg $0xFFFFFFFF  }
0xa7: {  	s28 =	simm.s32 $_size_execute0_lowered;
	s2 =	sadd.s32 s2, s4;
	[dreg:$0x0] =	wrdreg $0x0  }
0xa8: {  	s4 =	sshll.u32 s28, $0x1;
	[dreg:$0x2] =	wrdreg s2  }
0xa9: {  	[dreg:$0x3] =	wrdreg s4  }
0xaa: {  	[dreg:$0x4] =	wrdreg $0xC0  }
0xab: {  	_ =	task [dreg:s6], $0x5FFFF  }
0xac: {  	[dreg:$0x1] =	wrdreg $0xFFFFFFFF  }
0xad: {  	[dreg:$0x0] =	wrdreg $0x60  }
0xae: {  	[dreg:$0x2] =	wrdreg s24  }
0xaf: {  	[dreg:$0x3] =	wrdreg $0x102000  }
0xb0: {  	[dreg:$0x4] =	wrdreg $0x9  }
0xb1: {  	_ =	task.clear_ibuf [dreg:s6], $0x5FFFF;
	_ =	strace $0x90000046  }
0xb2: {  	s29 =	simm.s32 $0x9;
	_ =	strace $0x80000048  }
0xb3: {  	_ =	swait.ge [sflag:s29], $0x1  }
0xb4: {  	[sflag:s29] =	ssyncadd.s32 $0xFFFFFFFF  }
0xb5: {  	_ =	strace $0x90000048  }
0xb6: {  	_ =	sfence  }
0xb7: {  	s30 =	sld [smem:$0x0];
	_ =	sdelay $0x2  }
0xb8: {  	s31 =	sshll.u32 s1, $0xD;
	s1 =	sshrl.u32 s1, $0x2  }
0xb9: {  	s3 =	sand.u32 $0x4000, s31;
	s1 =	sadd.s32 s1, s30  }
0xba: {  	s0 =	sor.u32 s3, s0;
	s1 =	sshll.u32 s1, $0x11  }
0xbb: {  	s0 =	sor.u32 s1, s0  }
0xbc: {  	s0 =	sadd.s32 $0x8F2B, s0  }
0xbd: {  	[sflag:s0] =	ssyncadd.remote.s32 $0x1  }
0xbe: {  	_ =	sfence.sel $0xFFFF  }
0xbf: {  	[dreg:$0x0] =	wrdreg $0xFFFFFFFF;
	(pc) =	sbr.abs _section_cstart, $3  }
0xc0: {  	[dreg:$0x1] =	wrdreg $0xFFFFFFFF  }
0xc1: {  	_ =	task.clear_ibuf [dreg:s6], $0x2FFFF;
	_ =	strace $0x9FFFFFFF  }
0xc2: {  	(tm) =	ssettm $0x7FFFFFFF  }
0xc3: {  	_ =	shalt  }
tec
execute0_lowered:
.L_overlay_start_1:
0x0: {  	(tag) =	ssettag $0x1  }
0x1: {  	s0 =	rddreg [dreg:$0x0]  }
0x2: {  	s1 =	rddreg [dreg:$0x1];
	s2 =	srdreg.scid;
	s4 =	simm.s32 $0x0  }
0x3: {  	s8 =	stileid.u32;
	s18 =	simm.s32 $0x5;
	s19 =	simm.s32 $0xB200  }
0x4: {  	s20 =	simm.s32 $0x80;
	s23 =	simm.s32 $0x7A00;
	s28 =	simm.s32 $0xDA00  }
0x5: {  	s29 =	simm.s32 $0x3;
	s30 =	simm.s32 $0x4;
	s31 =	simm.s32 $0x0  }
0x6: {  	s2 =	sand.u32 $0x1, s2;
	[smem:$0x7FF] =	sst s4;
	s4 =	sadd.s32 $0x2400, s0  }
0x7: {  	s5 =	sadd.s32 $0x1B400, s0;
	s11 =	smul.u32 $0xC800, s8;
	s3 =	sshll.u32 s2, $0x4  }
0x8: {  	_ =	strace $0x80000047;
	s6 =	ssub.s32 $0x2, s2;
	s2 =	smul.u32 $0xC8000, s2  }
0x9: {  	s3 =	sor.u32 s8, s3;
	s7 =	sshrl.u32 s6, $0x1;
	s24 =	sadd.s32 $0x2800, s11  }
0xa: {  	s12 =	sadd.s32 $0x5000, s11;
	s13 =	sadd.s32 $0x7800, s11;
	s15 =	sadd.s32 $0xA000, s11  }
0xb: {  	s3 =	smul.u32 $0xA40, s3;
	s6 =	ssub.s32 s6, s7;
	s7 =	sadd.s32 s11, s1  }
0xc: {  	s8 =	sadd.s32 s24, s1;
	s9 =	sadd.s32 s12, s1;
	s10 =	sadd.s32 s13, s1  }
0xd: {  	s14 =	sadd.s32 s11, s2;
	s11 =	sadd.s32 s15, s1;
	s25 =	sadd.s32 s2, s12  }
0xe: {  	s26 =	sadd.s32 s2, s13;
	s14 =	sshrl.u32 s14, $0x3;
	s3 =	sadd.s32 s3, s0  }
0xf: {  	s12 =	sshrl.u32 s26, $0x3;
	s17 =	smax.u32 s6, $0x1;
	s3 =	sadd.s32 $0x20400, s3  }
0x10: {  	s0 =	sadd.s32 $0x34C00, s0;
	[dreg:$0x3] =	wrdreg s3;
	s3 =	sadd.s32 s2, s24  }
0x11: {  	s26 =	simm.s32 $0x2;
	s14 =	sadd.s32 s0, s14;
	s3 =	sshrl.u32 s3, $0x3  }
0x12: {  	[dreg:$0x4] =	wrdreg s14;
	s2 =	sadd.s32 s2, s15;
	s3 =	sadd.s32 s0, s3  }
0x13: {  	s15 =	sadd.s32 s0, s12;
	[dreg:$0x5] =	wrdreg s3;
	s3 =	sshrl.u32 s25, $0x3  }
0x14: {  	s24 =	simm.s32 $0xAA00;
	s2 =	sshrl.u32 s2, $0x3;
	s3 =	sadd.s32 s0, s3  }
0x15: {  	v0 =	vimm.f32 $0.0e+00;
	vm0 =	vmmov $0xff;
	s16 =	sadd.s32 s0, s2;
	s25 =	simm.s32 $0x1;
	[dreg:$0x6] =	wrdreg s3  }
.LBB2_1:
0x16: {  	s0 =	simm.s32 $0x0;
	s2 =	rddreg [dreg:$0x3]  }
0x17: {  	[tilespmem:s0], [sflag:$0x5] =	stream.linear.gather [hbm4b:s2+s0], $0x5200, $0x38;
	[tilespmem:$0x1CA00] =	vst v63  }
0x18: {  	_ =	swait.ge [sflag:s18], $0x5200  }
0x19: {  	[sflag:s18] =	ssyncset.done $0x0  }
0x1a: {  	s2 =	simm.s32 $0x140;
	s0 =	simm.s32 $0x0;
	[sflag:s18] =	ssyncadd.s32 $0xFFFFAE00  }
.LBB2_2:
0x1b: {  	p0 =	sne.s32 s2, $0x9EC0;
	[tilespmem:s0+$0xB240] =	vst v0;
	s3 =	smov.u32 s2;
	s2 =	sadd.s32 $0x140, s2  }
.Ltmp0:
0x1c: {  	[tilespmem:s0+$0xB230] =	vst v0;
	(pc) =	sbr.rel @p0 .LBB2_2-.Ltmp0, $4  }
0x1d: {  	[tilespmem:s0+$0xB220] =	vst v0  }
0x1e: {  	[tilespmem:s0+$0xB200] =	vst v0  }
0x1f: {  	[tilespmem:s0+$0xB210] =	vst v0  }
0x20: {  	s0 =	sshra.s32 s3, $0x2  }
0x21: {  	[tilespmem:s0+$0xB240] =	vst v0  }
0x22: {  	[tilespmem:s0+$0xB230] =	vst v0  }
0x23: {  	[tilespmem:s0+$0xB220] =	vst v0  }
0x24: {  	[tilespmem:s0+$0xB200] =	vst v0  }
0x25: {  	[tilespmem:s0+$0xB210] =	vst v0  }
0x26: {  	[spmem:s7] =	stream.linear.scatter [tilespmem:s19], [sflag:$0x5], $0x2800, $0x38;
	[tilespmem:$0x1CA00] =	vst v63  }
0x27: {  	_ =	swait.ge [sflag:s18], $0x2800  }
0x28: {  	[sflag:s18] =	ssyncset.done $0x0  }
0x29: {  	[sflag:s18] =	ssyncadd.s32 $0xFFFFD800  }
0x2a: {  	[spmem:s8] =	stream.linear.scatter [tilespmem:s19], [sflag:$0x5], $0x2800, $0x38;
	[tilespmem:$0x1CA00] =	vst v63  }
0x2b: {  	_ =	swait.ge [sflag:s18], $0x2800  }
0x2c: {  	[sflag:s18] =	ssyncset.done $0x0  }
0x2d: {  	[sflag:s18] =	ssyncadd.s32 $0xFFFFD800  }
0x2e: {  	[spmem:s9] =	stream.linear.scatter [tilespmem:s19], [sflag:$0x5], $0x2800, $0x38;
	[tilespmem:$0x1CA00] =	vst v63  }
0x2f: {  	_ =	swait.ge [sflag:s18], $0x2800  }
0x30: {  	[sflag:s18] =	ssyncset.done $0x0  }
0x31: {  	[sflag:s18] =	ssyncadd.s32 $0xFFFFD800  }
0x32: {  	[spmem:s10] =	stream.linear.scatter [tilespmem:s19], [sflag:$0x5], $0x2800, $0x38;
	[tilespmem:$0x1CA00] =	vst v63  }
0x33: {  	_ =	swait.ge [sflag:s18], $0x2800  }
0x34: {  	[sflag:s18] =	ssyncset.done $0x0  }
0x35: {  	[sflag:s18] =	ssyncadd.s32 $0xFFFFD800  }
0x36: {  	[spmem:s11] =	stream.linear.scatter [tilespmem:s19], [sflag:$0x5], $0x2800, $0x38;
	[tilespmem:$0x1CA00] =	vst v63  }
0x37: {  	_ =	swait.ge [sflag:s18], $0x2800  }
0x38: {  	[sflag:s18] =	ssyncset.done $0x0  }
0x39: {  	[sflag:s18] =	ssyncadd.s32 $0xFFFFD800  }
0x3a: {  	s0 =	simm.s32 $0x0;
	s2 =	simm.s32 $0x5200;
	[bflag:$0x0] =	sbarrier.arrive $0xFFFF  }
0x3b: {  	[tilespmem:s2], [sflag:$0x1] =	stream.indirect.gather [hbm4b:s4+s20], $0x50, s0, s20, $0xb8;
	[tilespmem:$0x1CA00] =	vst v63  }
0x3c: {  	s22 =	simm.s32 $0xA200  }
0x3d: {  	[tilespmem:s22], [sflag:$0x1] =	stream.indirect.gather [hbm4b:s5+s20], $0x10, s20, s20, $0xb8;
	[tilespmem:$0x1CA00] =	vst v63  }
.LBB2_4:
0x3e: {  	s2 =	sshll.u32 s0, $0x9  }
0x3f: {  	s21 =	sand.u32 $0x3FFFFE00, s2  }
0x40: {  	s2 =	sor.u32 $0x100, s21  }
0x41: {  	[tilespmem:s23], [sflag:$0x2] =	stream.indirect.gather [hbm4b:s4+s20], $0x50, s2, s20, $0xb8;
	[tilespmem:$0x1CA00] =	vst v63  }
0x42: {  	s3 =	sor.u32 $0x180, s21  }
0x43: {  	[tilespmem:s24], [sflag:$0x2] =	stream.indirect.gather [hbm4b:s5+s20], $0x10, s3, s20, $0xb8;
	[tilespmem:$0x1CA00] =	vst v63  }
0x44: {  	_ =	swait.ge [sflag:s25], $0x2800  }
0x45: {  	[sflag:s25] =	ssyncset.done $0x0  }
0x46: {  	[sflag:s25] =	ssyncadd.s32 $0xFFFFD800  }
0x47: {  	_ =	swait.ge [sflag:s25], $0x800  }
0x48: {  	p0 =	seq.s32 s0, $0x0;
	[sflag:s25] =	ssyncset.done $0x0  }
0x49: {  	s2 =	simm.s32 @!p0 $0x3;
	[sflag:s25] =	ssyncadd.s32 $0xFFFFF800  }
0x4a: {  	_ =	swait.ge @!p0 [sflag:s2], $0x2800  }
0x4b: {  	[sflag:s2] =	ssyncset.done @!p0 $0x0  }
0x4c: {  	s13 =	simm.s32 $0x5340;
	[sflag:s2] =	ssyncadd.s32 @!p0 $0xFFFFD800  }
0x4d: {  	s22 =	simm.s32 $0xA240;
	v1 =	vld [tilespmem:s13+$0x130]  }
0x4e: {  	v2 =	vld [tilespmem:s22+$0x30]  }
0x4f: {  	v4 =	vld [tilespmem:s13+$0xFFFFFF50]  }
0x50: {  	v5 =	vld [tilespmem:s22+$0xFFFFFFD0]  }
0x51: {  	v6 =	vld [tilespmem:s13+$0xFFFFFFA0]  }
0x52: {  	v7 =	vld [tilespmem:s13+$0xFFFFFFF0]  }
0x53: {  	v9 =	vld [tilespmem:s22+$0xFFFFFFF0]  }
0x54: {  	s2 =	simm.s32 $0x55C0;
	v10 =	vld [tilespmem:s13+$0x40]  }
0x55: {  	s6 =	simm.s32 $0xA2C0;
	v14 =	vld [tilespmem:s2+$0xFFFFFF50]  }
0x56: {  	v15 =	vld [tilespmem:s6+$0xFFFFFFD0]  }
0x57: {  	v16 =	vld [tilespmem:s2+$0xFFFFFFA0]  }
0x58: {  	v17 =	vld [tilespmem:s6+$0xFFFFFFE0]  }
0x59: {  	v1 =	vadd.f32 v2, v1;
	v2 =	vld [tilespmem:s22+$0xFFFFFFE0]  }
0x5a: {  	v26 =	vld [tilespmem:s2+$0x40]  }
0x5b: {  	v4 =	vadd.f32 v5, v4;
	v5 =	vld [tilespmem:s22+$0x0];
	v8 =	vmin.f32 v1, $0.0e+00  }
0x5c: {  	v14 =	vadd.f32 v15, v14;
	v15 =	vld [tilespmem:s6+$0x0];
	v8 =	vmul.f32 $2.000000030e-01, v8  }
0x5d: {  	v1 =	vmax.f32 v1, $0.0e+00  }
0x5e: {  	v3 =	vld [tilespmem:s22+$0xFFFFFFC0];
	v1 =	vadd.f32 v8, v1;
	v2 =	vadd.f32 v2, v6  }
0x5f: {  	v11 =	vld [tilespmem:s22+$0x10];
	v7 =	vadd.f32 v9, v7;
	v16 =	vadd.f32 v17, v16;
	v8 =	vmin.f32 v4, $0.0e+00  }
0x60: {  	v6 =	vld [tilespmem:s13+$0x90];
	v5 =	vadd.f32 v5, v10;
	v1 =	vmul.f32 $1.442695020e+00, v1;
	v12 =	vmin.f32 v2, $0.0e+00  }
0x61: {  	v15 =	vadd.f32 v15, v26;
	v8 =	vmul.f32 $2.000000030e-01, v8;
	v9 =	vmul.f32 $2.000000030e-01, v12;
	v12 =	vld [tilespmem:s13+$0xFFFFFF00]  }
0x62: {  	v13 =	vld [tilespmem:s13+$0xE0];
	v2 =	vmax.f32 v2, $0.0e+00;
	(erf) = vpow2.f32 v1;
	v1 =	vmax.f32 v4, $0.0e+00  }
0x63: {  	v4 =	vld [tilespmem:s22+$0x20];
	v1 =	vadd.f32 v8, v1;
	v8 =	vmin.f32 v7, $0.0e+00;
	v2 =	vadd.f32 v9, v2  }
0x64: {  	v24 =	vld [tilespmem:s6+$0xFFFFFFF0];
	v9 =	vmax.f32 v5, $0.0e+00;
	v5 =	vmin.f32 v5, $0.0e+00;
	v8 =	vmul.f32 $2.000000030e-01, v8  }
0x65: {  	v27 =	vld [tilespmem:s6+$0x10];
	v7 =	vmax.f32 v7, $0.0e+00;
	v6 =	vadd.f32 v11, v6;
	v5 =	vmul.f32 $2.000000030e-01, v5  }
0x66: {  	v29 =	vld [tilespmem:s2+$0xE0];
	v10 =	vmul.f32 $1.442695020e+00, v1;
	v1 =	vadd.f32 v8, v7;
	v3 =	vadd.f32 v3, v12  }
0x67: {  	v7 =	vld [tilespmem:s13+$0xF0];
	v8 =	vmax.f32 v6, $0.0e+00;
	v6 =	vmin.f32 v6, $0.0e+00;
	v5 =	vadd.f32 v5, v9  }
0x68: {  	v30 =	vld [tilespmem:s2+$0xFFFFFF60];
	v4 =	vadd.f32 v4, v13;
	v6 =	vmul.f32 $2.000000030e-01, v6;
	v9 =	vmin.f32 v3, $0.0e+00  }
0x69: {  	v17 =	vld [tilespmem:s2+$0x90];
	v2 =	vmul.f32 $1.442695020e+00, v2;
	v3 =	vmax.f32 v3, $0.0e+00;
	v9 =	vmul.f32 $2.000000030e-01, v9  }
0x6a: {  	v26 =	vld [tilespmem:s2+$0xFFFFFEC0];
	v12 =	vmul.f32 $1.442695020e+00, v1;
	v11 =	vmin.f32 v4, $0.0e+00;
	v6 =	vadd.f32 v6, v8  }
0x6b: {  	v13 =	vld [tilespmem:s6+$0xFFFFFFC0];
	v11 =	vmul.f32 $2.000000030e-01, v11;
	v1 =	vpop (erf);
	(erf) = vpow2.f32 v10;
	v3 =	vadd.f32 v9, v3  }
0x6c: {  	v8 =	vld [tilespmem:s13+$0xFFFFFEC0];
	v7 =	vmul.f32 v1, v7;
	(erf) = vpow2.f32 v2;
	v2 =	vmax.f32 v4, $0.0e+00  }
0x6d: {  	s22 =	simm.s32 $0xB340;
	v5 =	vmul.f32 $1.442695020e+00, v5;
	v2 =	vadd.f32 v11, v2;
	v11 =	vld [tilespmem:s2+$0x130]  }
0x6e: {  	v3 =	vmul.f32 $1.442695020e+00, v3;
	(erf) = vpow2.f32 v12;
	v12 =	vld [tilespmem:s6+$0x30];
	[tilespmem:s22+$0xF0] =	vst v7  }
0x6f: {  	v4 =	vmul.f32 $1.442695020e+00, v6;
	(erf) = vpow2.f32 v5;
	v6 =	vld [tilespmem:s13+$0x100]  }
0x70: {  	v5 =	vld [tilespmem:s13+$0xFFFFFFB0];
	(erf) = vpow2.f32 v3  }
0x71: {  	v3 =	vld [tilespmem:s13+$0xFFFFFF10];
	v2 =	vmul.f32 $1.442695020e+00, v2  }
0x72: {  	(erf) = vpow2.f32 v4;
	v4 =	vld [tilespmem:s13+$0xFFFFFF60]  }
0x73: {  	v11 =	vadd.f32 v12, v11;
	v12 =	vld [tilespmem:s2+$0xFFFFFFF0]  }
0x74: {  	v7 =	vld [tilespmem:s13+$0x0];
	(erf) = vpow2.f32 v2;
	v6 =	vmul.f32 v1, v6  }
0x75: {  	v9 =	vld [tilespmem:s13+$0x50];
	v2 =	vpop (erf)  }
0x76: {  	v28 =	vmin.f32 v16, $0.0e+00;
	v10 =	vld [tilespmem:s13+$0xA0];
	v25 =	vmin.f32 v11, $0.0e+00;
	v3 =	vmul.f32 v2, v3;
	v18 =	vpop (erf);
	[tilespmem:s22+$0x100] =	vst v6  }
0x77: {  	v11 =	vmax.f32 v11, $0.0e+00;
	v25 =	vmul.f32 $2.000000030e-01, v25;
	v4 =	vmul.f32 v18, v4;
	v21 =	vpop (erf);
	v6 =	vld [tilespmem:s13+$0x110]  }
0x78: {  	[tilespmem:s22+$0xFFFFFF10] =	vst v3;
	v3 =	vmul.f32 v21, v5;
	v20 =	vpop (erf);
	v12 =	vadd.f32 v24, v12;
	v24 =	vmul.f32 $2.000000030e-01, v28;
	v28 =	vld [tilespmem:s6+$0x20]  }
0x79: {  	v11 =	vadd.f32 v25, v11;
	v25 =	vmin.f32 v14, $0.0e+00;
	v5 =	vld [tilespmem:s13+$0xFFFFFF20];
	[tilespmem:s22+$0xFFFFFF60] =	vst v4;
	v4 =	vmul.f32 v20, v7;
	v19 =	vpop (erf)  }
0x7a: {  	v16 =	vmax.f32 v16, $0.0e+00;
	v25 =	vmul.f32 $2.000000030e-01, v25;
	v7 =	vmul.f32 v19, v8;
	v8 =	vld [tilespmem:s13+$0xFFFFFF70];
	[tilespmem:s22+$0xFFFFFFB0] =	vst v3  }
0x7b: {  	v17 =	vadd.f32 v27, v17;
	v27 =	vmax.f32 v15, $0.0e+00;
	v14 =	vmax.f32 v14, $0.0e+00;
	v22 =	vpop (erf);
	v3 =	vld [tilespmem:s13+$0xFFFFFFC0]  }
0x7c: {  	v11 =	vmul.f32 $1.442695020e+00, v11;
	[tilespmem:s22+$0x0] =	vst v4;
	v4 =	vmul.f32 v22, v9;
	v14 =	vadd.f32 v25, v14;
	v25 =	vld [tilespmem:s2+$0xFFFFFF00]  }
0x7d: {  	v15 =	vmin.f32 v15, $0.0e+00;
	v31 =	vmax.f32 v17, $0.0e+00;
	v23 =	vpop (erf);
	[tilespmem:s22+$0xFFFFFEC0] =	vst v7;
	v7 =	vld [tilespmem:s13+$0x10];
	v6 =	vmul.f32 v1, v6  }
0x7e: {  	v9 =	vmul.f32 v23, v10;
	(erf) = vpow2.f32 v11;
	v11 =	vmin.f32 v12, $0.0e+00;
	v10 =	vld [tilespmem:s13+$0xFFFFFED0];
	[tilespmem:s22+$0x50] =	vst v4  }
0x7f: {  	v16 =	vadd.f32 v24, v16;
	v11 =	vmul.f32 $2.000000030e-01, v11;
	v4 =	vmul.f32 v2, v5;
	v5 =	vld [tilespmem:s13+$0x60];
	[tilespmem:s22+$0x110] =	vst v6  }
0x80: {  	v12 =	vmax.f32 v12, $0.0e+00;
	v14 =	vmul.f32 $1.442695020e+00, v14;
	[tilespmem:s22+$0xA0] =	vst v9;
	v6 =	vmul.f32 v18, v8;
	v8 =	vld [tilespmem:s13+$0x120]  }
0x81: {  	v11 =	vadd.f32 v11, v12;
	v12 =	vmul.f32 $2.000000030e-01, v15;
	[tilespmem:s22+$0xFFFFFF20] =	vst v4;
	v4 =	vld [tilespmem:s13+$0xB0];
	v3 =	vmul.f32 v21, v3  }
0x82: {  	v24 =	vld [tilespmem:s2+$0xFFFFFF10];
	(erf) = vpow2.f32 v14;
	v13 =	vadd.f32 v13, v25;
	[tilespmem:s22+$0xFFFFFF70] =	vst v6;
	v7 =	vmul.f32 v20, v7  }
0x83: {  	v9 =	vld [tilespmem:s13+$0xFFFFFF30];
	v10 =	vmul.f32 v19, v10;
	[tilespmem:s22+$0xFFFFFFC0] =	vst v3;
	v3 =	vmin.f32 v17, $0.0e+00;
	v17 =	vadd.f32 v28, v29  }
0x84: {  	v25 =	vld [tilespmem:s2+$0xF0];
	v5 =	vmul.f32 v22, v5;
	[tilespmem:s22+$0x10] =	vst v7;
	v7 =	vadd.f32 v12, v27;
	v3 =	vmul.f32 $2.000000030e-01, v3  }
0x85: {  	v6 =	vld [tilespmem:s13+$0xFFFFFF80];
	v12 =	vmul.f32 $1.442695020e+00, v16;
	[tilespmem:s22+$0xFFFFFED0] =	vst v10;
	v10 =	vmax.f32 v17, $0.0e+00;
	v16 =	vmin.f32 v17, $0.0e+00  }
0x86: {  	v15 =	vld [tilespmem:s2+$0xFFFFFFB0];
	v17 =	vmin.f32 v13, $0.0e+00;
	v8 =	vmul.f32 v8, v1;
	v4 =	vmul.f32 v23, v4  }
0x87: {  	v28 =	vld [tilespmem:s2+$0x50];
	[tilespmem:s22+$0x60] =	vst v5;
	v5 =	vmax.f32 v13, $0.0e+00;
	v13 =	vmul.f32 $2.000000030e-01, v16;
	v17 =	vmul.f32 $2.000000030e-01, v17  }
0x88: {  	v3 =	vadd.f32 v3, v31;
	v9 =	vmul.f32 v2, v9;
	[tilespmem:s22+$0x120] =	vst v8;
	v8 =	vmul.f32 $1.442695020e+00, v11;
	v16 =	vpop (erf);
	v11 =	vld [tilespmem:s13+$0xFFFFFEE0]  }
0x89: {  	v14 =	vld [tilespmem:s13+$0xFFFFFFD0];
	[tilespmem:s22+$0xB0] =	vst v4;
	v4 =	vmul.f32 $1.442695020e+00, v7;
	v5 =	vadd.f32 v17, v5;
	v7 =	vmul.f32 v16, v25  }
0x8a: {  	s12 =	simm.s32 $0xB5C0;
	(erf) = vpow2.f32 v12;
	v6 =	vmul.f32 v18, v6;
	[tilespmem:s22+$0xFFFFFF30] =	vst v9;
	v9 =	vadd.f32 v13, v10;
	v10 =	vld [tilespmem:s13+$0x20]  }
0x8b: {  	v1 =	vnsel vm0, $0x0, v1;
	v5 =	vmul.f32 $1.442695020e+00, v5;
	(erf) = vpow2.f32 v8;
	[tilespmem:s12+$0xF0] =	vst v7;
	v7 =	vld [tilespmem:s13+$0x70]  }
0x8c: {  	[tilespmem:s22+$0x130] =	vst v1;
	v3 =	vmul.f32 $1.442695020e+00, v3;
	(erf) = vpow2.f32 v4;
	v8 =	vld [tilespmem:s2+$0x100]  }
0x8d: {  	[tilespmem:s22+$0xFFFFFF80] =	vst v6;
	v17 =	vld [tilespmem:s13+$0xFFFFFF40];
	v4 =	vnsel vm0, $0x0, v2;
	(erf) = vpow2.f32 v5;
	v1 =	vmul.f32 v19, v11  }
0x8e: {  	v5 =	vld [tilespmem:s13+$0xC0];
	[tilespmem:s22+$0xFFFFFF50] =	vst v4;
	(erf) = vpow2.f32 v3;
	v3 =	vmul.f32 v21, v14  }
0x8f: {  	v29 =	vld [tilespmem:s2+$0xA0];
	v6 =	vmul.f32 $1.442695020e+00, v9;
	v4 =	vmul.f32 v20, v10;
	[tilespmem:s22+$0xFFFFFEE0] =	vst v1  }
0x90: {  	v27 =	vld [tilespmem:s2+$0x0];
	[tilespmem:s22+$0xFFFFFFD0] =	vst v3;
	v3 =	vmul.f32 v22, v7  }
0x91: {  	v31 =	vld [tilespmem:s13+$0xFFFFFF90];
	(erf) = vpow2.f32 v6;
	[tilespmem:s22+$0x20] =	vst v4;
	v6 =	vmul.f32 v16, v8;
	v1 =	vpop (erf)  }
0x92: {  	v32 =	vld [tilespmem:s13+$0xFFFFFEF0];
	v4 =	vmul.f32 v1, v24;
	[tilespmem:s22+$0x70] =	vst v3  }
0x93: {  	v33 =	vld [tilespmem:s13+$0xFFFFFFE0];
	v5 =	vmul.f32 v23, v5;
	v7 =	vpop (erf);
	[tilespmem:s12+$0x100] =	vst v6  }
0x94: {  	v35 =	vld [tilespmem:s13+$0x80];
	[tilespmem:s12+$0xFFFFFF10] =	vst v4;
	v4 =	vmul.f32 v7, v30  }
0x95: {  	[tilespmem:s22+$0xC0] =	vst v5;
	v24 =	vld [tilespmem:s2+$0x110]  }
0x96: {  	v36 =	vld [tilespmem:s13+$0xD0];
	v6 =	vpop (erf)  }
0x97: {  	v13 =	vnsel vm0, $0x0, v19;
	v34 =	vld [tilespmem:s13+$0x30];
	v12 =	vmul.f32 v6, v15;
	v3 =	vpop (erf)  }
0x98: {  	v9 =	vnsel vm0, $0x0, v20;
	v11 =	vnsel vm0, $0x0, v22;
	v30 =	vld [tilespmem:s2+$0xFFFFFF20];
	[tilespmem:s12+$0xFFFFFF60] =	vst v4;
	v14 =	vmul.f32 v3, v27;
	v4 =	vpop (erf)  }
0x99: {  	v10 =	vnsel vm0, $0x0, v21;
	v25 =	vmul.f32 v17, v2;
	v37 =	vld [tilespmem:s2+$0xFFFFFF70];
	[tilespmem:s12+$0xFFFFFFB0] =	vst v12;
	v26 =	vmul.f32 v4, v26;
	v5 =	vpop (erf)  }
0x9a: {  	v8 =	vnsel vm0, $0x0, v18;
	v22 =	vmul.f32 v35, v22;
	v38 =	vld [tilespmem:s2+$0xFFFFFFC0];
	[tilespmem:s12+$0x0] =	vst v14;
	v27 =	vmul.f32 v5, v28  }
0x9b: {  	v12 =	vnsel vm0, $0x0, v23;
	v24 =	vmul.f32 v16, v24;
	v23 =	vmul.f32 v36, v23;
	v2 =	vpop (erf);
	v39 =	vld [tilespmem:s2+$0x10];
	[tilespmem:s12+$0xFFFFFEC0] =	vst v26  }
0x9c: {  	v17 =	vnsel vm0, $0x0, v7;
	v28 =	vmul.f32 v32, v19;
	v29 =	vmul.f32 v2, v29;
	v40 =	vld [tilespmem:s2+$0xFFFFFED0];
	[tilespmem:s12+$0x50] =	vst v27  }
0x9d: {  	v15 =	vnsel vm0, $0x0, v16;
	v62 =	vmul.f32 v1, v30;
	v26 =	vmul.f32 v31, v18;
	[tilespmem:s12+$0x110] =	vst v24;
	v30 =	vld [tilespmem:s2+$0x60]  }
0x9e: {  	v14 =	vnsel vm0, $0x0, v1;
	v27 =	vmul.f32 v33, v21;
	v21 =	vmul.f32 v7, v37;
	v31 =	vld [tilespmem:s2+$0x120];
	[tilespmem:s12+$0xA0] =	vst v29  }
0x9f: {  	v19 =	vnsel vm0, $0x0, v3;
	v18 =	vnsel vm0, $0x0, v6;
	[tilespmem:s12+$0xFFFFFF20] =	vst v62;
	v63 =	vmul.f32 v6, v38;
	v32 =	vld [tilespmem:s2+$0xB0]  }
0xa0: {  	v24 =	vnsel vm0, $0x0, v4;
	v29 =	vmul.f32 v34, v20;
	v33 =	vld [tilespmem:s2+$0xFFFFFF30];
	[tilespmem:s12+$0xFFFFFF70] =	vst v21;
	v36 =	vmul.f32 v3, v39  }
0xa1: {  	s14 =	simm.s32 $0x5840;
	s13 =	simm.s32 $0x8;
	v20 =	vnsel vm0, $0x0, v5;
	v21 =	vnsel vm0, $0x0, v2;
	v34 =	vld [tilespmem:s2+$0xFFFFFF80];
	[tilespmem:s12+$0xFFFFFFC0] =	vst v63;
	v35 =	vmul.f32 v4, v40  }
.LBB2_5:
0xa2: {  	v37 =	vld [tilespmem:s14+$0x130];
	[tilespmem:s12+$0x10] =	vst v36;
	v30 =	vmul.f32 v5, v30;
	s6 =	sadd.s32 $0x80, s6  }
0xa3: {  	s13 =	sadd.s32 $0x8, s13;
	v36 =	vld [tilespmem:s6+$0x30];
	[tilespmem:s12+$0xFFFFFED0] =	vst v35;
	v16 =	vmul.f32 v31, v16  }
0xa4: {  	p1 =	slt.u32 s13, $0x78;
	v31 =	vld [tilespmem:s6+$0xFFFFFFC0];
	[tilespmem:s12+$0x60] =	vst v30;
	v30 =	vmul.f32 v2, v32  }
0xa5: {  	v32 =	vld [tilespmem:s14+$0xFFFFFF50];
	v33 =	vmul.f32 v1, v33;
	[tilespmem:s12+$0x120] =	vst v16  }
0xa6: {  	v16 =	vld [tilespmem:s6+$0xFFFFFFD0];
	v34 =	vmul.f32 v7, v34;
	[tilespmem:s12+$0xB0] =	vst v30  }
0xa7: {  	v30 =	vld [tilespmem:s14+$0xFFFFFFA0];
	[tilespmem:s12+$0xFFFFFF30] =	vst v33  }
0xa8: {  	v33 =	vld [tilespmem:s6+$0xFFFFFFE0];
	v35 =	vadd.f32 v36, v37;
	[tilespmem:s12+$0xFFFFFF80] =	vst v34  }
0xa9: {  	v34 =	vld [tilespmem:s14+$0xFFFFFFF0];
	[tilespmem:s22+$0xFFFFFEF0] =	vst v28  }
0xaa: {  	v28 =	vld [tilespmem:s6+$0xFFFFFFF0];
	v36 =	vmin.f32 v35, $0.0e+00;
	[tilespmem:s22+$0xFFFFFF40] =	vst v25  }
0xab: {  	v16 =	vadd.f32 v16, v32;
	v25 =	vld [tilespmem:s14+$0x40];
	v32 =	vmul.f32 $2.000000030e-01, v36;
	[tilespmem:s22+$0xFFFFFF90] =	vst v26  }
0xac: {  	v35 =	vmax.f32 v35, $0.0e+00;
	v26 =	vld [tilespmem:s6+$0x0];
	[tilespmem:s22+$0xFFFFFFE0] =	vst v27  }
0xad: {  	v27 =	vmin.f32 v16, $0.0e+00;
	v30 =	vadd.f32 v33, v30;
	v33 =	vld [tilespmem:s14+$0x90];
	v32 =	vadd.f32 v32, v35;
	[tilespmem:s22+$0x30] =	vst v29  }
0xae: {  	v16 =	vmax.f32 v16, $0.0e+00;
	v27 =	vmul.f32 $2.000000030e-01, v27;
	v29 =	vld [tilespmem:s6+$0x10];
	[tilespmem:s22+$0x80] =	vst v22  }
0xaf: {  	v22 =	vmin.f32 v30, $0.0e+00;
	v28 =	vadd.f32 v28, v34;
	v34 =	vld [tilespmem:s14+$0xE0];
	v32 =	vmul.f32 $1.442695020e+00, v32;
	[tilespmem:s22+$0xD0] =	vst v23  }
0xb0: {  	v23 =	vmax.f32 v30, $0.0e+00;
	v16 =	vadd.f32 v27, v16;
	v27 =	vmul.f32 $2.000000030e-01, v22;
	v30 =	vld [tilespmem:s6+$0x20];
	[tilespmem:s22+$0xFFFFFF00] =	vst v13;
	v13 =	vmovc v24  }
0xb1: {  	v24 =	vld [tilespmem:s14+$0xFFFFFF00];
	v35 =	vmin.f32 v28, $0.0e+00;
	v25 =	vadd.f32 v26, v25;
	(erf) = vpow2.f32 v32;
	[tilespmem:s22+$0xFFFFFFA0] =	vst v8;
	v8 =	vmovc v17  }
0xb2: {  	v22 =	vld [tilespmem:s14+$0xFFFFFEC0];
	v17 =	vadd.f32 v27, v23;
	v23 =	vmax.f32 v28, $0.0e+00;
	v26 =	vmul.f32 $2.000000030e-01, v35;
	[tilespmem:s22+$0xFFFFFFF0] =	vst v10;
	v10 =	vmovc v18  }
0xb3: {  	v18 =	vld [tilespmem:s14+$0xFFFFFF10];
	v27 =	vmax.f32 v25, $0.0e+00;
	v25 =	vmin.f32 v25, $0.0e+00;
	v28 =	vadd.f32 v29, v33;
	[tilespmem:s22+$0x40] =	vst v9;
	v9 =	vmovc v19  }
0xb4: {  	v16 =	vmul.f32 $1.442695020e+00, v16;
	v19 =	vld [tilespmem:s14+$0xFFFFFF60];
	v23 =	vadd.f32 v26, v23;
	v25 =	vmul.f32 $2.000000030e-01, v25;
	[tilespmem:s22+$0x90] =	vst v11;
	v11 =	vmovc v20  }
0xb5: {  	v20 =	vld [tilespmem:s14+$0xFFFFFFB0];
	v26 =	vmax.f32 v28, $0.0e+00;
	v28 =	vmin.f32 v28, $0.0e+00;
	v29 =	vadd.f32 v30, v34;
	[tilespmem:s22+$0xE0] =	vst v12;
	v12 =	vmovc v21;
	s22 =	smov.u32 s12  }
0xb6: {  	v21 =	vadd.f32 v31, v24;
	v24 =	vadd.f32 v25, v27;
	v25 =	vmul.f32 $2.000000030e-01, v28;
	v27 =	vld [tilespmem:s14+$0xF0];
	[tilespmem:s12+$0x130] =	vst v15  }
0xb7: {  	v17 =	vmul.f32 $1.442695020e+00, v17;
	v30 =	vld [tilespmem:s14+$0x0];
	v15 =	vmax.f32 v29, $0.0e+00;
	v28 =	vmin.f32 v29, $0.0e+00  }
0xb8: {  	v29 =	vmax.f32 v21, $0.0e+00;
	v21 =	vmin.f32 v21, $0.0e+00;
	v31 =	vld [tilespmem:s14+$0x50];
	v28 =	vmul.f32 $2.000000030e-01, v28  }
0xb9: {  	v23 =	vmul.f32 $1.442695020e+00, v23;
	v25 =	vadd.f32 v25, v26;
	v21 =	vmul.f32 $2.000000030e-01, v21;
	v32 =	vld [tilespmem:s14+$0xA0]  }
0xba: {  	v24 =	vmul.f32 $1.442695020e+00, v24;
	v15 =	vadd.f32 v28, v15;
	(erf) = vpow2.f32 v16;
	v16 =	vpop (erf);
	v26 =	vld [tilespmem:s2+$0xFFFFFEE0]  }
0xbb: {  	v25 =	vmul.f32 $1.442695020e+00, v25;
	v21 =	vadd.f32 v21, v29;
	v27 =	vmul.f32 v16, v27;
	v28 =	vld [tilespmem:s2+$0xFFFFFFD0]  }
0xbc: {  	s12 =	sadd.s32 $0x280, s12;
	v29 =	vmul.f32 $1.442695020e+00, v15;
	v15 =	vnsel vm0, $0x0, v16;
	(erf) = vpow2.f32 v17;
	v17 =	vld [tilespmem:s2+$0x20]  }
0xbd: {  	v21 =	vmul.f32 $1.442695020e+00, v21;
	[tilespmem:s12+$0xF0] =	vst v27;
	(erf) = vpow2.f32 v23;
	v23 =	vld [tilespmem:s2+$0x70]  }
0xbe: {  	v27 =	vld [tilespmem:s14+$0x100];
	(erf) = vpow2.f32 v24  }
0xbf: {  	(erf) = vpow2.f32 v21;
	v21 =	vmul.f32 v4, v26;
	v24 =	vld [tilespmem:s2+$0xC0]  }
0xc0: {  	(erf) = vpow2.f32 v25;
	v25 =	vld [tilespmem:s2+$0xFFFFFF40];
	[tilespmem:s22+$0xFFFFFF50] =	vst v14;
	v14 =	vmul.f32 v6, v28  }
0xc1: {  	(erf) = vpow2.f32 v29;
	[tilespmem:s22+$0xFFFFFEE0] =	vst v21;
	v21 =	vld [tilespmem:s2+$0xFFFFFF90];
	v17 =	vmul.f32 v3, v17  }
0xc2: {  	v28 =	vld [tilespmem:s2+$0xFFFFFEF0];
	[tilespmem:s22+$0xFFFFFFD0] =	vst v14;
	v23 =	vmul.f32 v5, v23  }
0xc3: {  	v26 =	vmul.f32 v16, v27;
	v27 =	vpop (erf);
	v29 =	vld [tilespmem:s2+$0xFFFFFFE0];
	[tilespmem:s22+$0x20] =	vst v17  }
0xc4: {  	v17 =	vmul.f32 v27, v18;
	v14 =	vnsel vm0, $0x0, v27;
	v33 =	vld [tilespmem:s2+$0x30];
	[tilespmem:s22+$0x70] =	vst v23;
	v23 =	vmul.f32 v2, v24  }
0xc5: {  	[tilespmem:s12+$0x100] =	vst v26;
	v34 =	vpop (erf);
	v25 =	vmul.f32 v25, v1;
	v35 =	vld [tilespmem:s2+$0x80];
	v1 =	vmov v27  }
0xc6: {  	[tilespmem:s12+$0xFFFFFF10] =	vst v17;
	v19 =	vmul.f32 v34, v19;
	v17 =	vnsel vm0, $0x0, v34;
	v36 =	vld [tilespmem:s14+$0x110];
	v37 =	vpop (erf);
	v26 =	vmul.f32 v21, v7  }
0xc7: {  	v38 =	vld [tilespmem:s14+$0xFFFFFF20];
	v7 =	vmul.f32 v37, v20;
	v18 =	vnsel vm0, $0x0, v37;
	v39 =	vpop (erf);
	v28 =	vmul.f32 v28, v4;
	[tilespmem:s22+$0xC0] =	vst v23  }
0xc8: {  	[tilespmem:s12+$0xFFFFFF60] =	vst v19;
	v20 =	vmul.f32 v39, v30;
	v19 =	vnsel vm0, $0x0, v39;
	v4 =	vpop (erf);
	v27 =	vmul.f32 v29, v6;
	v23 =	vld [tilespmem:s2+$0xD0];
	s2 =	smov.u32 s14  }
0xc9: {  	v41 =	vmul.f32 v4, v22;
	v24 =	vnsel vm0, $0x0, v4;
	v40 =	vld [tilespmem:s14+$0xFFFFFF70];
	[tilespmem:s12+$0xFFFFFFB0] =	vst v7;
	v30 =	vpop (erf);
	v29 =	vmul.f32 v33, v3  }
0xca: {  	v33 =	vld [tilespmem:s14+$0xFFFFFFC0];
	[tilespmem:s12+$0x0] =	vst v20;
	v42 =	vmul.f32 v30, v31;
	v20 =	vnsel vm0, $0x0, v30;
	v31 =	vpop (erf);
	v22 =	vmul.f32 v35, v5  }
0xcb: {  	[tilespmem:s12+$0xFFFFFEC0] =	vst v41;
	v35 =	vld [tilespmem:s14+$0x10];
	v32 =	vmul.f32 v31, v32;
	v21 =	vnsel vm0, $0x0, v31;
	v36 =	vmul.f32 v16, v36;
	v7 =	vmovc v34  }
0xcc: {  	v6 =	vmovc v37;
	v3 =	vmov v39;
	v5 =	vmov v30;
	v34 =	vld [tilespmem:s14+$0xFFFFFED0];
	v38 =	vmul.f32 v1, v38;
	[tilespmem:s12+$0x50] =	vst v42  }
.Ltmp1:
0xcd: {  	v30 =	vld [tilespmem:s14+$0x60];
	[tilespmem:s12+$0x110] =	vst v36;
	v23 =	vmul.f32 v23, v2;
	v2 =	vmov v31;
	(pc) =	sbr.rel @p1 .LBB2_5-.Ltmp1, $4  }
0xce: {  	v36 =	vmul.f32 v7, v40;
	[tilespmem:s12+$0xA0] =	vst v32;
	v31 =	vld [tilespmem:s14+$0x120]  }
0xcf: {  	[tilespmem:s12+$0xFFFFFF20] =	vst v38;
	v37 =	vmul.f32 v6, v33;
	v32 =	vld [tilespmem:s14+$0xB0]  }
0xd0: {  	v33 =	vld [tilespmem:s14+$0xFFFFFF30];
	[tilespmem:s12+$0xFFFFFF70] =	vst v36;
	v36 =	vmul.f32 v3, v35  }
0xd1: {  	s14 =	sadd.s32 $0x280, s14;
	v35 =	vmul.f32 v4, v34;
	v34 =	vld [tilespmem:s2+$0xFFFFFF80];
	[tilespmem:s12+$0xFFFFFFC0] =	vst v37  }
0xd2: {  	[tilespmem:s12+$0x10] =	vst v36  }
0xd3: {  	[tilespmem:s22+$0xFFFFFEF0] =	vst v28  }
0xd4: {  	[tilespmem:s22+$0xFFFFFF40] =	vst v25  }
0xd5: {  	[tilespmem:s22+$0xFFFFFF90] =	vst v26  }
0xd6: {  	[tilespmem:s22+$0xFFFFFFE0] =	vst v27  }
0xd7: {  	[tilespmem:s22+$0x30] =	vst v29  }
0xd8: {  	[tilespmem:s22+$0x80] =	vst v22  }
0xd9: {  	[tilespmem:s22+$0xD0] =	vst v23  }
0xda: {  	[tilespmem:s22+$0xFFFFFF00] =	vst v13  }
0xdb: {  	[tilespmem:s22+$0xFFFFFFA0] =	vst v8  }
0xdc: {  	[tilespmem:s22+$0xFFFFFFF0] =	vst v10  }
0xdd: {  	[tilespmem:s22+$0x40] =	vst v9  }
0xde: {  	[tilespmem:s22+$0x90] =	vst v11  }
0xdf: {  	[tilespmem:s22+$0xE0] =	vst v12  }
0xe0: {  	v30 =	vmul.f32 v5, v30;
	v8 =	vld [tilespmem:s2+$0xFFFFFFD0];
	[tilespmem:s12+$0x130] =	vst v15  }
0xe1: {  	[tilespmem:s12+$0xFFFFFED0] =	vst v35;
	v16 =	vmul.f32 v31, v16  }
0xe2: {  	v10 =	vld [tilespmem:s2+$0x20];
	[tilespmem:s12+$0x60] =	vst v30;
	v30 =	vmul.f32 v2, v32  }
0xe3: {  	v31 =	vmul.f32 v1, v33;
	[tilespmem:s12+$0x120] =	vst v16  }
0xe4: {  	v9 =	vld [tilespmem:s2+$0x70];
	v16 =	vmul.f32 v7, v34;
	[tilespmem:s12+$0xB0] =	vst v30  }
0xe5: {  	[tilespmem:s12+$0xFFFFFF30] =	vst v31;
	v11 =	vld [tilespmem:s2+$0xC0];
	v8 =	vmul.f32 v6, v8  }
0xe6: {  	[tilespmem:s12+$0xFFFFFF80] =	vst v16;
	v16 =	vld [tilespmem:s2+$0xFFFFFEE0]  }
0xe7: {  	v10 =	vmul.f32 v3, v10;
	[tilespmem:s12+$0xFFFFFFD0] =	vst v8  }
0xe8: {  	v15 =	vld [tilespmem:s2+$0xFFFFFF90];
	[tilespmem:s12+$0xFFFFFFA0] =	vst v17  }
0xe9: {  	v8 =	vmul.f32 v5, v9;
	[tilespmem:s12+$0x20] =	vst v10  }
0xea: {  	v9 =	vld [tilespmem:s2+$0xFFFFFFE0];
	[tilespmem:s12+$0xFFFFFFF0] =	vst v18;
	v10 =	vmul.f32 v2, v11  }
0xeb: {  	v11 =	vld [tilespmem:s2+$0x30];
	[tilespmem:s12+$0x70] =	vst v8;
	v13 =	vmul.f32 v4, v16  }
0xec: {  	v8 =	vld [tilespmem:s2+$0x80];
	[tilespmem:s12+$0xC0] =	vst v10  }
0xed: {  	[tilespmem:s12+$0xFFFFFEE0] =	vst v13;
	v13 =	vld [tilespmem:s2+$0xFFFFFF40]  }
0xee: {  	[tilespmem:s12+$0x40] =	vst v19;
	v10 =	vld [tilespmem:s2+$0xD0]  }
0xef: {  	[tilespmem:s12+$0x90] =	vst v20;
	v12 =	vld [tilespmem:s2+$0xFFFFFEF0]  }
0xf0: {  	v7 =	vmul.f32 v15, v7;
	[tilespmem:s12+$0xFFFFFF50] =	vst v14  }
0xf1: {  	[tilespmem:s12+$0xE0] =	vst v21  }
0xf2: {  	[tilespmem:s12+$0xFFFFFF90] =	vst v7;
	v1 =	vmul.f32 v13, v1  }
0xf3: {  	[tilespmem:s12+$0xFFFFFF00] =	vst v24;
	v2 =	vmul.f32 v10, v2  }
0xf4: {  	v4 =	vmul.f32 v12, v4;
	[tilespmem:s12+$0xFFFFFF40] =	vst v1  }
0xf5: {  	v1 =	vmul.f32 v11, v3;
	[tilespmem:s12+$0xD0] =	vst v2  }
0xf6: {  	v3 =	vmul.f32 v8, v5;
	[tilespmem:s12+$0xFFFFFEF0] =	vst v4  }
0xf7: {  	v4 =	vmul.f32 v9, v6;
	[tilespmem:s12+$0x30] =	vst v1  }
0xf8: {  	[tilespmem:s12+$0x80] =	vst v3  }
0xf9: {  	s14 =	sadd.s32 $0x80, s21;
	p1 =	seq.s32 s0, $0x28;
	[tilespmem:s12+$0xFFFFFFE0] =	vst v4  }
0xfa: {  	[spmem:s1] =	stream.indirect.scatter.add.f32 [tilespmem:s19], [sflag:$0x3], $0x50, s14, s20, $0xb8;
	[tilespmem:$0x1CA00] =	vst v63  }
0xfb: {  	s6 =	simm.s32 @!p1 $0x80;
	s2 =	sadd.s32 @!p1 $0x200, s21;
	s12 =	simm.s32 @!p1 $0x5200  }
0xfc: {  	[tilespmem:s12], [sflag:$0x1] =	stream.indirect.gather @!p1 [hbm4b:s4+s6], $0x50, s2, s6, $0xb8;
	[tilespmem:$0x1CA00] =	vst v63  }
0xfd: {  	s2 =	sadd.s32 @!p1 $0x280, s21;
	s12 =	simm.s32 @!p1 $0xA200  }
0xfe: {  	[tilespmem:s12], [sflag:$0x1] =	stream.indirect.gather @!p1 [hbm4b:s5+s6], $0x10, s2, s6, $0xb8;
	[tilespmem:$0x1CA00] =	vst v63  }
0xff: {  	_ =	swait.ge [sflag:s26], $0x2800  }
0x100: {  	[sflag:s26] =	ssyncset.done $0x0  }
0x101: {  	[sflag:s26] =	ssyncadd.s32 $0xFFFFD800  }
0x102: {  	_ =	swait.ge [sflag:s26], $0x800  }
0x103: {  	[sflag:s26] =	ssyncset.done $0x0  }
0x104: {  	s2 =	simm.s32 @!p0 $0x4;
	[sflag:s26] =	ssyncadd.s32 $0xFFFFF800  }
0x105: {  	_ =	swait.ge @!p0 [sflag:s2], $0x2800  }
0x106: {  	[sflag:s2] =	ssyncset.done @!p0 $0x0  }
0x107: {  	s13 =	simm.s32 $0x7B40;
	[sflag:s2] =	ssyncadd.s32 @!p0 $0xFFFFD800  }
0x108: {  	s22 =	simm.s32 $0xAA40;
	v1 =	vld [tilespmem:s13+$0x130]  }
0x109: {  	v2 =	vld [tilespmem:s22+$0x30]  }
0x10a: {  	v4 =	vld [tilespmem:s13+$0xFFFFFF50]  }
0x10b: {  	v5 =	vld [tilespmem:s22+$0xFFFFFFD0]  }
0x10c: {  	v6 =	vld [tilespmem:s13+$0xFFFFFFA0]  }
0x10d: {  	v7 =	vld [tilespmem:s13+$0xFFFFFFF0]  }
0x10e: {  	v9 =	vld [tilespmem:s22+$0xFFFFFFF0]  }
0x10f: {  	s2 =	simm.s32 $0x7DC0;
	v10 =	vld [tilespmem:s13+$0x40]  }
0x110: {  	s6 =	simm.s32 $0xAAC0;
	v14 =	vld [tilespmem:s2+$0xFFFFFF50]  }
0x111: {  	v15 =	vld [tilespmem:s6+$0xFFFFFFD0]  }
0x112: {  	v16 =	vld [tilespmem:s2+$0xFFFFFFA0]  }
0x113: {  	v17 =	vld [tilespmem:s6+$0xFFFFFFE0]  }
0x114: {  	v1 =	vadd.f32 v2, v1;
	v2 =	vld [tilespmem:s22+$0xFFFFFFE0]  }
0x115: {  	v26 =	vld [tilespmem:s2+$0x40]  }
0x116: {  	v4 =	vadd.f32 v5, v4;
	v5 =	vld [tilespmem:s22+$0x0];
	v8 =	vmin.f32 v1, $0.0e+00  }
0x117: {  	v14 =	vadd.f32 v15, v14;
	v15 =	vld [tilespmem:s6+$0x0];
	v8 =	vmul.f32 $2.000000030e-01, v8  }
0x118: {  	v1 =	vmax.f32 v1, $0.0e+00  }
0x119: {  	v3 =	vld [tilespmem:s22+$0xFFFFFFC0];
	v1 =	vadd.f32 v8, v1;
	v2 =	vadd.f32 v2, v6  }
0x11a: {  	v11 =	vld [tilespmem:s22+$0x10];
	v7 =	vadd.f32 v9, v7;
	v16 =	vadd.f32 v17, v16;
	v8 =	vmin.f32 v4, $0.0e+00  }
0x11b: {  	v6 =	vld [tilespmem:s13+$0x90];
	v5 =	vadd.f32 v5, v10;
	v1 =	vmul.f32 $1.442695020e+00, v1;
	v12 =	vmin.f32 v2, $0.0e+00  }
0x11c: {  	v15 =	vadd.f32 v15, v26;
	v8 =	vmul.f32 $2.000000030e-01, v8;
	v9 =	vmul.f32 $2.000000030e-01, v12;
	v12 =	vld [tilespmem:s13+$0xFFFFFF00]  }
0x11d: {  	v13 =	vld [tilespmem:s13+$0xE0];
	v2 =	vmax.f32 v2, $0.0e+00;
	(erf) = vpow2.f32 v1;
	v1 =	vmax.f32 v4, $0.0e+00  }
0x11e: {  	v4 =	vld [tilespmem:s22+$0x20];
	v1 =	vadd.f32 v8, v1;
	v8 =	vmin.f32 v7, $0.0e+00;
	v2 =	vadd.f32 v9, v2  }
0x11f: {  	v24 =	vld [tilespmem:s6+$0xFFFFFFF0];
	v9 =	vmax.f32 v5, $0.0e+00;
	v5 =	vmin.f32 v5, $0.0e+00;
	v8 =	vmul.f32 $2.000000030e-01, v8  }
0x120: {  	v27 =	vld [tilespmem:s6+$0x10];
	v7 =	vmax.f32 v7, $0.0e+00;
	v6 =	vadd.f32 v11, v6;
	v5 =	vmul.f32 $2.000000030e-01, v5  }
0x121: {  	v29 =	vld [tilespmem:s2+$0xE0];
	v10 =	vmul.f32 $1.442695020e+00, v1;
	v1 =	vadd.f32 v8, v7;
	v3 =	vadd.f32 v3, v12  }
0x122: {  	v7 =	vld [tilespmem:s13+$0xF0];
	v8 =	vmax.f32 v6, $0.0e+00;
	v6 =	vmin.f32 v6, $0.0e+00;
	v5 =	vadd.f32 v5, v9  }
0x123: {  	v30 =	vld [tilespmem:s2+$0xFFFFFF60];
	v4 =	vadd.f32 v4, v13;
	v6 =	vmul.f32 $2.000000030e-01, v6;
	v9 =	vmin.f32 v3, $0.0e+00  }
0x124: {  	v17 =	vld [tilespmem:s2+$0x90];
	v2 =	vmul.f32 $1.442695020e+00, v2;
	v3 =	vmax.f32 v3, $0.0e+00;
	v9 =	vmul.f32 $2.000000030e-01, v9  }
0x125: {  	v26 =	vld [tilespmem:s2+$0xFFFFFEC0];
	v12 =	vmul.f32 $1.442695020e+00, v1;
	v11 =	vmin.f32 v4, $0.0e+00;
	v6 =	vadd.f32 v6, v8  }
0x126: {  	v13 =	vld [tilespmem:s6+$0xFFFFFFC0];
	v11 =	vmul.f32 $2.000000030e-01, v11;
	v1 =	vpop (erf);
	(erf) = vpow2.f32 v10;
	v3 =	vadd.f32 v9, v3  }
0x127: {  	v8 =	vld [tilespmem:s13+$0xFFFFFEC0];
	v7 =	vmul.f32 v1, v7;
	(erf) = vpow2.f32 v2;
	v2 =	vmax.f32 v4, $0.0e+00  }
0x128: {  	s21 =	simm.s32 $0xDB40;
	v5 =	vmul.f32 $1.442695020e+00, v5;
	v2 =	vadd.f32 v11, v2;
	v11 =	vld [tilespmem:s2+$0x130]  }
0x129: {  	v3 =	vmul.f32 $1.442695020e+00, v3;
	(erf) = vpow2.f32 v12;
	v12 =	vld [tilespmem:s6+$0x30];
	[tilespmem:s21+$0xF0] =	vst v7  }
0x12a: {  	v4 =	vmul.f32 $1.442695020e+00, v6;
	(erf) = vpow2.f32 v5;
	v6 =	vld [tilespmem:s13+$0x100]  }
0x12b: {  	v5 =	vld [tilespmem:s13+$0xFFFFFFB0];
	(erf) = vpow2.f32 v3  }
0x12c: {  	v3 =	vld [tilespmem:s13+$0xFFFFFF10];
	v2 =	vmul.f32 $1.442695020e+00, v2  }
0x12d: {  	(erf) = vpow2.f32 v4;
	v4 =	vld [tilespmem:s13+$0xFFFFFF60]  }
0x12e: {  	v11 =	vadd.f32 v12, v11;
	v12 =	vld [tilespmem:s2+$0xFFFFFFF0]  }
0x12f: {  	v7 =	vld [tilespmem:s13+$0x0];
	(erf) = vpow2.f32 v2;
	v6 =	vmul.f32 v1, v6  }
0x130: {  	v9 =	vld [tilespmem:s13+$0x50];
	v2 =	vpop (erf)  }
0x131: {  	v28 =	vmin.f32 v16, $0.0e+00;
	v10 =	vld [tilespmem:s13+$0xA0];
	v25 =	vmin.f32 v11, $0.0e+00;
	v3 =	vmul.f32 v2, v3;
	v18 =	vpop (erf);
	[tilespmem:s21+$0x100] =	vst v6  }
0x132: {  	v11 =	vmax.f32 v11, $0.0e+00;
	v25 =	vmul.f32 $2.000000030e-01, v25;
	v4 =	vmul.f32 v18, v4;
	v21 =	vpop (erf);
	v6 =	vld [tilespmem:s13+$0x110]  }
0x133: {  	[tilespmem:s21+$0xFFFFFF10] =	vst v3;
	v3 =	vmul.f32 v21, v5;
	v20 =	vpop (erf);
	v12 =	vadd.f32 v24, v12;
	v24 =	vmul.f32 $2.000000030e-01, v28;
	v28 =	vld [tilespmem:s6+$0x20]  }
0x134: {  	v11 =	vadd.f32 v25, v11;
	v25 =	vmin.f32 v14, $0.0e+00;
	v5 =	vld [tilespmem:s13+$0xFFFFFF20];
	[tilespmem:s21+$0xFFFFFF60] =	vst v4;
	v4 =	vmul.f32 v20, v7;
	v19 =	vpop (erf)  }
0x135: {  	v16 =	vmax.f32 v16, $0.0e+00;
	v25 =	vmul.f32 $2.000000030e-01, v25;
	v7 =	vmul.f32 v19, v8;
	v8 =	vld [tilespmem:s13+$0xFFFFFF70];
	[tilespmem:s21+$0xFFFFFFB0] =	vst v3  }
0x136: {  	v17 =	vadd.f32 v27, v17;
	v27 =	vmax.f32 v15, $0.0e+00;
	v14 =	vmax.f32 v14, $0.0e+00;
	v22 =	vpop (erf);
	v3 =	vld [tilespmem:s13+$0xFFFFFFC0]  }
0x137: {  	v11 =	vmul.f32 $1.442695020e+00, v11;
	[tilespmem:s21+$0x0] =	vst v4;
	v4 =	vmul.f32 v22, v9;
	v14 =	vadd.f32 v25, v14;
	v25 =	vld [tilespmem:s2+$0xFFFFFF00]  }
0x138: {  	v15 =	vmin.f32 v15, $0.0e+00;
	v31 =	vmax.f32 v17, $0.0e+00;
	v23 =	vpop (erf);
	[tilespmem:s21+$0xFFFFFEC0] =	vst v7;
	v7 =	vld [tilespmem:s13+$0x10];
	v6 =	vmul.f32 v1, v6  }
0x139: {  	v9 =	vmul.f32 v23, v10;
	(erf) = vpow2.f32 v11;
	v11 =	vmin.f32 v12, $0.0e+00;
	v10 =	vld [tilespmem:s13+$0xFFFFFED0];
	[tilespmem:s21+$0x50] =	vst v4  }
0x13a: {  	v16 =	vadd.f32 v24, v16;
	v11 =	vmul.f32 $2.000000030e-01, v11;
	v4 =	vmul.f32 v2, v5;
	v5 =	vld [tilespmem:s13+$0x60];
	[tilespmem:s21+$0x110] =	vst v6  }
0x13b: {  	v12 =	vmax.f32 v12, $0.0e+00;
	v14 =	vmul.f32 $1.442695020e+00, v14;
	[tilespmem:s21+$0xA0] =	vst v9;
	v6 =	vmul.f32 v18, v8;
	v8 =	vld [tilespmem:s13+$0x120]  }
0x13c: {  	v11 =	vadd.f32 v11, v12;
	v12 =	vmul.f32 $2.000000030e-01, v15;
	[tilespmem:s21+$0xFFFFFF20] =	vst v4;
	v4 =	vld [tilespmem:s13+$0xB0];
	v3 =	vmul.f32 v21, v3  }
0x13d: {  	v24 =	vld [tilespmem:s2+$0xFFFFFF10];
	(erf) = vpow2.f32 v14;
	v13 =	vadd.f32 v13, v25;
	[tilespmem:s21+$0xFFFFFF70] =	vst v6;
	v7 =	vmul.f32 v20, v7  }
0x13e: {  	v9 =	vld [tilespmem:s13+$0xFFFFFF30];
	v10 =	vmul.f32 v19, v10;
	[tilespmem:s21+$0xFFFFFFC0] =	vst v3;
	v3 =	vmin.f32 v17, $0.0e+00;
	v17 =	vadd.f32 v28, v29  }
0x13f: {  	v25 =	vld [tilespmem:s2+$0xF0];
	v5 =	vmul.f32 v22, v5;
	[tilespmem:s21+$0x10] =	vst v7;
	v7 =	vadd.f32 v12, v27;
	v3 =	vmul.f32 $2.000000030e-01, v3  }
0x140: {  	v6 =	vld [tilespmem:s13+$0xFFFFFF80];
	v12 =	vmul.f32 $1.442695020e+00, v16;
	[tilespmem:s21+$0xFFFFFED0] =	vst v10;
	v10 =	vmax.f32 v17, $0.0e+00;
	v16 =	vmin.f32 v17, $0.0e+00  }
0x141: {  	v15 =	vld [tilespmem:s2+$0xFFFFFFB0];
	v17 =	vmin.f32 v13, $0.0e+00;
	v8 =	vmul.f32 v8, v1;
	v4 =	vmul.f32 v23, v4  }
0x142: {  	v28 =	vld [tilespmem:s2+$0x50];
	[tilespmem:s21+$0x60] =	vst v5;
	v5 =	vmax.f32 v13, $0.0e+00;
	v13 =	vmul.f32 $2.000000030e-01, v16;
	v17 =	vmul.f32 $2.000000030e-01, v17  }
0x143: {  	v3 =	vadd.f32 v3, v31;
	v9 =	vmul.f32 v2, v9;
	[tilespmem:s21+$0x120] =	vst v8;
	v8 =	vmul.f32 $1.442695020e+00, v11;
	v16 =	vpop (erf);
	v11 =	vld [tilespmem:s13+$0xFFFFFEE0]  }
0x144: {  	v14 =	vld [tilespmem:s13+$0xFFFFFFD0];
	[tilespmem:s21+$0xB0] =	vst v4;
	v4 =	vmul.f32 $1.442695020e+00, v7;
	v5 =	vadd.f32 v17, v5;
	v7 =	vmul.f32 v16, v25  }
0x145: {  	s12 =	simm.s32 $0xDDC0;
	(erf) = vpow2.f32 v12;
	v6 =	vmul.f32 v18, v6;
	[tilespmem:s21+$0xFFFFFF30] =	vst v9;
	v9 =	vadd.f32 v13, v10;
	v10 =	vld [tilespmem:s13+$0x20]  }
0x146: {  	v1 =	vnsel vm0, $0x0, v1;
	v5 =	vmul.f32 $1.442695020e+00, v5;
	(erf) = vpow2.f32 v8;
	[tilespmem:s12+$0xF0] =	vst v7;
	v7 =	vld [tilespmem:s13+$0x70]  }
0x147: {  	[tilespmem:s21+$0x130] =	vst v1;
	v3 =	vmul.f32 $1.442695020e+00, v3;
	(erf) = vpow2.f32 v4;
	v8 =	vld [tilespmem:s2+$0x100]  }
0x148: {  	[tilespmem:s21+$0xFFFFFF80] =	vst v6;
	v17 =	vld [tilespmem:s13+$0xFFFFFF40];
	v4 =	vnsel vm0, $0x0, v2;
	(erf) = vpow2.f32 v5;
	v1 =	vmul.f32 v19, v11  }
0x149: {  	v5 =	vld [tilespmem:s13+$0xC0];
	[tilespmem:s21+$0xFFFFFF50] =	vst v4;
	(erf) = vpow2.f32 v3;
	v3 =	vmul.f32 v21, v14  }
0x14a: {  	v29 =	vld [tilespmem:s2+$0xA0];
	v6 =	vmul.f32 $1.442695020e+00, v9;
	v4 =	vmul.f32 v20, v10;
	[tilespmem:s21+$0xFFFFFEE0] =	vst v1  }
0x14b: {  	v27 =	vld [tilespmem:s2+$0x0];
	[tilespmem:s21+$0xFFFFFFD0] =	vst v3;
	v3 =	vmul.f32 v22, v7  }
0x14c: {  	v31 =	vld [tilespmem:s13+$0xFFFFFF90];
	(erf) = vpow2.f32 v6;
	[tilespmem:s21+$0x20] =	vst v4;
	v6 =	vmul.f32 v16, v8;
	v1 =	vpop (erf)  }
0x14d: {  	v57 =	vld [tilespmem:s13+$0xFFFFFEF0];
	v4 =	vmul.f32 v1, v24;
	[tilespmem:s21+$0x70] =	vst v3  }
0x14e: {  	v58 =	vld [tilespmem:s13+$0xFFFFFFE0];
	v5 =	vmul.f32 v23, v5;
	v7 =	vpop (erf);
	[tilespmem:s12+$0x100] =	vst v6  }
0x14f: {  	v60 =	vld [tilespmem:s13+$0x80];
	[tilespmem:s12+$0xFFFFFF10] =	vst v4;
	v4 =	vmul.f32 v7, v30  }
0x150: {  	[tilespmem:s21+$0xC0] =	vst v5;
	v24 =	vld [tilespmem:s2+$0x110]  }
0x151: {  	v61 =	vld [tilespmem:s13+$0xD0];
	v6 =	vpop (erf)  }
0x152: {  	v13 =	vnsel vm0, $0x0, v19;
	v59 =	vld [tilespmem:s13+$0x30];
	v12 =	vmul.f32 v6, v15;
	v3 =	vpop (erf)  }
0x153: {  	v9 =	vnsel vm0, $0x0, v20;
	v11 =	vnsel vm0, $0x0, v22;
	v30 =	vld [tilespmem:s2+$0xFFFFFF20];
	[tilespmem:s12+$0xFFFFFF60] =	vst v4;
	v14 =	vmul.f32 v3, v27;
	v4 =	vpop (erf)  }
0x154: {  	v10 =	vnsel vm0, $0x0, v21;
	v25 =	vmul.f32 v17, v2;
	v37 =	vld [tilespmem:s2+$0xFFFFFF70];
	[tilespmem:s12+$0xFFFFFFB0] =	vst v12;
	v26 =	vmul.f32 v4, v26;
	v5 =	vpop (erf)  }
0x155: {  	v8 =	vnsel vm0, $0x0, v18;
	v22 =	vmul.f32 v60, v22;
	v38 =	vld [tilespmem:s2+$0xFFFFFFC0];
	[tilespmem:s12+$0x0] =	vst v14;
	v27 =	vmul.f32 v5, v28  }
0x156: {  	v12 =	vnsel vm0, $0x0, v23;
	v24 =	vmul.f32 v16, v24;
	v23 =	vmul.f32 v61, v23;
	v2 =	vpop (erf);
	v39 =	vld [tilespmem:s2+$0x10];
	[tilespmem:s12+$0xFFFFFEC0] =	vst v26  }
0x157: {  	v17 =	vnsel vm0, $0x0, v7;
	v28 =	vmul.f32 v57, v19;
	v29 =	vmul.f32 v2, v29;
	v40 =	vld [tilespmem:s2+$0xFFFFFED0];
	[tilespmem:s12+$0x50] =	vst v27  }
0x158: {  	v15 =	vnsel vm0, $0x0, v16;
	v62 =	vmul.f32 v1, v30;
	v26 =	vmul.f32 v31, v18;
	[tilespmem:s12+$0x110] =	vst v24;
	v30 =	vld [tilespmem:s2+$0x60]  }
0x159: {  	v14 =	vnsel vm0, $0x0, v1;
	v27 =	vmul.f32 v58, v21;
	v21 =	vmul.f32 v7, v37;
	v31 =	vld [tilespmem:s2+$0x120];
	[tilespmem:s12+$0xA0] =	vst v29  }
0x15a: {  	v19 =	vnsel vm0, $0x0, v3;
	v18 =	vnsel vm0, $0x0, v6;
	[tilespmem:s12+$0xFFFFFF20] =	vst v62;
	v63 =	vmul.f32 v6, v38;
	v32 =	vld [tilespmem:s2+$0xB0]  }
0x15b: {  	v24 =	vnsel vm0, $0x0, v4;
	v29 =	vmul.f32 v59, v20;
	v33 =	vld [tilespmem:s2+$0xFFFFFF30];
	[tilespmem:s12+$0xFFFFFF70] =	vst v21;
	v36 =	vmul.f32 v3, v39  }
0x15c: {  	s14 =	simm.s32 $0x8040;
	s13 =	simm.s32 $0x8;
	v20 =	vnsel vm0, $0x0, v5;
	v21 =	vnsel vm0, $0x0, v2;
	v34 =	vld [tilespmem:s2+$0xFFFFFF80];
	[tilespmem:s12+$0xFFFFFFC0] =	vst v63;
	v35 =	vmul.f32 v4, v40  }
.LBB2_7:
0x15d: {  	v37 =	vld [tilespmem:s14+$0x130];
	[tilespmem:s12+$0x10] =	vst v36;
	v30 =	vmul.f32 v5, v30;
	s6 =	sadd.s32 $0x80, s6  }
0x15e: {  	s13 =	sadd.s32 $0x8, s13;
	v36 =	vld [tilespmem:s6+$0x30];
	[tilespmem:s12+$0xFFFFFED0] =	vst v35;
	v16 =	vmul.f32 v31, v16  }
0x15f: {  	p0 =	slt.u32 s13, $0x78;
	v31 =	vld [tilespmem:s6+$0xFFFFFFC0];
	[tilespmem:s12+$0x60] =	vst v30;
	v30 =	vmul.f32 v2, v32  }
0x160: {  	v32 =	vld [tilespmem:s14+$0xFFFFFF50];
	v33 =	vmul.f32 v1, v33;
	[tilespmem:s12+$0x120] =	vst v16  }
0x161: {  	v16 =	vld [tilespmem:s6+$0xFFFFFFD0];
	v34 =	vmul.f32 v7, v34;
	[tilespmem:s12+$0xB0] =	vst v30  }
0x162: {  	v30 =	vld [tilespmem:s14+$0xFFFFFFA0];
	[tilespmem:s12+$0xFFFFFF30] =	vst v33  }
0x163: {  	v33 =	vld [tilespmem:s6+$0xFFFFFFE0];
	v35 =	vadd.f32 v36, v37;
	[tilespmem:s12+$0xFFFFFF80] =	vst v34  }
0x164: {  	v34 =	vld [tilespmem:s14+$0xFFFFFFF0];
	[tilespmem:s21+$0xFFFFFEF0] =	vst v28  }
0x165: {  	v28 =	vld [tilespmem:s6+$0xFFFFFFF0];
	v36 =	vmin.f32 v35, $0.0e+00;
	[tilespmem:s21+$0xFFFFFF40] =	vst v25  }
0x166: {  	v16 =	vadd.f32 v16, v32;
	v25 =	vld [tilespmem:s14+$0x40];
	v32 =	vmul.f32 $2.000000030e-01, v36;
	[tilespmem:s21+$0xFFFFFF90] =	vst v26  }
0x167: {  	v35 =	vmax.f32 v35, $0.0e+00;
	v26 =	vld [tilespmem:s6+$0x0];
	[tilespmem:s21+$0xFFFFFFE0] =	vst v27  }
0x168: {  	v27 =	vmin.f32 v16, $0.0e+00;
	v30 =	vadd.f32 v33, v30;
	v33 =	vld [tilespmem:s14+$0x90];
	v32 =	vadd.f32 v32, v35;
	[tilespmem:s21+$0x30] =	vst v29  }
0x169: {  	v16 =	vmax.f32 v16, $0.0e+00;
	v27 =	vmul.f32 $2.000000030e-01, v27;
	v29 =	vld [tilespmem:s6+$0x10];
	[tilespmem:s21+$0x80] =	vst v22  }
0x16a: {  	v22 =	vmin.f32 v30, $0.0e+00;
	v28 =	vadd.f32 v28, v34;
	v34 =	vld [tilespmem:s14+$0xE0];
	v32 =	vmul.f32 $1.442695020e+00, v32;
	[tilespmem:s21+$0xD0] =	vst v23  }
0x16b: {  	v23 =	vmax.f32 v30, $0.0e+00;
	v16 =	vadd.f32 v27, v16;
	v27 =	vmul.f32 $2.000000030e-01, v22;
	v30 =	vld [tilespmem:s6+$0x20];
	[tilespmem:s21+$0xFFFFFF00] =	vst v13;
	v13 =	vmovc v24  }
0x16c: {  	v24 =	vld [tilespmem:s14+$0xFFFFFF00];
	v35 =	vmin.f32 v28, $0.0e+00;
	v25 =	vadd.f32 v26, v25;
	(erf) = vpow2.f32 v32;
	[tilespmem:s21+$0xFFFFFFA0] =	vst v8;
	v8 =	vmovc v17  }
0x16d: {  	v22 =	vld [tilespmem:s14+$0xFFFFFEC0];
	v17 =	vadd.f32 v27, v23;
	v23 =	vmax.f32 v28, $0.0e+00;
	v26 =	vmul.f32 $2.000000030e-01, v35;
	[tilespmem:s21+$0xFFFFFFF0] =	vst v10;
	v10 =	vmovc v18  }
0x16e: {  	v18 =	vld [tilespmem:s14+$0xFFFFFF10];
	v27 =	vmax.f32 v25, $0.0e+00;
	v25 =	vmin.f32 v25, $0.0e+00;
	v28 =	vadd.f32 v29, v33;
	[tilespmem:s21+$0x40] =	vst v9;
	v9 =	vmovc v19  }
0x16f: {  	v16 =	vmul.f32 $1.442695020e+00, v16;
	v19 =	vld [tilespmem:s14+$0xFFFFFF60];
	v23 =	vadd.f32 v26, v23;
	v25 =	vmul.f32 $2.000000030e-01, v25;
	[tilespmem:s21+$0x90] =	vst v11;
	v11 =	vmovc v20  }
0x170: {  	v20 =	vld [tilespmem:s14+$0xFFFFFFB0];
	v26 =	vmax.f32 v28, $0.0e+00;
	v28 =	vmin.f32 v28, $0.0e+00;
	v29 =	vadd.f32 v30, v34;
	[tilespmem:s21+$0xE0] =	vst v12;
	v12 =	vmovc v21;
	s21 =	smov.u32 s12  }
0x171: {  	v21 =	vadd.f32 v31, v24;
	v24 =	vadd.f32 v25, v27;
	v25 =	vmul.f32 $2.000000030e-01, v28;
	v27 =	vld [tilespmem:s14+$0xF0];
	[tilespmem:s12+$0x130] =	vst v15  }
0x172: {  	v17 =	vmul.f32 $1.442695020e+00, v17;
	v30 =	vld [tilespmem:s14+$0x0];
	v15 =	vmax.f32 v29, $0.0e+00;
	v28 =	vmin.f32 v29, $0.0e+00  }
0x173: {  	v29 =	vmax.f32 v21, $0.0e+00;
	v21 =	vmin.f32 v21, $0.0e+00;
	v31 =	vld [tilespmem:s14+$0x50];
	v28 =	vmul.f32 $2.000000030e-01, v28  }
0x174: {  	v23 =	vmul.f32 $1.442695020e+00, v23;
	v25 =	vadd.f32 v25, v26;
	v21 =	vmul.f32 $2.000000030e-01, v21;
	v32 =	vld [tilespmem:s14+$0xA0]  }
0x175: {  	v24 =	vmul.f32 $1.442695020e+00, v24;
	v15 =	vadd.f32 v28, v15;
	(erf) = vpow2.f32 v16;
	v16 =	vpop (erf);
	v26 =	vld [tilespmem:s2+$0xFFFFFEE0]  }
0x176: {  	v25 =	vmul.f32 $1.442695020e+00, v25;
	v21 =	vadd.f32 v21, v29;
	v27 =	vmul.f32 v16, v27;
	v28 =	vld [tilespmem:s2+$0xFFFFFFD0]  }
0x177: {  	s12 =	sadd.s32 $0x280, s12;
	v29 =	vmul.f32 $1.442695020e+00, v15;
	v15 =	vnsel vm0, $0x0, v16;
	(erf) = vpow2.f32 v17;
	v17 =	vld [tilespmem:s2+$0x20]  }
0x178: {  	v21 =	vmul.f32 $1.442695020e+00, v21;
	[tilespmem:s12+$0xF0] =	vst v27;
	(erf) = vpow2.f32 v23;
	v23 =	vld [tilespmem:s2+$0x70]  }
0x179: {  	v27 =	vld [tilespmem:s14+$0x100];
	(erf) = vpow2.f32 v24  }
0x17a: {  	(erf) = vpow2.f32 v21;
	v21 =	vmul.f32 v4, v26;
	v24 =	vld [tilespmem:s2+$0xC0]  }
0x17b: {  	(erf) = vpow2.f32 v25;
	v25 =	vld [tilespmem:s2+$0xFFFFFF40];
	[tilespmem:s21+$0xFFFFFF50] =	vst v14;
	v14 =	vmul.f32 v6, v28  }
0x17c: {  	(erf) = vpow2.f32 v29;
	[tilespmem:s21+$0xFFFFFEE0] =	vst v21;
	v21 =	vld [tilespmem:s2+$0xFFFFFF90];
	v17 =	vmul.f32 v3, v17  }
0x17d: {  	v28 =	vld [tilespmem:s2+$0xFFFFFEF0];
	[tilespmem:s21+$0xFFFFFFD0] =	vst v14;
	v23 =	vmul.f32 v5, v23  }
0x17e: {  	v26 =	vmul.f32 v16, v27;
	v27 =	vpop (erf);
	v29 =	vld [tilespmem:s2+$0xFFFFFFE0];
	[tilespmem:s21+$0x20] =	vst v17  }
0x17f: {  	v17 =	vmul.f32 v27, v18;
	v14 =	vnsel vm0, $0x0, v27;
	v33 =	vld [tilespmem:s2+$0x30];
	[tilespmem:s21+$0x70] =	vst v23;
	v23 =	vmul.f32 v2, v24  }
0x180: {  	[tilespmem:s12+$0x100] =	vst v26;
	v34 =	vpop (erf);
	v25 =	vmul.f32 v25, v1;
	v35 =	vld [tilespmem:s2+$0x80];
	v1 =	vmov v27  }
0x181: {  	[tilespmem:s12+$0xFFFFFF10] =	vst v17;
	v19 =	vmul.f32 v34, v19;
	v17 =	vnsel vm0, $0x0, v34;
	v36 =	vld [tilespmem:s14+$0x110];
	v37 =	vpop (erf);
	v26 =	vmul.f32 v21, v7  }
0x182: {  	v38 =	vld [tilespmem:s14+$0xFFFFFF20];
	v7 =	vmul.f32 v37, v20;
	v18 =	vnsel vm0, $0x0, v37;
	v39 =	vpop (erf);
	v28 =	vmul.f32 v28, v4;
	[tilespmem:s21+$0xC0] =	vst v23  }
0x183: {  	[tilespmem:s12+$0xFFFFFF60] =	vst v19;
	v20 =	vmul.f32 v39, v30;
	v19 =	vnsel vm0, $0x0, v39;
	v4 =	vpop (erf);
	v27 =	vmul.f32 v29, v6;
	v23 =	vld [tilespmem:s2+$0xD0];
	s2 =	smov.u32 s14  }
0x184: {  	v41 =	vmul.f32 v4, v22;
	v24 =	vnsel vm0, $0x0, v4;
	v40 =	vld [tilespmem:s14+$0xFFFFFF70];
	[tilespmem:s12+$0xFFFFFFB0] =	vst v7;
	v30 =	vpop (erf);
	v29 =	vmul.f32 v33, v3  }
0x185: {  	v33 =	vld [tilespmem:s14+$0xFFFFFFC0];
	[tilespmem:s12+$0x0] =	vst v20;
	v42 =	vmul.f32 v30, v31;
	v20 =	vnsel vm0, $0x0, v30;
	v31 =	vpop (erf);
	v22 =	vmul.f32 v35, v5  }
0x186: {  	[tilespmem:s12+$0xFFFFFEC0] =	vst v41;
	v35 =	vld [tilespmem:s14+$0x10];
	v32 =	vmul.f32 v31, v32;
	v21 =	vnsel vm0, $0x0, v31;
	v36 =	vmul.f32 v16, v36;
	v7 =	vmovc v34  }
0x187: {  	v6 =	vmovc v37;
	v3 =	vmov v39;
	v5 =	vmov v30;
	v34 =	vld [tilespmem:s14+$0xFFFFFED0];
	v38 =	vmul.f32 v1, v38;
	[tilespmem:s12+$0x50] =	vst v42  }
.Ltmp2:
0x188: {  	v30 =	vld [tilespmem:s14+$0x60];
	[tilespmem:s12+$0x110] =	vst v36;
	v23 =	vmul.f32 v23, v2;
	v2 =	vmov v31;
	(pc) =	sbr.rel @p0 .LBB2_7-.Ltmp2, $4  }
0x189: {  	v36 =	vmul.f32 v7, v40;
	[tilespmem:s12+$0xA0] =	vst v32;
	v31 =	vld [tilespmem:s14+$0x120]  }
0x18a: {  	[tilespmem:s12+$0xFFFFFF20] =	vst v38;
	v37 =	vmul.f32 v6, v33;
	v32 =	vld [tilespmem:s14+$0xB0]  }
0x18b: {  	v33 =	vld [tilespmem:s14+$0xFFFFFF30];
	[tilespmem:s12+$0xFFFFFF70] =	vst v36;
	v36 =	vmul.f32 v3, v35  }
0x18c: {  	s14 =	sadd.s32 $0x280, s14;
	v35 =	vmul.f32 v4, v34;
	v34 =	vld [tilespmem:s2+$0xFFFFFF80];
	[tilespmem:s12+$0xFFFFFFC0] =	vst v37  }
0x18d: {  	[tilespmem:s12+$0x10] =	vst v36  }
0x18e: {  	[tilespmem:s21+$0xFFFFFEF0] =	vst v28  }
0x18f: {  	[tilespmem:s21+$0xFFFFFF40] =	vst v25  }
0x190: {  	[tilespmem:s21+$0xFFFFFF90] =	vst v26  }
0x191: {  	[tilespmem:s21+$0xFFFFFFE0] =	vst v27  }
0x192: {  	[tilespmem:s21+$0x30] =	vst v29  }
0x193: {  	[tilespmem:s21+$0x80] =	vst v22  }
0x194: {  	[tilespmem:s21+$0xD0] =	vst v23  }
0x195: {  	[tilespmem:s21+$0xFFFFFF00] =	vst v13  }
0x196: {  	[tilespmem:s21+$0xFFFFFFA0] =	vst v8  }
0x197: {  	[tilespmem:s21+$0xFFFFFFF0] =	vst v10  }
0x198: {  	[tilespmem:s21+$0x40] =	vst v9  }
0x199: {  	[tilespmem:s21+$0x90] =	vst v11  }
0x19a: {  	[tilespmem:s21+$0xE0] =	vst v12  }
0x19b: {  	v30 =	vmul.f32 v5, v30;
	[tilespmem:s12+$0x130] =	vst v15  }
0x19c: {  	v49 =	vld [tilespmem:s2+$0xFFFFFFD0];
	[tilespmem:s12+$0xFFFFFED0] =	vst v35;
	v16 =	vmul.f32 v31, v16  }
0x19d: {  	[tilespmem:s12+$0x60] =	vst v30;
	v45 =	vmul.f32 v2, v32  }
0x19e: {  	v50 =	vld [tilespmem:s2+$0x20];
	v46 =	vmul.f32 v1, v33;
	[tilespmem:s12+$0x120] =	vst v16  }
0x19f: {  	v47 =	vmul.f32 v7, v34;
	[tilespmem:s12+$0xB0] =	vst v45  }
0x1a0: {  	v48 =	vld [tilespmem:s2+$0xFFFFFEE0];
	[tilespmem:s12+$0xFFFFFF30] =	vst v46  }
0x1a1: {  	v51 =	vld [tilespmem:s2+$0x70];
	v8 =	vmul.f32 v6, v49;
	[tilespmem:s12+$0xFFFFFF80] =	vst v47  }
0x1a2: {  	v55 =	vld [tilespmem:s2+$0xFFFFFF40];
	[tilespmem:s12+$0xFFFFFF50] =	vst v14  }
0x1a3: {  	v10 =	vmul.f32 v3, v50;
	[tilespmem:s12+$0xFFFFFFD0] =	vst v8  }
0x1a4: {  	v56 =	vld [tilespmem:s2+$0xFFFFFF90];
	[tilespmem:s12+$0xFFFFFFA0] =	vst v17  }
0x1a5: {  	v53 =	vld [tilespmem:s2+$0xC0];
	v52 =	vmul.f32 v4, v48;
	[tilespmem:s12+$0x20] =	vst v10  }
0x1a6: {  	v58 =	vld [tilespmem:s2+$0xFFFFFFE0];
	[tilespmem:s12+$0xFFFFFFF0] =	vst v18  }
0x1a7: {  	v57 =	vmul.f32 v5, v51;
	[tilespmem:s12+$0xFFFFFEE0] =	vst v52  }
0x1a8: {  	v60 =	vld [tilespmem:s2+$0x30];
	[tilespmem:s12+$0x40] =	vst v19  }
0x1a9: {  	[tilespmem:s12+$0x70] =	vst v57  }
0x1aa: {  	v54 =	vld [tilespmem:s2+$0xFFFFFEF0];
	v59 =	vmul.f32 v2, v53;
	[tilespmem:s12+$0xFFFFFF00] =	vst v24  }
0x1ab: {  	v8 =	vld [tilespmem:s2+$0x80];
	v1 =	vmul.f32 v55, v1;
	[tilespmem:s12+$0x90] =	vst v20  }
0x1ac: {  	[tilespmem:s12+$0xC0] =	vst v59  }
0x1ad: {  	v62 =	vmul.f32 v56, v7;
	v10 =	vld [tilespmem:s2+$0xD0];
	[tilespmem:s12+$0xFFFFFF40] =	vst v1  }
0x1ae: {  	v63 =	vmul.f32 v58, v6;
	[tilespmem:s12+$0xE0] =	vst v21  }
0x1af: {  	s0 =	sadd.s32 $0x1, s0;
	v1 =	vmul.f32 v60, v3;
	[tilespmem:s12+$0xFFFFFF90] =	vst v62  }
0x1b0: {  	p0 =	sne.s32 s0, $0x29;
	v61 =	vmul.f32 v54, v4;
	[tilespmem:s12+$0xFFFFFFE0] =	vst v63  }
.Ltmp3:
0x1b1: {  	v3 =	vmul.f32 v8, v5;
	[tilespmem:s12+$0x30] =	vst v1;
	(pc) =	sbr.rel @p0 .LBB2_4-.Ltmp3, $4  }
0x1b2: {  	[tilespmem:s12+$0xFFFFFEF0] =	vst v61;
	v2 =	vmul.f32 v10, v2  }
0x1b3: {  	[tilespmem:s12+$0x80] =	vst v3  }
0x1b4: {  	[tilespmem:s12+$0xD0] =	vst v2  }
0x1b5: {  	[spmem:s1] =	stream.indirect.scatter.add.f32 [tilespmem:s28], [sflag:$0x4], $0x50, s3, s20, $0xb8;
	[tilespmem:$0x1CA00] =	vst v63  }
0x1b6: {  	_ =	swait.ge [sflag:s29], $0x2800  }
0x1b7: {  	[sflag:s29] =	ssyncset.done $0x0  }
0x1b8: {  	[sflag:s29] =	ssyncadd.s32 $0xFFFFD800  }
0x1b9: {  	_ =	swait.ge [sflag:s30], $0x2800  }
0x1ba: {  	[sflag:s30] =	ssyncset.done $0x0  }
0x1bb: {  	s0 =	stileid.u32;
	[sflag:s30] =	ssyncadd.s32 $0xFFFFD800  }
0x1bc: {  	s0 =	sshll.u32 s0, $0x6;
	[bflag:$0x0] =	sbarrier.arrive $0xFFFF  }
0x1bd: {  	s2 =	sshrl.u32 s7, $0x3;
	s0 =	sor.u32 $0x1C05, s0;
	s3 =	rddreg [dreg:$0x4]  }
0x1be: {  	[hbm:s3], [sflag:s0] =	dma.local [spmem:s2], $0x500  }
0x1bf: {  	_ =	swait.ge [sflag:s18], $0x500  }
0x1c0: {  	[sflag:s18] =	ssyncset.done $0x0  }
0x1c1: {  	s6 =	sshrl.u32 s8, $0x3;
	s12 =	rddreg [dreg:$0x5];
	[sflag:s18] =	ssyncadd.s32 $0xFFFFFB00  }
0x1c2: {  	[hbm:s12], [sflag:s0] =	dma.local [spmem:s6], $0x500  }
0x1c3: {  	_ =	swait.ge [sflag:s18], $0x500  }
0x1c4: {  	[sflag:s18] =	ssyncset.done $0x0  }
0x1c5: {  	s13 =	sshrl.u32 s9, $0x3;
	s14 =	rddreg [dreg:$0x6];
	[sflag:s18] =	ssyncadd.s32 $0xFFFFFB00  }
0x1c6: {  	[hbm:s14], [sflag:s0] =	dma.local [spmem:s13], $0x500  }
0x1c7: {  	_ =	swait.ge [sflag:s18], $0x500  }
0x1c8: {  	[sflag:s18] =	ssyncset.done $0x0  }
0x1c9: {  	s21 =	sshrl.u32 s10, $0x3;
	[sflag:s18] =	ssyncadd.s32 $0xFFFFFB00  }
0x1ca: {  	[hbm:s15], [sflag:s0] =	dma.local [spmem:s21], $0x500  }
0x1cb: {  	s31 =	sadd.s32 $0x1, s31;
	_ =	swait.ge [sflag:s18], $0x500  }
0x1cc: {  	p0 =	sne.s32 s31, s17;
	[sflag:s18] =	ssyncset.done $0x0  }
.Ltmp4:
0x1cd: {  	s22 =	sshrl.u32 s11, $0x3;
	[sflag:s18] =	ssyncadd.s32 $0xFFFFFB00;
	(pc) =	sbr.rel @p0 .LBB2_1-.Ltmp4, $4  }
0x1ce: {  	[hbm:s16], [sflag:s0] =	dma.local [spmem:s22], $0x500  }
0x1cf: {  	_ =	swait.ge [sflag:s18], $0x500  }
0x1d0: {  	[sflag:s18] =	ssyncset.done $0x0  }
0x1d1: {  	[sflag:s18] =	ssyncadd.s32 $0xFFFFFB00  }
0x1d2: {  	_ =	sfence.sel $0x180000  }
0x1d3: {  	[bflag:$0x0] =	sbarrier.arrive $0xFFFF  }
0x1d4: {  	_ =	strace $0x90000047  }
0x1d5: {  	s0 =	stileid.u32;
	[bflag:$0x2] =	sbarrier.arrive $0xFFFF  }
0x1d6: {  	p0 =	sne.s32 s0, $0x0;
	s0 =	rddreg [dreg:$0x2]  }
0x1d7: {  	s0 =	sadd.s32 @!p0 $0x100000, s0  }
0x1d8: {  	[sflag:s0] =	ssyncadd.tile.s32 @!p0 $0x1;
	_ =	shalt  }
.Lfunc_end2:
_tile_overlayer_lowered:
.L_overlay_start_2:
0x1d9: {  	(tag) =	ssettag $0x2  }
0x1da: {  	s0 =	rddreg [dreg:$0x0];
	s2 =	stileid.u32  }
0x1db: {  	s1 =	rddreg [dreg:$0x1];
	p0 =	sne.s32 s2, $0x0  }
0x1dc: {  	s3 =	rddreg [dreg:$0x2];
	[bflag:$0x3] =	sbarrier.arrive $0xFFFF;
	s2 =	simm.s32 @!p0 $0x1C05  }
0x1dd: {  	[timem:s3], [sflag:s2] =	dma.local @!p0 [hbm:s0], s1  }
0x1de: {  	s0 =	simm.s32 @!p0 $0x5  }
0x1df: {  	_ =	swait.ge @!p0 [sflag:s0], s1  }
0x1e0: {  	s1 =	ssub.s32 @!p0 $0x0, s1;
	[sflag:s0] =	ssyncset.done @!p0 $0x0  }
0x1e1: {  	[sflag:s0] =	ssyncadd.s32 @!p0 s1  }
0x1e2: {  	[bflag:$0x3] =	sbarrier.arrive $0xFFFF  }
0x1e3: {  	_ =	shalt  }

</sc_bundles>
